<compile_context>
chip_gen: v7x
topology: tpu7x:2x2x1
jax: 0.10.2.dev20260603
libtpu: 0.0.44.dev20260713+nightly
codegen_flags: <defaults>
</compile_context>

<pallas_src>
import functools

import jax
import jax.numpy as jnp
from jax.experimental import pallas as pl
from jax.experimental.pallas import tpu as pltpu
from jax.experimental.pallas import tpu_sc as plsc

_EPS = 1e-5


def _softplus(x):
    return jnp.maximum(x, 0.0) + jnp.log1p(jnp.exp(-jnp.abs(x)))


def _sigmoid(x):
    return 1.0 / (1.0 + jnp.exp(-x))


def _tile(total, target, mult=8):
    best = None
    for d in range(1, int(total**0.5) + 1):
        if total % d == 0:
            for c in (d, total // d):
                if c <= target and c % mult == 0 and (best is None or c > best):
                    best = c
    if best is None:
        raise ValueError(f"no tile for {total} <= {target} mult {mult}")
    return best


def _embed(x, emb_pad, offs):
    n, f = x.shape
    k, atom = emb_pad.shape
    r = _tile(n, 1024)

    def body(x_ref, t_ref, off_ref, o_ref):
        idx = x_ref[...] + off_ref[...]
        iota = jax.lax.broadcasted_iota(jnp.int32, (r, k), 1)
        oh = jnp.zeros((r, k), jnp.float32)
        for j in range(f):
            oh = oh + (iota == idx[:, j : j + 1]).astype(jnp.float32)
        o_ref[...] = jnp.dot(oh, t_ref[...], preferred_element_type=jnp.float32)

    return pl.pallas_call(
        body,
        grid=(n // r,),
        in_specs=[
            pl.BlockSpec((r, f), lambda i: (i, 0)),
            pl.BlockSpec((k, atom), lambda i: (0, 0)),
            pl.BlockSpec((1, f), lambda i: (0, 0)),
        ],
        out_specs=pl.BlockSpec((r, atom), lambda i: (i, 0)),
        out_shape=jax.ShapeDtypeStruct((n, atom), jnp.float32),
    )(x, emb_pad, offs)


def _prep_uv(h, w2):
    n, atom = h.shape
    cols = w2.shape[2]
    r = _tile(n, 2048)
    g = n // r

    def body(h_ref, w_ref, o_ref):
        o_ref[...] = jnp.dot(
            h_ref[...], w_ref[0], preferred_element_type=jnp.float32
        )

    return pl.pallas_call(
        body,
        grid=(2, g),
        in_specs=[
            pl.BlockSpec((r, atom), lambda j, i: (i, 0)),
            pl.BlockSpec((1, atom, cols), lambda j, i: (j, 0, 0)),
        ],
        out_specs=pl.BlockSpec((r, cols), lambda j, i: (j * g + i, 0)),
        out_shape=jax.ShapeDtypeStruct((2 * n, cols), jnp.float32),
    )(h, w2)


def _gather_rows(table, idx2):
    b = idx2.shape[1]
    d = table.shape[1]
    w = _tile(b, 128)
    mesh = plsc.VectorSubcoreMesh(core_axis_name="c", subcore_axis_name="s")

    @functools.partial(
        pl.kernel,
        out_type=jax.ShapeDtypeStruct((b, d), table.dtype),
        mesh=mesh,
    )
    def gk(t_hbm, i_hbm, o_hbm):
        def body(i_vmem, o_vmem):
            pltpu.sync_copy(t_hbm.at[i_vmem.at[0]], o_vmem)

        pltpu.emit_pipeline(
            body,
            grid=(b // w,),
            in_specs=[pl.BlockSpec((1, w), lambda i: (0, i))],
            out_specs=[pl.BlockSpec((w, d), lambda i: (i, 0))],
            core_axis_name=("c", "s"),
            dimension_semantics=(pltpu.PARALLEL,),
        )(i_hbm, o_hbm)

    return gk(table, idx2)


def _conv_edge(cat, ea, w_ea, b_row):
    e, nbrf = ea.shape
    cols = w_ea.shape[1]
    ta = _tile(e, 6144)
    g_blocks = e // ta

    def body(nbr_ref, ini_ref, ea_ref, w_ref, b_ref, g_ref, s_ref, q_ref):
        g = jnp.dot(ea_ref[...], w_ref[...], preferred_element_type=jnp.float32)
        g = g + nbr_ref[...] + ini_ref[...] + b_ref[...]
        g_ref[...] = g
        rs = jnp.sum(g, axis=0, keepdims=True)
        rq = jnp.sum(g * g, axis=0, keepdims=True)
        i = pl.program_id(0)

        @pl.when(i == 0)
        def _():
            s_ref[...] = rs
            q_ref[...] = rq

        @pl.when(i > 0)
        def _():
            s_ref[...] += rs
            q_ref[...] += rq

    return pl.pallas_call(
        body,
        grid=(g_blocks,),
        in_specs=[
            pl.BlockSpec((ta, cols), lambda i: (i, 0)),
            pl.BlockSpec((ta, cols), lambda i: (i + g_blocks, 0)),
            pl.BlockSpec((ta, nbrf), lambda i: (i, 0)),
            pl.BlockSpec((nbrf, cols), lambda i: (0, 0)),
            pl.BlockSpec((1, cols), lambda i: (0, 0)),
        ],
        out_specs=[
            pl.BlockSpec((ta, cols), lambda i: (i, 0)),
            pl.BlockSpec((1, cols), lambda i: (0, 0)),
            pl.BlockSpec((1, cols), lambda i: (0, 0)),
        ],
        out_shape=[
            jax.ShapeDtypeStruct((e, cols), jnp.float32),
            jax.ShapeDtypeStruct((1, cols), jnp.float32),
            jax.ShapeDtypeStruct((1, cols), jnp.float32),
        ],
    )(cat, cat, ea, w_ea, b_row)


def _conv_actred(g3, sc1, sh1):
    n, deg, cols = g3.shape
    atom = cols // 2
    rb = _tile(n, 512)

    def body(g_ref, sc_ref, sh_ref, s_ref, a_ref, q_ref):
        g = g_ref[...] * sc_ref[...] + sh_ref[...]
        filt = g[:, :, 0:atom]
        core = g[:, :, atom:cols]
        act = _sigmoid(filt) * _softplus(core)
        s = jnp.sum(act, axis=1)
        s_ref[...] = s
        ra = jnp.sum(s, axis=0, keepdims=True)
        rq = jnp.sum(s * s, axis=0, keepdims=True)
        i = pl.program_id(0)

        @pl.when(i == 0)
        def _():
            a_ref[...] = ra
            q_ref[...] = rq

        @pl.when(i > 0)
        def _():
            a_ref[...] += ra
            q_ref[...] += rq

    return pl.pallas_call(
        body,
        grid=(n // rb,),
        in_specs=[
            pl.BlockSpec((rb, deg, cols), lambda i: (i, 0, 0)),
            pl.BlockSpec((1, cols), lambda i: (0, 0)),
            pl.BlockSpec((1, cols), lambda i: (0, 0)),
        ],
        out_specs=[
            pl.BlockSpec((rb, atom), lambda i: (i, 0)),
            pl.BlockSpec((1, atom), lambda i: (0, 0)),
            pl.BlockSpec((1, atom), lambda i: (0, 0)),
        ],
        out_shape=[
            jax.ShapeDtypeStruct((n, atom), jnp.float32),
            jax.ShapeDtypeStruct((1, atom), jnp.float32),
            jax.ShapeDtypeStruct((1, atom), jnp.float32),
        ],
    )(g3, sc1, sh1)


def _resid(h, s, sc2, sh2):
    n, atom = h.shape
    rc = _tile(n, 2048)

    def body(h_ref, s_ref, sc_ref, sh_ref, o_ref):
        o_ref[...] = _softplus(h_ref[...] + s_ref[...] * sc_ref[...] + sh_ref[...])

    return pl.pallas_call(
        body,
        grid=(n // rc,),
        in_specs=[
            pl.BlockSpec((rc, atom), lambda i: (i, 0)),
            pl.BlockSpec((rc, atom), lambda i: (i, 0)),
            pl.BlockSpec((1, atom), lambda i: (0, 0)),
            pl.BlockSpec((1, atom), lambda i: (0, 0)),
        ],
        out_specs=pl.BlockSpec((rc, atom), lambda i: (i, 0)),
        out_shape=jax.ShapeDtypeStruct((n, atom), jnp.float32),
    )(h, s, sc2, sh2)


def _pool(h, b3, ngraph):
    n, atom = h.shape
    rp = b3.shape[2]

    def body(h_ref, b_ref, p_ref, c_ref):
        bv = b_ref[0]
        iota = jax.lax.broadcasted_iota(jnp.int32, (ngraph, rp), 0)
        oh = (iota == bv).astype(jnp.float32)
        ps = jnp.dot(oh, h_ref[...], preferred_element_type=jnp.float32)
        cs = jnp.sum(oh, axis=1, keepdims=True)
        i = pl.program_id(0)

        @pl.when(i == 0)
        def _():
            p_ref[...] = ps
            c_ref[...] = cs

        @pl.when(i > 0)
        def _():
            p_ref[...] += ps
            c_ref[...] += cs

    return pl.pallas_call(
        body,
        grid=(n // rp,),
        in_specs=[
            pl.BlockSpec((rp, atom), lambda i: (i, 0)),
            pl.BlockSpec((1, 1, rp), lambda i: (i, 0, 0)),
        ],
        out_specs=[
            pl.BlockSpec((ngraph, atom), lambda i: (0, 0)),
            pl.BlockSpec((ngraph, 1), lambda i: (0, 0)),
        ],
        out_shape=[
            jax.ShapeDtypeStruct((ngraph, atom), jnp.float32),
            jax.ShapeDtypeStruct((ngraph, 1), jnp.float32),
        ],
    )(h, b3)


def _head(pool, cnt, bn_g, bn_b, w1, b1, wo_row, bo):
    ngraph, atom = pool.shape

    def body(p_ref, c_ref, g_ref, b_ref, w1_ref, b1_ref, wo_ref, bo_ref, o_ref):
        pooled = p_ref[...] / jnp.maximum(c_ref[...], 1.0)
        z = _softplus(pooled)
        m = jnp.mean(z, axis=0, keepdims=True)
        v = jnp.mean((z - m) ** 2, axis=0, keepdims=True)
        z = (z - m) / jnp.sqrt(v + _EPS) * g_ref[...] + b_ref[...]
        z2 = jnp.dot(z, w1_ref[...], preferred_element_type=jnp.float32) + b1_ref[...]
        z2 = _softplus(z2)
        o_ref[...] = jnp.sum(z2 * wo_ref[...], axis=1, keepdims=True) + bo_ref[...]

    return pl.pallas_call(
        body,
        out_shape=jax.ShapeDtypeStruct((ngraph, 1), jnp.float32),
    )(pool, cnt, bn_g, bn_b, w1, b1, wo_row, bo)


def kernel(x, edge_index, edge_attr, batch, y, params):
    n = x.shape[0]
    e, nbrf = edge_attr.shape
    deg = e // n
    emb = params["emb"]
    atom = emb[0].shape[1]
    ngraph = y.shape[0]

    dims = [t.shape[0] for t in emb]
    total = sum(dims)
    kpad = -(-total // 64) * 64
    table = jnp.concatenate(emb, axis=0)
    table = jnp.pad(table, ((0, kpad - total), (0, 0)))
    offs = []
    acc = 0
    for dsz in dims:
        offs.append(acc)
        acc += dsz
    offs = jnp.asarray(offs, jnp.int32).reshape(1, len(dims))

    h = _embed(x, table, offs)

    idx2 = jnp.concatenate([edge_index[1], edge_index[0] + n]).reshape(1, 2 * e)

    for c in params["convs"]:
        w = c["W"]
        w2 = jnp.stack([w[0:atom], w[atom : 2 * atom]])
        w_ea = w[2 * atom :]
        b_row = c["b"].reshape(1, 2 * atom)

        uv = _prep_uv(h, w2)
        cat = _gather_rows(uv, idx2)
        g, gs, gq = _conv_edge(cat, edge_attr, w_ea, b_row)
        m1 = gs / e
        v1 = gq / e - m1 * m1
        sc1 = c["g1"].reshape(1, 2 * atom) * jax.lax.rsqrt(v1 + _EPS)
        sh1 = c["b1"].reshape(1, 2 * atom) - m1 * sc1

        g3 = g.reshape(n, deg, 2 * atom)
        s, sa, sq = _conv_actred(g3, sc1, sh1)
        m2 = sa / n
        v2 = sq / n - m2 * m2
        sc2 = c["g2"].reshape(1, atom) * jax.lax.rsqrt(v2 + _EPS)
        sh2 = c["b2"].reshape(1, atom) - m2 * sc2

        h = _resid(h, s, sc2, sh2)

    rp = _tile(n, 1024)
    b3 = batch.reshape(n // rp, 1, rp)
    pool, cnt = _pool(h, b3, ngraph)

    out = _head(
        pool,
        cnt,
        params["bn_g"].reshape(1, atom),
        params["bn_b"].reshape(1, atom),
        params["W1"],
        params["b1"].reshape(1, params["W1"].shape[1]),
        params["Wo"].reshape(1, params["W1"].shape[1]),
        params["bo"].reshape(1, 1),
    )
    return out

# --- scband reference (transcript-rebuilt; emitter-appended) ---
"""Pipeline reference for scband-net-63831803953793 (READ-ONLY COPY).

The authoritative reference and input builder live on the scoring server;
editing this copy changes nothing except your own understanding.
"""

import jax, jax.numpy as jnp
import numpy as np

FULL_DIMS = [119, 4, 12, 12, 10, 6, 6, 2, 2]
N = 100000
NUM_NBR = 12
E = N * NUM_NBR
ATOM = 64
NBR = 41
HFEA = 128
NCONV = 3
NGRAPH = 64


def _xavier(key, shape):
    bound = float(np.sqrt(6.0 / (shape[0] + shape[1])))
    return jax.random.uniform(key, shape, jnp.float32, -bound, bound)


def setup_inputs(seed: int = 0):
    key = jax.random.key(seed)
    ks = iter(jax.random.split(key, 80))
    x = jax.random.randint(next(ks), (N, 9), 0, 2, dtype=jnp.int32)
    edge_index = jax.random.randint(next(ks), (2, E), 0, N, dtype=jnp.int32)
    edge_attr = jax.random.normal(next(ks), (E, NBR), jnp.float32)
    batch = jnp.sort(jax.random.randint(next(ks), (N,), 0, NGRAPH, dtype=jnp.int32))
    y = jax.random.normal(next(ks), (NGRAPH,), jnp.float32)
    emb = [_xavier(next(ks), (d, ATOM)) for d in FULL_DIMS]
    convs = []
    for _ in range(NCONV):
        convs.append({
            'W': _xavier(next(ks), (2 * ATOM + NBR, 2 * ATOM)),
            'b': jnp.zeros((2 * ATOM,), jnp.float32),
            'g1': jnp.ones((2 * ATOM,), jnp.float32),
            'b1': jnp.zeros((2 * ATOM,), jnp.float32),
            'g2': jnp.ones((ATOM,), jnp.float32),
            'b2': jnp.zeros((ATOM,), jnp.float32),
        })
    params = {
        'emb': emb,
        'convs': convs,
        'bn_g': jnp.ones((ATOM,), jnp.float32),
        'bn_b': jnp.zeros((ATOM,), jnp.float32),
        'W1': _xavier(next(ks), (ATOM, HFEA)),
        'b1': jnp.zeros((HFEA,), jnp.float32),
        'Wo': _xavier(next(ks), (HFEA, 1)),
        'bo': jnp.zeros((1,), jnp.float32),
    }
    return {'x': x, 'edge_index': edge_index, 'edge_attr': edge_attr, 'batch': batch, 'y': y, 'params': params}


def _bn(v, g, b, eps=1e-5):
    m = v.mean(axis=0, keepdims=True)
    var = v.var(axis=0, keepdims=True)
    return (v - m) / jnp.sqrt(var + eps) * g + b


def _forward(x, edge_index, edge_attr, batch, params):
    h = jnp.zeros((x.shape[0], ATOM), jnp.float32)
    for i, t in enumerate(params['emb']):
        h = h + jnp.take(t, x[:, i], axis=0)
    for c in params['convs']:
        nbr = jnp.take(h, edge_index[1], axis=0)
        ini = jnp.take(h, edge_index[0], axis=0)
        tot = jnp.concatenate([nbr, ini, edge_attr], axis=1)
        g = _bn(tot @ c['W'] + c['b'], c['g1'], c['b1'])
        filt, core = jnp.split(g, 2, axis=1)
        s = jax.nn.sigmoid(filt) * jax.nn.softplus(core)
        s = s.reshape(-1, NUM_NBR, ATOM).sum(axis=1)
        s = _bn(s, c['g2'], c['b2'])
        h = jax.nn.softplus(h + s)
    sums = jax.ops.segment_sum(h, batch, num_segments=NGRAPH)
    cnt = jax.ops.segment_sum(jnp.ones((h.shape[0],), jnp.float32), batch, num_segments=NGRAPH)
    pooled = sums / jnp.clip(cnt, 1.0)[:, None]
    z = jax.nn.softplus(pooled)
    z = _bn(z, params['bn_g'], params['bn_b'])
    z = jax.nn.softplus(z @ params['W1'] + params['b1'])
    out = z @ params['Wo'] + params['bo']
    return out


def reference(x, edge_index, edge_attr, batch, y, params):
    return _forward(x, edge_index, edge_attr, batch, params)

if __name__ == "__main__":
    import jax
    _d = setup_inputs()
    print(jax.jit(kernel)(*tuple(_d.values())))

</pallas_src>

<mosaic_0001>
#map = affine_map<(d0, d1) -> (0, 0)>
module attributes {stable_mosaic.version = 14 : i64} {
  func.func @gk(%arg0: i32, %arg1: i32, %arg2: memref<200000x128xf32, #tpu.memory_space<hbm>>, %arg3: memref<1x2400000xi32, #tpu.memory_space<hbm>>, %arg4: memref<2400000x128xf32, #tpu.memory_space<hbm>>) attributes {dimension_semantics = [#tpu.dimension_semantics<core_parallel>, #tpu.dimension_semantics<subcore_parallel>], iteration_bounds = array<i64: 2, 16>, scalar_prefetch = 0 : i64, scratch_operands = 0 : i64, tpu.core_type = #tpu.core_type<sc_vector_subcore>, window_params = [{transform_indices = #map}, {transform_indices = #map}, {transform_indices = #map}]} {
    %mul3A = arith.constant 1 : i32
    %mul3A_0 = arith.muli %arg1, %mul3A : i32
    %add3A = arith.constant 0 : i32
    %add3A_1 = arith.addi %add3A, %mul3A_0 : i32
    %mul3A_2 = arith.constant 16 : i32
    %mul3A_3 = arith.muli %arg0, %mul3A_2 : i32
    %add3A_4 = arith.addi %add3A_1, %mul3A_3 : i32
    %lt3A = arith.constant 30 : i32
    %lt3A_5 = arith.cmpi slt, %add3A_4, %lt3A : i32
    %jit3A = arith.constant 586 : i32
    %jit3A_6 = arith.constant 585 : i32
    %select_n3A = arith.select %lt3A_5, %jit3A, %jit3A_6 : i32
    %lt3A_7 = arith.constant 30 : i32
    %lt3A_8 = arith.cmpi slt, %add3A_4, %lt3A_7 : i32
    %mul3A_9 = arith.muli %add3A_4, %select_n3A : i32
    %mul3A_10 = arith.constant 585 : i32
    %mul3A_11 = arith.muli %add3A_4, %mul3A_10 : i32
    %add3A_12 = arith.constant 30 : i32
    %add3A_13 = arith.addi %mul3A_11, %add3A_12 : i32
    %select_n3A_14 = arith.select %lt3A_8, %mul3A_9, %add3A_13 : i32
    %mul3A_15 = arith.constant 1 : i32
    %mul3A_16 = arith.muli %mul3A_15, %select_n3A : i32
    "tpu.region"() ({
      %run_scoped3A = memref.alloca() : memref<2x1x128xi32, #tpu.memory_space<vmem>>
      %run_scoped3A_17 = tpu.sem_alloc : memref<2x!tpu.dma_semaphore, #tpu.memory_space<semaphore_mem>>
      %run_scoped3A_18 = memref.alloca() : memref<2x128x128xf32, #tpu.memory_space<vmem>>
      %run_scoped3A_19 = tpu.sem_alloc : memref<2x!tpu.dma_semaphore, #tpu.memory_space<semaphore_mem>>
      %gt3A = arith.constant 0 : i32
      %gt3A_20 = arith.cmpi sgt, %mul3A_16, %gt3A : i32
      %convert_element_type3A = arith.extui %gt3A_20 : i1 to i32
      %cond3A = arith.constant 0 : i32
      %cond3A_21 = arith.cmpi ne, %convert_element_type3A, %cond3A : i32
      scf.if %cond3A_21 {
        %mul3A_22 = arith.constant 1 : i32
        %mul3A_23 = arith.muli %mul3A_22, %select_n3A : i32
        %sub3A = arith.constant 1 : i32
        %sub3A_24 = arith.subi %mul3A_23, %sub3A : i32
        %eq3A = arith.constant 0 : i32
        %eq3A_25 = arith.cmpi eq, %sub3A_24, %eq3A : i32
        %add3A_26 = arith.constant 0 : i32
        %add3A_27 = arith.addi %add3A_26, %select_n3A_14 : i32
        %select_n3A_28 = arith.constant true
        %select_n3A_29 = arith.constant 0 : i32
        %select_n3A_30 = arith.constant -1 : i32
        %select_n3A_31 = arith.select %select_n3A_28, %select_n3A_30, %select_n3A_29 : i32
        %eq3A_32 = arith.constant -1 : i32
        %eq3A_33 = arith.cmpi eq, %select_n3A_31, %eq3A_32 : i32
        %sub3A_34 = arith.constant 1 : i32
        %sub3A_35 = arith.subi %select_n3A, %sub3A_34 : i32
        %select_n3A_36 = arith.select %eq3A_33, %sub3A_35, %select_n3A_31 : i32
        %add3A_37 = arith.addi %select_n3A_36, %select_n3A_14 : i32
        %select_n3A_38 = arith.constant true
        %select_n3A_39 = arith.constant 0 : i32
        %select_n3A_40 = arith.constant 1 : i32
        %select_n3A_41 = arith.select %select_n3A_38, %select_n3A_40, %select_n3A_39 : i32
        %eq3A_42 = arith.cmpi eq, %select_n3A_41, %select_n3A : i32
        %select_n3A_43 = arith.constant 0 : i32
        %select_n3A_44 = arith.select %eq3A_42, %select_n3A_43, %select_n3A_41 : i32
        %add3A_45 = arith.addi %select_n3A_44, %select_n3A_14 : i32
        %add3A_46 = arith.constant 1 : i32
        %add3A_47 = arith.addi %select_n3A_44, %add3A_46 : i32
        %select_n3A_48 = arith.constant true
        %select_n3A_49 = arith.select %select_n3A_48, %add3A_47, %select_n3A_44 : i32
        %eq3A_50 = arith.cmpi eq, %select_n3A_49, %select_n3A : i32
        %select_n3A_51 = arith.constant 0 : i32
        %select_n3A_52 = arith.select %eq3A_50, %select_n3A_51, %select_n3A_49 : i32
        %add3A_53 = arith.addi %select_n3A_52, %select_n3A_14 : i32
        "tpu.trace_start"() <{level = 10 : i32, message = "ep_initialize_0"}> : () -> ()
        %rem3A = arith.constant 0 : i32
        %rem3A_54 = arith.constant 2 : i32
        %rem3A_55 = arith.remui %rem3A, %rem3A_54 : i32
        %mul3A_56 = arith.constant 128 : i32
        %mul3A_57 = arith.muli %mul3A_56, %add3A_27 : i32
        %dma_start3A = arith.constant 0 : i32
        %dma_start3A_58 = arith.constant 0 : i32
        %dma_start3A_59 = tpu.memref_slice %run_scoped3A[%rem3A_55, %dma_start3A, %dma_start3A_58] : memref<2x1x128xi32, #tpu.memory_space<vmem>> -> memref<1x1x128xi32, #tpu.memory_space<vmem>>
        %dma_start3A_60 = tpu.memref_squeeze %dma_start3A_59 : memref<1x1x128xi32, #tpu.memory_space<vmem>> -> memref<1x128xi32, #tpu.memory_space<vmem>>
        %dma_start3A_61 = arith.constant 0 : i32
        %dma_start3A_62 = tpu.memref_slice %arg3[%dma_start3A_61, %mul3A_57] : memref<1x2400000xi32, #tpu.memory_space<hbm>> -> memref<1x128xi32, #tpu.memory_space<hbm>>
        %dma_start3A_63 = tpu.memref_slice %run_scoped3A_17[%rem3A_55] : memref<2x!tpu.dma_semaphore, #tpu.memory_space<semaphore_mem>> -> memref<1x!tpu.dma_semaphore, #tpu.memory_space<semaphore_mem>>
        %dma_start3A_64 = tpu.memref_squeeze %dma_start3A_63 : memref<1x!tpu.dma_semaphore, #tpu.memory_space<semaphore_mem>> -> memref<!tpu.dma_semaphore, #tpu.memory_space<semaphore_mem>>
        %dma_start3A_65 = arith.constant 0 : i32
        %dma_start3A_66 = arith.constant 0 : i32
        %dma_start3A_67 = tpu.memref_slice %run_scoped3A[%rem3A_55, %dma_start3A_65, %dma_start3A_66] : memref<2x1x128xi32, #tpu.memory_space<vmem>> -> memref<1x1x128xi32, #tpu.memory_space<vmem>>
        %dma_start3A_68 = tpu.memref_squeeze %dma_start3A_67 : memref<1x1x128xi32, #tpu.memory_space<vmem>> -> memref<1x128xi32, #tpu.memory_space<vmem>>
        %dma_start3A_69 = arith.constant 0 : i32
        %dma_start3A_70 = tpu.memref_slice %arg3[%dma_start3A_69, %mul3A_57] : memref<1x2400000xi32, #tpu.memory_space<hbm>> -> memref<1x128xi32, #tpu.memory_space<hbm>>
        tpu.enqueue_dma source(%dma_start3A_70 : memref<1x128xi32, #tpu.memory_space<hbm>>) target(%dma_start3A_68 : memref<1x128xi32, #tpu.memory_space<vmem>>) target_semaphore(%dma_start3A_64 : memref<!tpu.dma_semaphore, #tpu.memory_space<semaphore_mem>>)
        %add3A_71 = arith.constant 0 : i32
        %add3A_72 = arith.constant 1 : i32
        %add3A_73 = arith.addi %add3A_71, %add3A_72 : i32
        %select_n3A_74 = arith.constant true
        %select_n3A_75 = arith.constant 0 : i32
        %select_n3A_76 = arith.select %select_n3A_74, %add3A_73, %select_n3A_75 : i32
        %while3A = arith.constant 0 : i32
        %while3A_77 = arith.constant 0 : i32
        %while3A_78 = arith.constant 0 : i32
        %while3A_79 = arith.constant 0 : i32
        %while3A_80 = arith.constant 0 : i32
        "tpu.trace_stop"() : () -> ()
        %while3A_81 = arith.subi %mul3A_16, %while3A : i32
        %while3A_82 = arith.addi %while3A, %while3A_81 : i32
        %while3A_83 = arith.constant 1 : i32
        %while3A_84 = arith.divsi %while3A_81, %while3A_83 : i32
        %while3A_85 = arith.muli %while3A_84, %while3A_83 : i32
        %while3A_86 = arith.addi %while3A, %while3A_85 : i32
        %while3A_87 = arith.constant 1 : i32
        %while3A_88:5 = scf.for %while3A_142 = %while3A to %while3A_86 step %while3A_87 iter_args(%while3A_143 = %select_n3A_76, %while3A_144 = %while3A_77, %while3A_145 = %while3A_78, %while3A_146 = %while3A_79, %while3A_147 = %while3A_80) -> (i32, i32, i32, i32, i32)  : i32 {
          %mul3A_148 = arith.constant 1 : i32
          %mul3A_149 = arith.muli %mul3A_148, %select_n3A : i32
          %eq3A_150 = arith.constant 0 : i32
          %eq3A_151 = arith.cmpi eq, %while3A_142, %eq3A_150 : i32
          %sub3A_152 = arith.constant 1 : i32
          %sub3A_153 = arith.subi %mul3A_149, %sub3A_152 : i32
          %eq3A_154 = arith.cmpi eq, %while3A_142, %sub3A_153 : i32
          %add3A_155 = arith.addi %while3A_147, %select_n3A_14 : i32
          %sub3A_156 = arith.constant 1 : i32
          %sub3A_157 = arith.subi %while3A_147, %sub3A_156 : i32
          %select_n3A_158 = arith.constant true
          %select_n3A_159 = arith.select %select_n3A_158, %sub3A_157, %while3A_147 : i32
          %eq3A_160 = arith.constant -1 : i32
          %eq3A_161 = arith.cmpi eq, %select_n3A_159, %eq3A_160 : i32
          %sub3A_162 = arith.constant 1 : i32
          %sub3A_163 = arith.subi %select_n3A, %sub3A_162 : i32
          %select_n3A_164 = arith.select %eq3A_161, %sub3A_163, %select_n3A_159 : i32
          %add3A_165 = arith.addi %select_n3A_164, %select_n3A_14 : i32
          %add3A_166 = arith.constant 1 : i32
          %add3A_167 = arith.addi %while3A_147, %add3A_166 : i32
          %select_n3A_168 = arith.constant true
          %select_n3A_169 = arith.select %select_n3A_168, %add3A_167, %while3A_147 : i32
          %eq3A_170 = arith.cmpi eq, %select_n3A_169, %select_n3A : i32
          %select_n3A_171 = arith.constant 0 : i32
          %select_n3A_172 = arith.select %eq3A_170, %select_n3A_171, %select_n3A_169 : i32
          %add3A_173 = arith.addi %select_n3A_172, %select_n3A_14 : i32
          %add3A_174 = arith.constant 1 : i32
          %add3A_175 = arith.addi %select_n3A_172, %add3A_174 : i32
          %select_n3A_176 = arith.constant true
          %select_n3A_177 = arith.select %select_n3A_176, %add3A_175, %select_n3A_172 : i32
          %eq3A_178 = arith.cmpi eq, %select_n3A_177, %select_n3A : i32
          %select_n3A_179 = arith.constant 0 : i32
          %select_n3A_180 = arith.select %eq3A_178, %select_n3A_179, %select_n3A_177 : i32
          %add3A_181 = arith.addi %select_n3A_180, %select_n3A_14 : i32
          %ne3A = arith.cmpi ne, %add3A_155, %add3A_173 : i32
          %or3A = arith.constant false
          %or3A_182 = arith.ori %or3A, %ne3A : i1
          %sub3A_183 = arith.constant 2 : i32
          %sub3A_184 = arith.subi %mul3A_149, %sub3A_183 : i32
          %add3A_185 = arith.constant 1 : i32
          %add3A_186 = arith.addi %sub3A_184, %add3A_185 : i32
          %ge3A = arith.cmpi sge, %while3A_142, %add3A_186 : i32
          %not3A = arith.constant true
          %not3A_187 = arith.xori %ge3A, %not3A : i1
          %and3A = arith.andi %or3A_182, %not3A_187 : i1
          %convert_element_type3A_188 = arith.extui %and3A : i1 to i32
          %cond3A_189 = arith.constant 0 : i32
          %cond3A_190 = arith.cmpi ne, %convert_element_type3A_188, %cond3A_189 : i32
          scf.if %cond3A_190 {
            "tpu.trace_start"() <{level = 10 : i32, message = "ep_copy_in"}> : () -> ()
            %rem3A_294 = arith.constant 2 : i32
            %rem3A_295 = arith.remui %while3A_143, %rem3A_294 : i32
            %mul3A_296 = arith.constant 128 : i32
            %mul3A_297 = arith.muli %mul3A_296, %add3A_173 : i32
            %dma_start3A_298 = arith.constant 0 : i32
            %dma_start3A_299 = arith.constant 0 : i32
            %dma_start3A_300 = tpu.memref_slice %run_scoped3A[%rem3A_295, %dma_start3A_298, %dma_start3A_299] : memref<2x1x128xi32, #tpu.memory_space<vmem>> -> memref<1x1x128xi32, #tpu.memory_space<vmem>>
            %dma_start3A_301 = tpu.memref_squeeze %dma_start3A_300 : memref<1x1x128xi32, #tpu.memory_space<vmem>> -> memref<1x128xi32, #tpu.memory_space<vmem>>
            %dma_start3A_302 = arith.constant 0 : i32
            %dma_start3A_303 = tpu.memref_slice %arg3[%dma_start3A_302, %mul3A_297] : memref<1x2400000xi32, #tpu.memory_space<hbm>> -> memref<1x128xi32, #tpu.memory_space<hbm>>
            %dma_start3A_304 = tpu.memref_slice %run_scoped3A_17[%rem3A_295] : memref<2x!tpu.dma_semaphore, #tpu.memory_space<semaphore_mem>> -> memref<1x!tpu.dma_semaphore, #tpu.memory_space<semaphore_mem>>
            %dma_start3A_305 = tpu.memref_squeeze %dma_start3A_304 : memref<1x!tpu.dma_semaphore, #tpu.memory_space<semaphore_mem>> -> memref<!tpu.dma_semaphore, #tpu.memory_space<semaphore_mem>>
            %dma_start3A_306 = arith.constant 0 : i32
            %dma_start3A_307 = arith.constant 0 : i32
            %dma_start3A_308 = tpu.memref_slice %run_scoped3A[%rem3A_295, %dma_start3A_306, %dma_start3A_307] : memref<2x1x128xi32, #tpu.memory_space<vmem>> -> memref<1x1x128xi32, #tpu.memory_space<vmem>>
            %dma_start3A_309 = tpu.memref_squeeze %dma_start3A_308 : memref<1x1x128xi32, #tpu.memory_space<vmem>> -> memref<1x128xi32, #tpu.memory_space<vmem>>
            %dma_start3A_310 = arith.constant 0 : i32
            %dma_start3A_311 = tpu.memref_slice %arg3[%dma_start3A_310, %mul3A_297] : memref<1x2400000xi32, #tpu.memory_space<hbm>> -> memref<1x128xi32, #tpu.memory_space<hbm>>
            tpu.enqueue_dma source(%dma_start3A_311 : memref<1x128xi32, #tpu.memory_space<hbm>>) target(%dma_start3A_309 : memref<1x128xi32, #tpu.memory_space<vmem>>) target_semaphore(%dma_start3A_305 : memref<!tpu.dma_semaphore, #tpu.memory_space<semaphore_mem>>)
            "tpu.trace_stop"() : () -> ()
          } else {
          }
          %and3A_191 = arith.constant true
          %and3A_192 = arith.andi %and3A, %and3A_191 : i1
          %add3A_193 = arith.constant 1 : i32
          %add3A_194 = arith.addi %while3A_143, %add3A_193 : i32
          %select_n3A_195 = arith.select %and3A_192, %add3A_194, %while3A_143 : i32
          %ne3A_196 = arith.cmpi ne, %add3A_155, %add3A_173 : i32
          %or3A_197 = arith.constant false
          %or3A_198 = arith.ori %or3A_197, %ne3A_196 : i1
          %or3A_199 = arith.constant false
          %or3A_200 = arith.ori %or3A_198, %or3A_199 : i1
          %sub3A_201 = arith.constant 2 : i32
          %sub3A_202 = arith.subi %mul3A_149, %sub3A_201 : i32
          %add3A_203 = arith.constant 1 : i32
          %add3A_204 = arith.addi %sub3A_202, %add3A_203 : i32
          %ge3A_205 = arith.cmpi sge, %while3A_142, %add3A_204 : i32
          %not3A_206 = arith.constant true
          %not3A_207 = arith.xori %ge3A_205, %not3A_206 : i1
          %and3A_208 = arith.andi %or3A_200, %not3A_207 : i1
          %ne3A_209 = arith.cmpi ne, %add3A_155, %add3A_165 : i32
          %or3A_210 = arith.constant false
          %or3A_211 = arith.ori %or3A_210, %ne3A_209 : i1
          %or3A_212 = arith.ori %or3A_211, %eq3A_151 : i1
          %convert_element_type3A_213 = arith.extui %or3A_212 : i1 to i32
          %cond3A_214 = arith.constant 0 : i32
          %cond3A_215 = arith.cmpi ne, %convert_element_type3A_213, %cond3A_214 : i32
          scf.if %cond3A_215 {
            "tpu.trace_start"() <{level = 10 : i32, message = "ep_wait_in"}> : () -> ()
            %mul3A_294 = arith.constant 128 : i32
            %mul3A_295 = arith.muli %mul3A_294, %add3A_155 : i32
            %rem3A_296 = arith.constant 2 : i32
            %rem3A_297 = arith.remui %while3A_144, %rem3A_296 : i32
            %dma_wait3A = arith.constant 0 : i32
            %dma_wait3A_298 = arith.constant 0 : i32
            %dma_wait3A_299 = tpu.memref_slice %run_scoped3A[%rem3A_297, %dma_wait3A, %dma_wait3A_298] : memref<2x1x128xi32, #tpu.memory_space<vmem>> -> memref<1x1x128xi32, #tpu.memory_space<vmem>>
            %dma_wait3A_300 = tpu.memref_squeeze %dma_wait3A_299 : memref<1x1x128xi32, #tpu.memory_space<vmem>> -> memref<1x128xi32, #tpu.memory_space<vmem>>
            %dma_wait3A_301 = arith.constant 0 : i32
            %dma_wait3A_302 = tpu.memref_slice %arg3[%dma_wait3A_301, %mul3A_295] : memref<1x2400000xi32, #tpu.memory_space<hbm>> -> memref<1x128xi32, #tpu.memory_space<hbm>>
            %dma_wait3A_303 = tpu.memref_slice %run_scoped3A_17[%rem3A_297] : memref<2x!tpu.dma_semaphore, #tpu.memory_space<semaphore_mem>> -> memref<1x!tpu.dma_semaphore, #tpu.memory_space<semaphore_mem>>
            %dma_wait3A_304 = tpu.memref_squeeze %dma_wait3A_303 : memref<1x!tpu.dma_semaphore, #tpu.memory_space<semaphore_mem>> -> memref<!tpu.dma_semaphore, #tpu.memory_space<semaphore_mem>>
            %dma_wait3A_305 = arith.constant 0 : i32
            %dma_wait3A_306 = arith.constant 0 : i32
            %dma_wait3A_307 = tpu.memref_slice %run_scoped3A[%rem3A_297, %dma_wait3A_305, %dma_wait3A_306] : memref<2x1x128xi32, #tpu.memory_space<vmem>> -> memref<1x1x128xi32, #tpu.memory_space<vmem>>
            %dma_wait3A_308 = tpu.memref_squeeze %dma_wait3A_307 : memref<1x1x128xi32, #tpu.memory_space<vmem>> -> memref<1x128xi32, #tpu.memory_space<vmem>>
            %dma_wait3A_309 = arith.constant 0 : i32
            %dma_wait3A_310 = tpu.memref_slice %arg3[%dma_wait3A_309, %mul3A_295] : memref<1x2400000xi32, #tpu.memory_space<hbm>> -> memref<1x128xi32, #tpu.memory_space<hbm>>
            tpu.wait_dma2 semaphore(%dma_wait3A_304 : memref<!tpu.dma_semaphore, #tpu.memory_space<semaphore_mem>>) src(%dma_wait3A_310 : memref<1x128xi32, #tpu.memory_space<hbm>>) dst(%dma_wait3A_308 : memref<1x128xi32, #tpu.memory_space<vmem>>)
            "tpu.trace_stop"() : () -> ()
          } else {
          }
          %ne3A_216 = arith.cmpi ne, %add3A_155, %add3A_165 : i32
          %or3A_217 = arith.constant false
          %or3A_218 = arith.ori %or3A_217, %ne3A_216 : i1
          %or3A_219 = arith.constant false
          %or3A_220 = arith.ori %or3A_218, %or3A_219 : i1
          %or3A_221 = arith.ori %or3A_220, %eq3A_151 : i1
          %convert_element_type3A_222 = arith.extui %or3A_221 : i1 to i32
          %cond3A_223 = arith.constant 0 : i32
          %cond3A_224 = arith.cmpi ne, %convert_element_type3A_222, %cond3A_223 : i32
          scf.if %cond3A_224 {
          } else {
          }
          %rem3A_225 = arith.constant 2 : i32
          %rem3A_226 = arith.remui %while3A_144, %rem3A_225 : i32
          %rem3A_227 = arith.constant 2 : i32
          %rem3A_228 = arith.remui %while3A_145, %rem3A_227 : i32
          %run_scoped3A_229 = arith.constant 0 : i32
          "tpu.trace_start"() <{level = 10 : i32, message = "ep_run_kernel"}> : () -> ()
          "tpu.region"() ({
            %run_scoped3A_294 = tpu.sem_alloc : memref<!tpu.dma_semaphore, #tpu.memory_space<semaphore_mem>>
            %dma_start3A_295 = arith.constant 0 : i32
            %dma_start3A_296 = arith.constant 0 : i32
            %dma_start3A_297 = tpu.memref_slice %run_scoped3A_18[%rem3A_228, %dma_start3A_295, %dma_start3A_296] : memref<2x128x128xf32, #tpu.memory_space<vmem>> -> memref<1x128x128xf32, #tpu.memory_space<vmem>>
            %dma_start3A_298 = tpu.memref_squeeze %dma_start3A_297 : memref<1x128x128xf32, #tpu.memory_space<vmem>> -> memref<128x128xf32, #tpu.memory_space<vmem>>
            %dma_start3A_299 = arith.constant 0 : i32
            %dma_start3A_300 = arith.constant 0 : i32
            %dma_start3A_301 = tpu.memref_slice %run_scoped3A[%rem3A_226, %dma_start3A_299, %dma_start3A_300] : memref<2x1x128xi32, #tpu.memory_space<vmem>> -> memref<1x1x128xi32, #tpu.memory_space<vmem>>
            %dma_start3A_302 = tpu.memref_squeeze %dma_start3A_301 : memref<1x1x128xi32, #tpu.memory_space<vmem>> -> memref<1x128xi32, #tpu.memory_space<vmem>>
            %dma_start3A_303 = arith.constant 0 : i32
            %dma_start3A_304 = tpu.memref_slice %dma_start3A_302[%run_scoped3A_229, %dma_start3A_303] : memref<1x128xi32, #tpu.memory_space<vmem>> -> memref<1x128xi32, #tpu.memory_space<vmem>>
            %dma_start3A_305 = tpu.memref_squeeze %dma_start3A_304 : memref<1x128xi32, #tpu.memory_space<vmem>> -> memref<128xi32, #tpu.memory_space<vmem>>
            %dma_start3A_306 = arith.constant 0 : i32
            %dma_start3A_307 = arith.constant 0 : i32
            %dma_start3A_308 = tpu.memref_slice %arg2[%dma_start3A_306, %dma_start3A_307] : memref<200000x128xf32, #tpu.memory_space<hbm>> -> memref<200000x128xf32, #tpu.memory_space<hbm>>
            tpu.enqueue_indirect_dma source(%dma_start3A_308 : memref<200000x128xf32, #tpu.memory_space<hbm>>) target(%dma_start3A_298 : memref<128x128xf32, #tpu.memory_space<vmem>>) offsets(%dma_start3A_305 : memref<128xi32, #tpu.memory_space<vmem>>) semaphore(%run_scoped3A_294 : memref<!tpu.dma_semaphore, #tpu.memory_space<semaphore_mem>>)
            %dma_wait3A = arith.constant 0 : i32
            %dma_wait3A_309 = arith.constant 0 : i32
            %dma_wait3A_310 = tpu.memref_slice %run_scoped3A_18[%rem3A_228, %dma_wait3A, %dma_wait3A_309] : memref<2x128x128xf32, #tpu.memory_space<vmem>> -> memref<1x128x128xf32, #tpu.memory_space<vmem>>
            %dma_wait3A_311 = tpu.memref_squeeze %dma_wait3A_310 : memref<1x128x128xf32, #tpu.memory_space<vmem>> -> memref<128x128xf32, #tpu.memory_space<vmem>>
            %dma_wait3A_312 = arith.constant 0 : i32
            %dma_wait3A_313 = arith.constant 0 : i32
            %dma_wait3A_314 = tpu.memref_slice %run_scoped3A[%rem3A_226, %dma_wait3A_312, %dma_wait3A_313] : memref<2x1x128xi32, #tpu.memory_space<vmem>> -> memref<1x1x128xi32, #tpu.memory_space<vmem>>
            %dma_wait3A_315 = tpu.memref_squeeze %dma_wait3A_314 : memref<1x1x128xi32, #tpu.memory_space<vmem>> -> memref<1x128xi32, #tpu.memory_space<vmem>>
            %dma_wait3A_316 = arith.constant 0 : i32
            %dma_wait3A_317 = tpu.memref_slice %dma_wait3A_315[%run_scoped3A_229, %dma_wait3A_316] : memref<1x128xi32, #tpu.memory_space<vmem>> -> memref<1x128xi32, #tpu.memory_space<vmem>>
            %dma_wait3A_318 = tpu.memref_squeeze %dma_wait3A_317 : memref<1x128xi32, #tpu.memory_space<vmem>> -> memref<128xi32, #tpu.memory_space<vmem>>
            %dma_wait3A_319 = arith.constant 0 : i32
            %dma_wait3A_320 = arith.constant 0 : i32
            %dma_wait3A_321 = tpu.memref_slice %arg2[%dma_wait3A_319, %dma_wait3A_320] : memref<200000x128xf32, #tpu.memory_space<hbm>> -> memref<200000x128xf32, #tpu.memory_space<hbm>>
            tpu.wait_indirect_dma semaphore(%run_scoped3A_294 : memref<!tpu.dma_semaphore, #tpu.memory_space<semaphore_mem>>) src(%dma_wait3A_321 : memref<200000x128xf32, #tpu.memory_space<hbm>>) dst(%dma_wait3A_311 : memref<128x128xf32, #tpu.memory_space<vmem>>)
            tpu.yield
          }) : () -> ()
          "tpu.trace_stop"() : () -> ()
          %ne3A_230 = arith.cmpi ne, %add3A_155, %add3A_173 : i32
          %or3A_231 = arith.constant false
          %or3A_232 = arith.ori %or3A_231, %ne3A_230 : i1
          %or3A_233 = arith.ori %or3A_232, %eq3A_154 : i1
          %convert_element_type3A_234 = arith.extui %or3A_233 : i1 to i32
          %cond3A_235 = arith.constant 0 : i32
          %cond3A_236 = arith.cmpi ne, %convert_element_type3A_234, %cond3A_235 : i32
          scf.if %cond3A_236 {
          } else {
          }
          %and3A_237 = arith.constant false
          %and3A_238 = arith.andi %or3A_233, %and3A_237 : i1
          %ne3A_239 = arith.cmpi ne, %add3A_155, %add3A_173 : i32
          %or3A_240 = arith.constant false
          %or3A_241 = arith.ori %or3A_240, %ne3A_239 : i1
          %or3A_242 = arith.constant false
          %or3A_243 = arith.ori %or3A_241, %or3A_242 : i1
          %or3A_244 = arith.ori %or3A_243, %eq3A_154 : i1
          %convert_element_type3A_245 = arith.extui %or3A_244 : i1 to i32
          %cond3A_246 = arith.constant 0 : i32
          %cond3A_247 = arith.cmpi ne, %convert_element_type3A_245, %cond3A_246 : i32
          scf.if %cond3A_247 {
            "tpu.trace_start"() <{level = 10 : i32, message = "ep_copy_out"}> : () -> ()
            %rem3A_294 = arith.constant 2 : i32
            %rem3A_295 = arith.remui %while3A_145, %rem3A_294 : i32
            %mul3A_296 = arith.constant 128 : i32
            %mul3A_297 = arith.muli %mul3A_296, %add3A_155 : i32
            %dma_start3A_298 = arith.constant 0 : i32
            %dma_start3A_299 = arith.constant 0 : i32
            %dma_start3A_300 = tpu.memref_slice %run_scoped3A_18[%rem3A_295, %dma_start3A_298, %dma_start3A_299] : memref<2x128x128xf32, #tpu.memory_space<vmem>> -> memref<1x128x128xf32, #tpu.memory_space<vmem>>
            %dma_start3A_301 = tpu.memref_squeeze %dma_start3A_300 : memref<1x128x128xf32, #tpu.memory_space<vmem>> -> memref<128x128xf32, #tpu.memory_space<vmem>>
            %dma_start3A_302 = arith.constant 0 : i32
            %dma_start3A_303 = tpu.memref_slice %arg4[%mul3A_297, %dma_start3A_302] : memref<2400000x128xf32, #tpu.memory_space<hbm>> -> memref<128x128xf32, #tpu.memory_space<hbm>>
            %dma_start3A_304 = tpu.memref_slice %run_scoped3A_19[%rem3A_295] : memref<2x!tpu.dma_semaphore, #tpu.memory_space<semaphore_mem>> -> memref<1x!tpu.dma_semaphore, #tpu.memory_space<semaphore_mem>>
            %dma_start3A_305 = tpu.memref_squeeze %dma_start3A_304 : memref<1x!tpu.dma_semaphore, #tpu.memory_space<semaphore_mem>> -> memref<!tpu.dma_semaphore, #tpu.memory_space<semaphore_mem>>
            %dma_start3A_306 = arith.constant 0 : i32
            %dma_start3A_307 = tpu.memref_slice %arg4[%mul3A_297, %dma_start3A_306] : memref<2400000x128xf32, #tpu.memory_space<hbm>> -> memref<128x128xf32, #tpu.memory_space<hbm>>
            %dma_start3A_308 = arith.constant 0 : i32
            %dma_start3A_309 = arith.constant 0 : i32
            %dma_start3A_310 = tpu.memref_slice %run_scoped3A_18[%rem3A_295, %dma_start3A_308, %dma_start3A_309] : memref<2x128x128xf32, #tpu.memory_space<vmem>> -> memref<1x128x128xf32, #tpu.memory_space<vmem>>
            %dma_start3A_311 = tpu.memref_squeeze %dma_start3A_310 : memref<1x128x128xf32, #tpu.memory_space<vmem>> -> memref<128x128xf32, #tpu.memory_space<vmem>>
            tpu.enqueue_dma source(%dma_start3A_311 : memref<128x128xf32, #tpu.memory_space<vmem>>) target(%dma_start3A_307 : memref<128x128xf32, #tpu.memory_space<hbm>>) target_semaphore(%dma_start3A_305 : memref<!tpu.dma_semaphore, #tpu.memory_space<semaphore_mem>>)
            "tpu.trace_stop"() : () -> ()
          } else {
          }
          %and3A_248 = arith.constant true
          %and3A_249 = arith.andi %or3A_244, %and3A_248 : i1
          %add3A_250 = arith.constant 1 : i32
          %add3A_251 = arith.addi %while3A_145, %add3A_250 : i32
          %select_n3A_252 = arith.select %and3A_249, %add3A_251, %while3A_145 : i32
          %ne3A_253 = arith.cmpi ne, %add3A_155, %add3A_165 : i32
          %or3A_254 = arith.constant false
          %or3A_255 = arith.ori %or3A_254, %ne3A_253 : i1
          %not3A_256 = arith.constant true
          %not3A_257 = arith.xori %eq3A_151, %not3A_256 : i1
          %and3A_258 = arith.andi %or3A_255, %not3A_257 : i1
          %convert_element_type3A_259 = arith.extui %and3A_258 : i1 to i32
          %cond3A_260 = arith.constant 0 : i32
          %cond3A_261 = arith.cmpi ne, %convert_element_type3A_259, %cond3A_260 : i32
          scf.if %cond3A_261 {
          } else {
          }
          %and3A_262 = arith.constant false
          %and3A_263 = arith.andi %and3A_258, %and3A_262 : i1
          %ne3A_264 = arith.cmpi ne, %add3A_155, %add3A_165 : i32
          %or3A_265 = arith.constant false
          %or3A_266 = arith.ori %or3A_265, %ne3A_264 : i1
          %or3A_267 = arith.constant false
          %or3A_268 = arith.ori %or3A_266, %or3A_267 : i1
          %not3A_269 = arith.constant true
          %not3A_270 = arith.xori %eq3A_151, %not3A_269 : i1
          %and3A_271 = arith.andi %or3A_268, %not3A_270 : i1
          %convert_element_type3A_272 = arith.extui %and3A_271 : i1 to i32
          %cond3A_273 = arith.constant 0 : i32
          %cond3A_274 = arith.cmpi ne, %convert_element_type3A_272, %cond3A_273 : i32
          scf.if %cond3A_274 {
            "tpu.trace_start"() <{level = 10 : i32, message = "ep_wait_out"}> : () -> ()
            %rem3A_294 = arith.constant 2 : i32
            %rem3A_295 = arith.remui %while3A_146, %rem3A_294 : i32
            %mul3A_296 = arith.constant 128 : i32
            %mul3A_297 = arith.muli %mul3A_296, %add3A_165 : i32
            %dma_wait3A = arith.constant 0 : i32
            %dma_wait3A_298 = arith.constant 0 : i32
            %dma_wait3A_299 = tpu.memref_slice %run_scoped3A_18[%rem3A_295, %dma_wait3A, %dma_wait3A_298] : memref<2x128x128xf32, #tpu.memory_space<vmem>> -> memref<1x128x128xf32, #tpu.memory_space<vmem>>
            %dma_wait3A_300 = tpu.memref_squeeze %dma_wait3A_299 : memref<1x128x128xf32, #tpu.memory_space<vmem>> -> memref<128x128xf32, #tpu.memory_space<vmem>>
            %dma_wait3A_301 = arith.constant 0 : i32
            %dma_wait3A_302 = tpu.memref_slice %arg4[%mul3A_297, %dma_wait3A_301] : memref<2400000x128xf32, #tpu.memory_space<hbm>> -> memref<128x128xf32, #tpu.memory_space<hbm>>
            %dma_wait3A_303 = tpu.memref_slice %run_scoped3A_19[%rem3A_295] : memref<2x!tpu.dma_semaphore, #tpu.memory_space<semaphore_mem>> -> memref<1x!tpu.dma_semaphore, #tpu.memory_space<semaphore_mem>>
            %dma_wait3A_304 = tpu.memref_squeeze %dma_wait3A_303 : memref<1x!tpu.dma_semaphore, #tpu.memory_space<semaphore_mem>> -> memref<!tpu.dma_semaphore, #tpu.memory_space<semaphore_mem>>
            %dma_wait3A_305 = arith.constant 0 : i32
            %dma_wait3A_306 = tpu.memref_slice %arg4[%mul3A_297, %dma_wait3A_305] : memref<2400000x128xf32, #tpu.memory_space<hbm>> -> memref<128x128xf32, #tpu.memory_space<hbm>>
            %dma_wait3A_307 = arith.constant 0 : i32
            %dma_wait3A_308 = arith.constant 0 : i32
            %dma_wait3A_309 = tpu.memref_slice %run_scoped3A_18[%rem3A_295, %dma_wait3A_307, %dma_wait3A_308] : memref<2x128x128xf32, #tpu.memory_space<vmem>> -> memref<1x128x128xf32, #tpu.memory_space<vmem>>
            %dma_wait3A_310 = tpu.memref_squeeze %dma_wait3A_309 : memref<1x128x128xf32, #tpu.memory_space<vmem>> -> memref<128x128xf32, #tpu.memory_space<vmem>>
            tpu.wait_dma2 semaphore(%dma_wait3A_304 : memref<!tpu.dma_semaphore, #tpu.memory_space<semaphore_mem>>) src(%dma_wait3A_310 : memref<128x128xf32, #tpu.memory_space<vmem>>) dst(%dma_wait3A_306 : memref<128x128xf32, #tpu.memory_space<hbm>>)
            "tpu.trace_stop"() : () -> ()
          } else {
          }
          %and3A_275 = arith.constant true
          %and3A_276 = arith.andi %and3A_271, %and3A_275 : i1
          %add3A_277 = arith.constant 1 : i32
          %add3A_278 = arith.addi %while3A_146, %add3A_277 : i32
          %select_n3A_279 = arith.select %and3A_276, %add3A_278, %while3A_146 : i32
          %ne3A_280 = arith.cmpi ne, %add3A_155, %add3A_173 : i32
          %or3A_281 = arith.constant false
          %or3A_282 = arith.ori %or3A_281, %ne3A_280 : i1
          %or3A_283 = arith.ori %or3A_282, %eq3A_154 : i1
          %add3A_284 = arith.constant 1 : i32
          %add3A_285 = arith.addi %while3A_144, %add3A_284 : i32
          %select_n3A_286 = arith.select %or3A_283, %add3A_285, %while3A_144 : i32
          %add3A_287 = arith.constant 1 : i32
          %add3A_288 = arith.addi %while3A_147, %add3A_287 : i32
          %select_n3A_289 = arith.constant true
          %select_n3A_290 = arith.select %select_n3A_289, %add3A_288, %while3A_147 : i32
          %eq3A_291 = arith.cmpi eq, %select_n3A_290, %select_n3A : i32
          %select_n3A_292 = arith.constant 0 : i32
          %select_n3A_293 = arith.select %eq3A_291, %select_n3A_292, %select_n3A_290 : i32
          scf.yield %select_n3A_195, %select_n3A_286, %select_n3A_252, %select_n3A_279, %select_n3A_293 : i32, i32, i32, i32, i32
        }
        %while3A_89 = arith.constant 1 : i32
        %while3A_90:5 = scf.for %while3A_142 = %while3A_86 to %while3A_82 step %while3A_89 iter_args(%while3A_143 = %while3A_88#0, %while3A_144 = %while3A_88#1, %while3A_145 = %while3A_88#2, %while3A_146 = %while3A_88#3, %while3A_147 = %while3A_88#4) -> (i32, i32, i32, i32, i32)  : i32 {
          %mul3A_148 = arith.constant 1 : i32
          %mul3A_149 = arith.muli %mul3A_148, %select_n3A : i32
          %eq3A_150 = arith.constant 0 : i32
          %eq3A_151 = arith.cmpi eq, %while3A_142, %eq3A_150 : i32
          %sub3A_152 = arith.constant 1 : i32
          %sub3A_153 = arith.subi %mul3A_149, %sub3A_152 : i32
          %eq3A_154 = arith.cmpi eq, %while3A_142, %sub3A_153 : i32
          %add3A_155 = arith.addi %while3A_147, %select_n3A_14 : i32
          %sub3A_156 = arith.constant 1 : i32
          %sub3A_157 = arith.subi %while3A_147, %sub3A_156 : i32
          %select_n3A_158 = arith.constant true
          %select_n3A_159 = arith.select %select_n3A_158, %sub3A_157, %while3A_147 : i32
          %eq3A_160 = arith.constant -1 : i32
          %eq3A_161 = arith.cmpi eq, %select_n3A_159, %eq3A_160 : i32
          %sub3A_162 = arith.constant 1 : i32
          %sub3A_163 = arith.subi %select_n3A, %sub3A_162 : i32
          %select_n3A_164 = arith.select %eq3A_161, %sub3A_163, %select_n3A_159 : i32
          %add3A_165 = arith.addi %select_n3A_164, %select_n3A_14 : i32
          %add3A_166 = arith.constant 1 : i32
          %add3A_167 = arith.addi %while3A_147, %add3A_166 : i32
          %select_n3A_168 = arith.constant true
          %select_n3A_169 = arith.select %select_n3A_168, %add3A_167, %while3A_147 : i32
          %eq3A_170 = arith.cmpi eq, %select_n3A_169, %select_n3A : i32
          %select_n3A_171 = arith.constant 0 : i32
          %select_n3A_172 = arith.select %eq3A_170, %select_n3A_171, %select_n3A_169 : i32
          %add3A_173 = arith.addi %select_n3A_172, %select_n3A_14 : i32
          %add3A_174 = arith.constant 1 : i32
          %add3A_175 = arith.addi %select_n3A_172, %add3A_174 : i32
          %select_n3A_176 = arith.constant true
          %select_n3A_177 = arith.select %select_n3A_176, %add3A_175, %select_n3A_172 : i32
          %eq3A_178 = arith.cmpi eq, %select_n3A_177, %select_n3A : i32
          %select_n3A_179 = arith.constant 0 : i32
          %select_n3A_180 = arith.select %eq3A_178, %select_n3A_179, %select_n3A_177 : i32
          %add3A_181 = arith.addi %select_n3A_180, %select_n3A_14 : i32
          %ne3A = arith.cmpi ne, %add3A_155, %add3A_173 : i32
          %or3A = arith.constant false
          %or3A_182 = arith.ori %or3A, %ne3A : i1
          %sub3A_183 = arith.constant 2 : i32
          %sub3A_184 = arith.subi %mul3A_149, %sub3A_183 : i32
          %add3A_185 = arith.constant 1 : i32
          %add3A_186 = arith.addi %sub3A_184, %add3A_185 : i32
          %ge3A = arith.cmpi sge, %while3A_142, %add3A_186 : i32
          %not3A = arith.constant true
          %not3A_187 = arith.xori %ge3A, %not3A : i1
          %and3A = arith.andi %or3A_182, %not3A_187 : i1
          %convert_element_type3A_188 = arith.extui %and3A : i1 to i32
          %cond3A_189 = arith.constant 0 : i32
          %cond3A_190 = arith.cmpi ne, %convert_element_type3A_188, %cond3A_189 : i32
          scf.if %cond3A_190 {
            "tpu.trace_start"() <{level = 10 : i32, message = "ep_copy_in"}> : () -> ()
            %rem3A_294 = arith.constant 2 : i32
            %rem3A_295 = arith.remui %while3A_143, %rem3A_294 : i32
            %mul3A_296 = arith.constant 128 : i32
            %mul3A_297 = arith.muli %mul3A_296, %add3A_173 : i32
            %dma_start3A_298 = arith.constant 0 : i32
            %dma_start3A_299 = arith.constant 0 : i32
            %dma_start3A_300 = tpu.memref_slice %run_scoped3A[%rem3A_295, %dma_start3A_298, %dma_start3A_299] : memref<2x1x128xi32, #tpu.memory_space<vmem>> -> memref<1x1x128xi32, #tpu.memory_space<vmem>>
            %dma_start3A_301 = tpu.memref_squeeze %dma_start3A_300 : memref<1x1x128xi32, #tpu.memory_space<vmem>> -> memref<1x128xi32, #tpu.memory_space<vmem>>
            %dma_start3A_302 = arith.constant 0 : i32
            %dma_start3A_303 = tpu.memref_slice %arg3[%dma_start3A_302, %mul3A_297] : memref<1x2400000xi32, #tpu.memory_space<hbm>> -> memref<1x128xi32, #tpu.memory_space<hbm>>
            %dma_start3A_304 = tpu.memref_slice %run_scoped3A_17[%rem3A_295] : memref<2x!tpu.dma_semaphore, #tpu.memory_space<semaphore_mem>> -> memref<1x!tpu.dma_semaphore, #tpu.memory_space<semaphore_mem>>
            %dma_start3A_305 = tpu.memref_squeeze %dma_start3A_304 : memref<1x!tpu.dma_semaphore, #tpu.memory_space<semaphore_mem>> -> memref<!tpu.dma_semaphore, #tpu.memory_space<semaphore_mem>>
            %dma_start3A_306 = arith.constant 0 : i32
            %dma_start3A_307 = arith.constant 0 : i32
            %dma_start3A_308 = tpu.memref_slice %run_scoped3A[%rem3A_295, %dma_start3A_306, %dma_start3A_307] : memref<2x1x128xi32, #tpu.memory_space<vmem>> -> memref<1x1x128xi32, #tpu.memory_space<vmem>>
            %dma_start3A_309 = tpu.memref_squeeze %dma_start3A_308 : memref<1x1x128xi32, #tpu.memory_space<vmem>> -> memref<1x128xi32, #tpu.memory_space<vmem>>
            %dma_start3A_310 = arith.constant 0 : i32
            %dma_start3A_311 = tpu.memref_slice %arg3[%dma_start3A_310, %mul3A_297] : memref<1x2400000xi32, #tpu.memory_space<hbm>> -> memref<1x128xi32, #tpu.memory_space<hbm>>
            tpu.enqueue_dma source(%dma_start3A_311 : memref<1x128xi32, #tpu.memory_space<hbm>>) target(%dma_start3A_309 : memref<1x128xi32, #tpu.memory_space<vmem>>) target_semaphore(%dma_start3A_305 : memref<!tpu.dma_semaphore, #tpu.memory_space<semaphore_mem>>)
            "tpu.trace_stop"() : () -> ()
          } else {
          }
          %and3A_191 = arith.constant true
          %and3A_192 = arith.andi %and3A, %and3A_191 : i1
          %add3A_193 = arith.constant 1 : i32
          %add3A_194 = arith.addi %while3A_143, %add3A_193 : i32
          %select_n3A_195 = arith.select %and3A_192, %add3A_194, %while3A_143 : i32
          %ne3A_196 = arith.cmpi ne, %add3A_155, %add3A_173 : i32
          %or3A_197 = arith.constant false
          %or3A_198 = arith.ori %or3A_197, %ne3A_196 : i1
          %or3A_199 = arith.constant false
          %or3A_200 = arith.ori %or3A_198, %or3A_199 : i1
          %sub3A_201 = arith.constant 2 : i32
          %sub3A_202 = arith.subi %mul3A_149, %sub3A_201 : i32
          %add3A_203 = arith.constant 1 : i32
          %add3A_204 = arith.addi %sub3A_202, %add3A_203 : i32
          %ge3A_205 = arith.cmpi sge, %while3A_142, %add3A_204 : i32
          %not3A_206 = arith.constant true
          %not3A_207 = arith.xori %ge3A_205, %not3A_206 : i1
          %and3A_208 = arith.andi %or3A_200, %not3A_207 : i1
          %ne3A_209 = arith.cmpi ne, %add3A_155, %add3A_165 : i32
          %or3A_210 = arith.constant false
          %or3A_211 = arith.ori %or3A_210, %ne3A_209 : i1
          %or3A_212 = arith.ori %or3A_211, %eq3A_151 : i1
          %convert_element_type3A_213 = arith.extui %or3A_212 : i1 to i32
          %cond3A_214 = arith.constant 0 : i32
          %cond3A_215 = arith.cmpi ne, %convert_element_type3A_213, %cond3A_214 : i32
          scf.if %cond3A_215 {
            "tpu.trace_start"() <{level = 10 : i32, message = "ep_wait_in"}> : () -> ()
            %mul3A_294 = arith.constant 128 : i32
            %mul3A_295 = arith.muli %mul3A_294, %add3A_155 : i32
            %rem3A_296 = arith.constant 2 : i32
            %rem3A_297 = arith.remui %while3A_144, %rem3A_296 : i32
            %dma_wait3A = arith.constant 0 : i32
            %dma_wait3A_298 = arith.constant 0 : i32
            %dma_wait3A_299 = tpu.memref_slice %run_scoped3A[%rem3A_297, %dma_wait3A, %dma_wait3A_298] : memref<2x1x128xi32, #tpu.memory_space<vmem>> -> memref<1x1x128xi32, #tpu.memory_space<vmem>>
            %dma_wait3A_300 = tpu.memref_squeeze %dma_wait3A_299 : memref<1x1x128xi32, #tpu.memory_space<vmem>> -> memref<1x128xi32, #tpu.memory_space<vmem>>
            %dma_wait3A_301 = arith.constant 0 : i32
            %dma_wait3A_302 = tpu.memref_slice %arg3[%dma_wait3A_301, %mul3A_295] : memref<1x2400000xi32, #tpu.memory_space<hbm>> -> memref<1x128xi32, #tpu.memory_space<hbm>>
            %dma_wait3A_303 = tpu.memref_slice %run_scoped3A_17[%rem3A_297] : memref<2x!tpu.dma_semaphore, #tpu.memory_space<semaphore_mem>> -> memref<1x!tpu.dma_semaphore, #tpu.memory_space<semaphore_mem>>
            %dma_wait3A_304 = tpu.memref_squeeze %dma_wait3A_303 : memref<1x!tpu.dma_semaphore, #tpu.memory_space<semaphore_mem>> -> memref<!tpu.dma_semaphore, #tpu.memory_space<semaphore_mem>>
            %dma_wait3A_305 = arith.constant 0 : i32
            %dma_wait3A_306 = arith.constant 0 : i32
            %dma_wait3A_307 = tpu.memref_slice %run_scoped3A[%rem3A_297, %dma_wait3A_305, %dma_wait3A_306] : memref<2x1x128xi32, #tpu.memory_space<vmem>> -> memref<1x1x128xi32, #tpu.memory_space<vmem>>
            %dma_wait3A_308 = tpu.memref_squeeze %dma_wait3A_307 : memref<1x1x128xi32, #tpu.memory_space<vmem>> -> memref<1x128xi32, #tpu.memory_space<vmem>>
            %dma_wait3A_309 = arith.constant 0 : i32
            %dma_wait3A_310 = tpu.memref_slice %arg3[%dma_wait3A_309, %mul3A_295] : memref<1x2400000xi32, #tpu.memory_space<hbm>> -> memref<1x128xi32, #tpu.memory_space<hbm>>
            tpu.wait_dma2 semaphore(%dma_wait3A_304 : memref<!tpu.dma_semaphore, #tpu.memory_space<semaphore_mem>>) src(%dma_wait3A_310 : memref<1x128xi32, #tpu.memory_space<hbm>>) dst(%dma_wait3A_308 : memref<1x128xi32, #tpu.memory_space<vmem>>)
            "tpu.trace_stop"() : () -> ()
          } else {
          }
          %ne3A_216 = arith.cmpi ne, %add3A_155, %add3A_165 : i32
          %or3A_217 = arith.constant false
          %or3A_218 = arith.ori %or3A_217, %ne3A_216 : i1
          %or3A_219 = arith.constant false
          %or3A_220 = arith.ori %or3A_218, %or3A_219 : i1
          %or3A_221 = arith.ori %or3A_220, %eq3A_151 : i1
          %convert_element_type3A_222 = arith.extui %or3A_221 : i1 to i32
          %cond3A_223 = arith.constant 0 : i32
          %cond3A_224 = arith.cmpi ne, %convert_element_type3A_222, %cond3A_223 : i32
          scf.if %cond3A_224 {
          } else {
          }
          %rem3A_225 = arith.constant 2 : i32
          %rem3A_226 = arith.remui %while3A_144, %rem3A_225 : i32
          %rem3A_227 = arith.constant 2 : i32
          %rem3A_228 = arith.remui %while3A_145, %rem3A_227 : i32
          %run_scoped3A_229 = arith.constant 0 : i32
          "tpu.trace_start"() <{level = 10 : i32, message = "ep_run_kernel"}> : () -> ()
          "tpu.region"() ({
            %run_scoped3A_294 = tpu.sem_alloc : memref<!tpu.dma_semaphore, #tpu.memory_space<semaphore_mem>>
            %dma_start3A_295 = arith.constant 0 : i32
            %dma_start3A_296 = arith.constant 0 : i32
            %dma_start3A_297 = tpu.memref_slice %run_scoped3A_18[%rem3A_228, %dma_start3A_295, %dma_start3A_296] : memref<2x128x128xf32, #tpu.memory_space<vmem>> -> memref<1x128x128xf32, #tpu.memory_space<vmem>>
            %dma_start3A_298 = tpu.memref_squeeze %dma_start3A_297 : memref<1x128x128xf32, #tpu.memory_space<vmem>> -> memref<128x128xf32, #tpu.memory_space<vmem>>
            %dma_start3A_299 = arith.constant 0 : i32
            %dma_start3A_300 = arith.constant 0 : i32
            %dma_start3A_301 = tpu.memref_slice %run_scoped3A[%rem3A_226, %dma_start3A_299, %dma_start3A_300] : memref<2x1x128xi32, #tpu.memory_space<vmem>> -> memref<1x1x128xi32, #tpu.memory_space<vmem>>
            %dma_start3A_302 = tpu.memref_squeeze %dma_start3A_301 : memref<1x1x128xi32, #tpu.memory_space<vmem>> -> memref<1x128xi32, #tpu.memory_space<vmem>>
            %dma_start3A_303 = arith.constant 0 : i32
            %dma_start3A_304 = tpu.memref_slice %dma_start3A_302[%run_scoped3A_229, %dma_start3A_303] : memref<1x128xi32, #tpu.memory_space<vmem>> -> memref<1x128xi32, #tpu.memory_space<vmem>>
            %dma_start3A_305 = tpu.memref_squeeze %dma_start3A_304 : memref<1x128xi32, #tpu.memory_space<vmem>> -> memref<128xi32, #tpu.memory_space<vmem>>
            %dma_start3A_306 = arith.constant 0 : i32
            %dma_start3A_307 = arith.constant 0 : i32
            %dma_start3A_308 = tpu.memref_slice %arg2[%dma_start3A_306, %dma_start3A_307] : memref<200000x128xf32, #tpu.memory_space<hbm>> -> memref<200000x128xf32, #tpu.memory_space<hbm>>
            tpu.enqueue_indirect_dma source(%dma_start3A_308 : memref<200000x128xf32, #tpu.memory_space<hbm>>) target(%dma_start3A_298 : memref<128x128xf32, #tpu.memory_space<vmem>>) offsets(%dma_start3A_305 : memref<128xi32, #tpu.memory_space<vmem>>) semaphore(%run_scoped3A_294 : memref<!tpu.dma_semaphore, #tpu.memory_space<semaphore_mem>>)
            %dma_wait3A = arith.constant 0 : i32
            %dma_wait3A_309 = arith.constant 0 : i32
            %dma_wait3A_310 = tpu.memref_slice %run_scoped3A_18[%rem3A_228, %dma_wait3A, %dma_wait3A_309] : memref<2x128x128xf32, #tpu.memory_space<vmem>> -> memref<1x128x128xf32, #tpu.memory_space<vmem>>
            %dma_wait3A_311 = tpu.memref_squeeze %dma_wait3A_310 : memref<1x128x128xf32, #tpu.memory_space<vmem>> -> memref<128x128xf32, #tpu.memory_space<vmem>>
            %dma_wait3A_312 = arith.constant 0 : i32
            %dma_wait3A_313 = arith.constant 0 : i32
            %dma_wait3A_314 = tpu.memref_slice %run_scoped3A[%rem3A_226, %dma_wait3A_312, %dma_wait3A_313] : memref<2x1x128xi32, #tpu.memory_space<vmem>> -> memref<1x1x128xi32, #tpu.memory_space<vmem>>
            %dma_wait3A_315 = tpu.memref_squeeze %dma_wait3A_314 : memref<1x1x128xi32, #tpu.memory_space<vmem>> -> memref<1x128xi32, #tpu.memory_space<vmem>>
            %dma_wait3A_316 = arith.constant 0 : i32
            %dma_wait3A_317 = tpu.memref_slice %dma_wait3A_315[%run_scoped3A_229, %dma_wait3A_316] : memref<1x128xi32, #tpu.memory_space<vmem>> -> memref<1x128xi32, #tpu.memory_space<vmem>>
            %dma_wait3A_318 = tpu.memref_squeeze %dma_wait3A_317 : memref<1x128xi32, #tpu.memory_space<vmem>> -> memref<128xi32, #tpu.memory_space<vmem>>
            %dma_wait3A_319 = arith.constant 0 : i32
            %dma_wait3A_320 = arith.constant 0 : i32
            %dma_wait3A_321 = tpu.memref_slice %arg2[%dma_wait3A_319, %dma_wait3A_320] : memref<200000x128xf32, #tpu.memory_space<hbm>> -> memref<200000x128xf32, #tpu.memory_space<hbm>>
            tpu.wait_indirect_dma semaphore(%run_scoped3A_294 : memref<!tpu.dma_semaphore, #tpu.memory_space<semaphore_mem>>) src(%dma_wait3A_321 : memref<200000x128xf32, #tpu.memory_space<hbm>>) dst(%dma_wait3A_311 : memref<128x128xf32, #tpu.memory_space<vmem>>)
            tpu.yield
          }) : () -> ()
          "tpu.trace_stop"() : () -> ()
          %ne3A_230 = arith.cmpi ne, %add3A_155, %add3A_173 : i32
          %or3A_231 = arith.constant false
          %or3A_232 = arith.ori %or3A_231, %ne3A_230 : i1
          %or3A_233 = arith.ori %or3A_232, %eq3A_154 : i1
          %convert_element_type3A_234 = arith.extui %or3A_233 : i1 to i32
          %cond3A_235 = arith.constant 0 : i32
          %cond3A_236 = arith.cmpi ne, %convert_element_type3A_234, %cond3A_235 : i32
          scf.if %cond3A_236 {
          } else {
          }
          %and3A_237 = arith.constant false
          %and3A_238 = arith.andi %or3A_233, %and3A_237 : i1
          %ne3A_239 = arith.cmpi ne, %add3A_155, %add3A_173 : i32
          %or3A_240 = arith.constant false
          %or3A_241 = arith.ori %or3A_240, %ne3A_239 : i1
          %or3A_242 = arith.constant false
          %or3A_243 = arith.ori %or3A_241, %or3A_242 : i1
          %or3A_244 = arith.ori %or3A_243, %eq3A_154 : i1
          %convert_element_type3A_245 = arith.extui %or3A_244 : i1 to i32
          %cond3A_246 = arith.constant 0 : i32
          %cond3A_247 = arith.cmpi ne, %convert_element_type3A_245, %cond3A_246 : i32
          scf.if %cond3A_247 {
            "tpu.trace_start"() <{level = 10 : i32, message = "ep_copy_out"}> : () -> ()
            %rem3A_294 = arith.constant 2 : i32
            %rem3A_295 = arith.remui %while3A_145, %rem3A_294 : i32
            %mul3A_296 = arith.constant 128 : i32
            %mul3A_297 = arith.muli %mul3A_296, %add3A_155 : i32
            %dma_start3A_298 = arith.constant 0 : i32
            %dma_start3A_299 = arith.constant 0 : i32
            %dma_start3A_300 = tpu.memref_slice %run_scoped3A_18[%rem3A_295, %dma_start3A_298, %dma_start3A_299] : memref<2x128x128xf32, #tpu.memory_space<vmem>> -> memref<1x128x128xf32, #tpu.memory_space<vmem>>
            %dma_start3A_301 = tpu.memref_squeeze %dma_start3A_300 : memref<1x128x128xf32, #tpu.memory_space<vmem>> -> memref<128x128xf32, #tpu.memory_space<vmem>>
            %dma_start3A_302 = arith.constant 0 : i32
            %dma_start3A_303 = tpu.memref_slice %arg4[%mul3A_297, %dma_start3A_302] : memref<2400000x128xf32, #tpu.memory_space<hbm>> -> memref<128x128xf32, #tpu.memory_space<hbm>>
            %dma_start3A_304 = tpu.memref_slice %run_scoped3A_19[%rem3A_295] : memref<2x!tpu.dma_semaphore, #tpu.memory_space<semaphore_mem>> -> memref<1x!tpu.dma_semaphore, #tpu.memory_space<semaphore_mem>>
            %dma_start3A_305 = tpu.memref_squeeze %dma_start3A_304 : memref<1x!tpu.dma_semaphore, #tpu.memory_space<semaphore_mem>> -> memref<!tpu.dma_semaphore, #tpu.memory_space<semaphore_mem>>
            %dma_start3A_306 = arith.constant 0 : i32
            %dma_start3A_307 = tpu.memref_slice %arg4[%mul3A_297, %dma_start3A_306] : memref<2400000x128xf32, #tpu.memory_space<hbm>> -> memref<128x128xf32, #tpu.memory_space<hbm>>
            %dma_start3A_308 = arith.constant 0 : i32
            %dma_start3A_309 = arith.constant 0 : i32
            %dma_start3A_310 = tpu.memref_slice %run_scoped3A_18[%rem3A_295, %dma_start3A_308, %dma_start3A_309] : memref<2x128x128xf32, #tpu.memory_space<vmem>> -> memref<1x128x128xf32, #tpu.memory_space<vmem>>
            %dma_start3A_311 = tpu.memref_squeeze %dma_start3A_310 : memref<1x128x128xf32, #tpu.memory_space<vmem>> -> memref<128x128xf32, #tpu.memory_space<vmem>>
            tpu.enqueue_dma source(%dma_start3A_311 : memref<128x128xf32, #tpu.memory_space<vmem>>) target(%dma_start3A_307 : memref<128x128xf32, #tpu.memory_space<hbm>>) target_semaphore(%dma_start3A_305 : memref<!tpu.dma_semaphore, #tpu.memory_space<semaphore_mem>>)
            "tpu.trace_stop"() : () -> ()
          } else {
          }
          %and3A_248 = arith.constant true
          %and3A_249 = arith.andi %or3A_244, %and3A_248 : i1
          %add3A_250 = arith.constant 1 : i32
          %add3A_251 = arith.addi %while3A_145, %add3A_250 : i32
          %select_n3A_252 = arith.select %and3A_249, %add3A_251, %while3A_145 : i32
          %ne3A_253 = arith.cmpi ne, %add3A_155, %add3A_165 : i32
          %or3A_254 = arith.constant false
          %or3A_255 = arith.ori %or3A_254, %ne3A_253 : i1
          %not3A_256 = arith.constant true
          %not3A_257 = arith.xori %eq3A_151, %not3A_256 : i1
          %and3A_258 = arith.andi %or3A_255, %not3A_257 : i1
          %convert_element_type3A_259 = arith.extui %and3A_258 : i1 to i32
          %cond3A_260 = arith.constant 0 : i32
          %cond3A_261 = arith.cmpi ne, %convert_element_type3A_259, %cond3A_260 : i32
          scf.if %cond3A_261 {
          } else {
          }
          %and3A_262 = arith.constant false
          %and3A_263 = arith.andi %and3A_258, %and3A_262 : i1
          %ne3A_264 = arith.cmpi ne, %add3A_155, %add3A_165 : i32
          %or3A_265 = arith.constant false
          %or3A_266 = arith.ori %or3A_265, %ne3A_264 : i1
          %or3A_267 = arith.constant false
          %or3A_268 = arith.ori %or3A_266, %or3A_267 : i1
          %not3A_269 = arith.constant true
          %not3A_270 = arith.xori %eq3A_151, %not3A_269 : i1
          %and3A_271 = arith.andi %or3A_268, %not3A_270 : i1
          %convert_element_type3A_272 = arith.extui %and3A_271 : i1 to i32
          %cond3A_273 = arith.constant 0 : i32
          %cond3A_274 = arith.cmpi ne, %convert_element_type3A_272, %cond3A_273 : i32
          scf.if %cond3A_274 {
            "tpu.trace_start"() <{level = 10 : i32, message = "ep_wait_out"}> : () -> ()
            %rem3A_294 = arith.constant 2 : i32
            %rem3A_295 = arith.remui %while3A_146, %rem3A_294 : i32
            %mul3A_296 = arith.constant 128 : i32
            %mul3A_297 = arith.muli %mul3A_296, %add3A_165 : i32
            %dma_wait3A = arith.constant 0 : i32
            %dma_wait3A_298 = arith.constant 0 : i32
            %dma_wait3A_299 = tpu.memref_slice %run_scoped3A_18[%rem3A_295, %dma_wait3A, %dma_wait3A_298] : memref<2x128x128xf32, #tpu.memory_space<vmem>> -> memref<1x128x128xf32, #tpu.memory_space<vmem>>
            %dma_wait3A_300 = tpu.memref_squeeze %dma_wait3A_299 : memref<1x128x128xf32, #tpu.memory_space<vmem>> -> memref<128x128xf32, #tpu.memory_space<vmem>>
            %dma_wait3A_301 = arith.constant 0 : i32
            %dma_wait3A_302 = tpu.memref_slice %arg4[%mul3A_297, %dma_wait3A_301] : memref<2400000x128xf32, #tpu.memory_space<hbm>> -> memref<128x128xf32, #tpu.memory_space<hbm>>
            %dma_wait3A_303 = tpu.memref_slice %run_scoped3A_19[%rem3A_295] : memref<2x!tpu.dma_semaphore, #tpu.memory_space<semaphore_mem>> -> memref<1x!tpu.dma_semaphore, #tpu.memory_space<semaphore_mem>>
            %dma_wait3A_304 = tpu.memref_squeeze %dma_wait3A_303 : memref<1x!tpu.dma_semaphore, #tpu.memory_space<semaphore_mem>> -> memref<!tpu.dma_semaphore, #tpu.memory_space<semaphore_mem>>
            %dma_wait3A_305 = arith.constant 0 : i32
            %dma_wait3A_306 = tpu.memref_slice %arg4[%mul3A_297, %dma_wait3A_305] : memref<2400000x128xf32, #tpu.memory_space<hbm>> -> memref<128x128xf32, #tpu.memory_space<hbm>>
            %dma_wait3A_307 = arith.constant 0 : i32
            %dma_wait3A_308 = arith.constant 0 : i32
            %dma_wait3A_309 = tpu.memref_slice %run_scoped3A_18[%rem3A_295, %dma_wait3A_307, %dma_wait3A_308] : memref<2x128x128xf32, #tpu.memory_space<vmem>> -> memref<1x128x128xf32, #tpu.memory_space<vmem>>
            %dma_wait3A_310 = tpu.memref_squeeze %dma_wait3A_309 : memref<1x128x128xf32, #tpu.memory_space<vmem>> -> memref<128x128xf32, #tpu.memory_space<vmem>>
            tpu.wait_dma2 semaphore(%dma_wait3A_304 : memref<!tpu.dma_semaphore, #tpu.memory_space<semaphore_mem>>) src(%dma_wait3A_310 : memref<128x128xf32, #tpu.memory_space<vmem>>) dst(%dma_wait3A_306 : memref<128x128xf32, #tpu.memory_space<hbm>>)
            "tpu.trace_stop"() : () -> ()
          } else {
          }
          %and3A_275 = arith.constant true
          %and3A_276 = arith.andi %and3A_271, %and3A_275 : i1
          %add3A_277 = arith.constant 1 : i32
          %add3A_278 = arith.addi %while3A_146, %add3A_277 : i32
          %select_n3A_279 = arith.select %and3A_276, %add3A_278, %while3A_146 : i32
          %ne3A_280 = arith.cmpi ne, %add3A_155, %add3A_173 : i32
          %or3A_281 = arith.constant false
          %or3A_282 = arith.ori %or3A_281, %ne3A_280 : i1
          %or3A_283 = arith.ori %or3A_282, %eq3A_154 : i1
          %add3A_284 = arith.constant 1 : i32
          %add3A_285 = arith.addi %while3A_144, %add3A_284 : i32
          %select_n3A_286 = arith.select %or3A_283, %add3A_285, %while3A_144 : i32
          %add3A_287 = arith.constant 1 : i32
          %add3A_288 = arith.addi %while3A_147, %add3A_287 : i32
          %select_n3A_289 = arith.constant true
          %select_n3A_290 = arith.select %select_n3A_289, %add3A_288, %while3A_147 : i32
          %eq3A_291 = arith.cmpi eq, %select_n3A_290, %select_n3A : i32
          %select_n3A_292 = arith.constant 0 : i32
          %select_n3A_293 = arith.select %eq3A_291, %select_n3A_292, %select_n3A_290 : i32
          scf.yield %select_n3A_195, %select_n3A_286, %select_n3A_252, %select_n3A_279, %select_n3A_293 : i32, i32, i32, i32, i32
        }
        %sub3A_91 = arith.constant 1 : i32
        %sub3A_92 = arith.subi %while3A_90#4, %sub3A_91 : i32
        %select_n3A_93 = arith.constant true
        %select_n3A_94 = arith.select %select_n3A_93, %sub3A_92, %while3A_90#4 : i32
        %eq3A_95 = arith.constant -1 : i32
        %eq3A_96 = arith.cmpi eq, %select_n3A_94, %eq3A_95 : i32
        %sub3A_97 = arith.constant 1 : i32
        %sub3A_98 = arith.subi %select_n3A, %sub3A_97 : i32
        %select_n3A_99 = arith.select %eq3A_96, %sub3A_98, %select_n3A_94 : i32
        %sub3A_100 = arith.constant 1 : i32
        %sub3A_101 = arith.subi %mul3A_16, %sub3A_100 : i32
        %mul3A_102 = arith.constant 1 : i32
        %mul3A_103 = arith.muli %mul3A_102, %select_n3A : i32
        %eq3A_104 = arith.constant 0 : i32
        %eq3A_105 = arith.cmpi eq, %sub3A_101, %eq3A_104 : i32
        %sub3A_106 = arith.constant 1 : i32
        %sub3A_107 = arith.subi %mul3A_103, %sub3A_106 : i32
        %eq3A_108 = arith.cmpi eq, %sub3A_101, %sub3A_107 : i32
        %add3A_109 = arith.addi %select_n3A_99, %select_n3A_14 : i32
        %sub3A_110 = arith.constant 1 : i32
        %sub3A_111 = arith.subi %select_n3A_99, %sub3A_110 : i32
        %select_n3A_112 = arith.constant true
        %select_n3A_113 = arith.select %select_n3A_112, %sub3A_111, %select_n3A_99 : i32
        %eq3A_114 = arith.constant -1 : i32
        %eq3A_115 = arith.cmpi eq, %select_n3A_113, %eq3A_114 : i32
        %sub3A_116 = arith.constant 1 : i32
        %sub3A_117 = arith.subi %select_n3A, %sub3A_116 : i32
        %select_n3A_118 = arith.select %eq3A_115, %sub3A_117, %select_n3A_113 : i32
        %add3A_119 = arith.addi %select_n3A_118, %select_n3A_14 : i32
        %add3A_120 = arith.constant 1 : i32
        %add3A_121 = arith.addi %select_n3A_99, %add3A_120 : i32
        %select_n3A_122 = arith.constant true
        %select_n3A_123 = arith.select %select_n3A_122, %add3A_121, %select_n3A_99 : i32
        %eq3A_124 = arith.cmpi eq, %select_n3A_123, %select_n3A : i32
        %select_n3A_125 = arith.constant 0 : i32
        %select_n3A_126 = arith.select %eq3A_124, %select_n3A_125, %select_n3A_123 : i32
        %add3A_127 = arith.addi %select_n3A_126, %select_n3A_14 : i32
        %add3A_128 = arith.constant 1 : i32
        %add3A_129 = arith.addi %select_n3A_126, %add3A_128 : i32
        %select_n3A_130 = arith.constant true
        %select_n3A_131 = arith.select %select_n3A_130, %add3A_129, %select_n3A_126 : i32
        %eq3A_132 = arith.cmpi eq, %select_n3A_131, %select_n3A : i32
        %select_n3A_133 = arith.constant 0 : i32
        %select_n3A_134 = arith.select %eq3A_132, %select_n3A_133, %select_n3A_131 : i32
        %add3A_135 = arith.addi %select_n3A_134, %select_n3A_14 : i32
        %convert_element_type3A_136 = arith.extui %eq3A_108 : i1 to i32
        %cond3A_137 = arith.constant 0 : i32
        %cond3A_138 = arith.cmpi ne, %convert_element_type3A_136, %cond3A_137 : i32
        scf.if %cond3A_138 {
        } else {
        }
        %convert_element_type3A_139 = arith.extui %eq3A_108 : i1 to i32
        %cond3A_140 = arith.constant 0 : i32
        %cond3A_141 = arith.cmpi ne, %convert_element_type3A_139, %cond3A_140 : i32
        scf.if %cond3A_141 {
          "tpu.trace_start"() <{level = 10 : i32, message = "ep_finalize"}> : () -> ()
          %rem3A_142 = arith.constant 2 : i32
          %rem3A_143 = arith.remui %while3A_90#3, %rem3A_142 : i32
          %mul3A_144 = arith.constant 128 : i32
          %mul3A_145 = arith.muli %mul3A_144, %add3A_109 : i32
          %dma_wait3A = arith.constant 0 : i32
          %dma_wait3A_146 = arith.constant 0 : i32
          %dma_wait3A_147 = tpu.memref_slice %run_scoped3A_18[%rem3A_143, %dma_wait3A, %dma_wait3A_146] : memref<2x128x128xf32, #tpu.memory_space<vmem>> -> memref<1x128x128xf32, #tpu.memory_space<vmem>>
          %dma_wait3A_148 = tpu.memref_squeeze %dma_wait3A_147 : memref<1x128x128xf32, #tpu.memory_space<vmem>> -> memref<128x128xf32, #tpu.memory_space<vmem>>
          %dma_wait3A_149 = arith.constant 0 : i32
          %dma_wait3A_150 = tpu.memref_slice %arg4[%mul3A_145, %dma_wait3A_149] : memref<2400000x128xf32, #tpu.memory_space<hbm>> -> memref<128x128xf32, #tpu.memory_space<hbm>>
          %dma_wait3A_151 = tpu.memref_slice %run_scoped3A_19[%rem3A_143] : memref<2x!tpu.dma_semaphore, #tpu.memory_space<semaphore_mem>> -> memref<1x!tpu.dma_semaphore, #tpu.memory_space<semaphore_mem>>
          %dma_wait3A_152 = tpu.memref_squeeze %dma_wait3A_151 : memref<1x!tpu.dma_semaphore, #tpu.memory_space<semaphore_mem>> -> memref<!tpu.dma_semaphore, #tpu.memory_space<semaphore_mem>>
          %dma_wait3A_153 = arith.constant 0 : i32
          %dma_wait3A_154 = tpu.memref_slice %arg4[%mul3A_145, %dma_wait3A_153] : memref<2400000x128xf32, #tpu.memory_space<hbm>> -> memref<128x128xf32, #tpu.memory_space<hbm>>
          %dma_wait3A_155 = arith.constant 0 : i32
          %dma_wait3A_156 = arith.constant 0 : i32
          %dma_wait3A_157 = tpu.memref_slice %run_scoped3A_18[%rem3A_143, %dma_wait3A_155, %dma_wait3A_156] : memref<2x128x128xf32, #tpu.memory_space<vmem>> -> memref<1x128x128xf32, #tpu.memory_space<vmem>>
          %dma_wait3A_158 = tpu.memref_squeeze %dma_wait3A_157 : memref<1x128x128xf32, #tpu.memory_space<vmem>> -> memref<128x128xf32, #tpu.memory_space<vmem>>
          tpu.wait_dma2 semaphore(%dma_wait3A_152 : memref<!tpu.dma_semaphore, #tpu.memory_space<semaphore_mem>>) src(%dma_wait3A_158 : memref<128x128xf32, #tpu.memory_space<vmem>>) dst(%dma_wait3A_154 : memref<128x128xf32, #tpu.memory_space<hbm>>)
          "tpu.trace_stop"() : () -> ()
        } else {
        }
      } else {
      }
      tpu.yield
    }) : () -> ()
    return
  }
}

#map = affine_map<(d0, d1) -> (0, 0)>
module attributes {stable_mosaic.version = 14 : i64} {
  func.func @gk(%arg0: i32, %arg1: i32, %arg2: memref<200000x128xf32, #tpu.memory_space<hbm>>, %arg3: memref<1x2400000xi32, #tpu.memory_space<hbm>>, %arg4: memref<2400000x128xf32, #tpu.memory_space<hbm>>) attributes {dimension_semantics = [#tpu.dimension_semantics<core_parallel>, #tpu.dimension_semantics<subcore_parallel>], iteration_bounds = array<i64: 2, 16>, scalar_prefetch = 0 : i64, scratch_operands = 0 : i64, tpu.core_type = #tpu.core_type<sc_vector_subcore>, window_params = [{transform_indices = #map}, {transform_indices = #map}, {transform_indices = #map}]} {
    %mul3A = arith.constant 1 : i32
    %mul3A_0 = arith.muli %arg1, %mul3A : i32
    %add3A = arith.constant 0 : i32
    %add3A_1 = arith.addi %add3A, %mul3A_0 : i32
    %mul3A_2 = arith.constant 16 : i32
    %mul3A_3 = arith.muli %arg0, %mul3A_2 : i32
    %add3A_4 = arith.addi %add3A_1, %mul3A_3 : i32
    %lt3A = arith.constant 30 : i32
    %lt3A_5 = arith.cmpi slt, %add3A_4, %lt3A : i32
    %jit3A = arith.constant 586 : i32
    %jit3A_6 = arith.constant 585 : i32
    %select_n3A = arith.select %lt3A_5, %jit3A, %jit3A_6 : i32
    %lt3A_7 = arith.constant 30 : i32
    %lt3A_8 = arith.cmpi slt, %add3A_4, %lt3A_7 : i32
    %mul3A_9 = arith.muli %add3A_4, %select_n3A : i32
    %mul3A_10 = arith.constant 585 : i32
    %mul3A_11 = arith.muli %add3A_4, %mul3A_10 : i32
    %add3A_12 = arith.constant 30 : i32
    %add3A_13 = arith.addi %mul3A_11, %add3A_12 : i32
    %select_n3A_14 = arith.select %lt3A_8, %mul3A_9, %add3A_13 : i32
    %mul3A_15 = arith.constant 1 : i32
    %mul3A_16 = arith.muli %mul3A_15, %select_n3A : i32
    "tpu.region"() ({
      %run_scoped3A = memref.alloca() : memref<2x1x128xi32, #tpu.memory_space<vmem>>
      %run_scoped3A_17 = tpu.sem_alloc : memref<2x!tpu.dma_semaphore, #tpu.memory_space<semaphore_mem>>
      %run_scoped3A_18 = memref.alloca() : memref<2x128x128xf32, #tpu.memory_space<vmem>>
      %run_scoped3A_19 = tpu.sem_alloc : memref<2x!tpu.dma_semaphore, #tpu.memory_space<semaphore_mem>>
      %gt3A = arith.constant 0 : i32
      %gt3A_20 = arith.cmpi sgt, %mul3A_16, %gt3A : i32
      %convert_element_type3A = arith.extui %gt3A_20 : i1 to i32
      %cond3A = arith.constant 0 : i32
      %cond3A_21 = arith.cmpi ne, %convert_element_type3A, %cond3A : i32
      scf.if %cond3A_21 {
        %mul3A_22 = arith.constant 1 : i32
        %mul3A_23 = arith.muli %mul3A_22, %select_n3A : i32
        %sub3A = arith.constant 1 : i32
        %sub3A_24 = arith.subi %mul3A_23, %sub3A : i32
        %eq3A = arith.constant 0 : i32
        %eq3A_25 = arith.cmpi eq, %sub3A_24, %eq3A : i32
        %add3A_26 = arith.constant 0 : i32
        %add3A_27 = arith.addi %add3A_26, %select_n3A_14 : i32
        %select_n3A_28 = arith.constant true
        %select_n3A_29 = arith.constant 0 : i32
        %select_n3A_30 = arith.constant -1 : i32
        %select_n3A_31 = arith.select %select_n3A_28, %select_n3A_30, %select_n3A_29 : i32
        %eq3A_32 = arith.constant -1 : i32
        %eq3A_33 = arith.cmpi eq, %select_n3A_31, %eq3A_32 : i32
        %sub3A_34 = arith.constant 1 : i32
        %sub3A_35 = arith.subi %select_n3A, %sub3A_34 : i32
        %select_n3A_36 = arith.select %eq3A_33, %sub3A_35, %select_n3A_31 : i32
        %add3A_37 = arith.addi %select_n3A_36, %select_n3A_14 : i32
        %select_n3A_38 = arith.constant true
        %select_n3A_39 = arith.constant 0 : i32
        %select_n3A_40 = arith.constant 1 : i32
        %select_n3A_41 = arith.select %select_n3A_38, %select_n3A_40, %select_n3A_39 : i32
        %eq3A_42 = arith.cmpi eq, %select_n3A_41, %select_n3A : i32
        %select_n3A_43 = arith.constant 0 : i32
        %select_n3A_44 = arith.select %eq3A_42, %select_n3A_43, %select_n3A_41 : i32
        %add3A_45 = arith.addi %select_n3A_44, %select_n3A_14 : i32
        %add3A_46 = arith.constant 1 : i32
        %add3A_47 = arith.addi %select_n3A_44, %add3A_46 : i32
        %select_n3A_48 = arith.constant true
        %select_n3A_49 = arith.select %select_n3A_48, %add3A_47, %select_n3A_44 : i32
        %eq3A_50 = arith.cmpi eq, %select_n3A_49, %select_n3A : i32
        %select_n3A_51 = arith.constant 0 : i32
        %select_n3A_52 = arith.select %eq3A_50, %select_n3A_51, %select_n3A_49 : i32
        %add3A_53 = arith.addi %select_n3A_52, %select_n3A_14 : i32
        "tpu.trace_start"() <{level = 10 : i32, message = "ep_initialize_0"}> : () -> ()
        %rem3A = arith.constant 0 : i32
        %rem3A_54 = arith.constant 2 : i32
        %rem3A_55 = arith.remui %rem3A, %rem3A_54 : i32
        %mul3A_56 = arith.constant 128 : i32
        %mul3A_57 = arith.muli %mul3A_56, %add3A_27 : i32
        %dma_start3A = arith.constant 0 : i32
        %dma_start3A_58 = arith.constant 0 : i32
        %dma_start3A_59 = tpu.memref_slice %run_scoped3A[%rem3A_55, %dma_start3A, %dma_start3A_58] : memref<2x1x128xi32, #tpu.memory_space<vmem>> -> memref<1x1x128xi32, #tpu.memory_space<vmem>>
        %dma_start3A_60 = tpu.memref_squeeze %dma_start3A_59 : memref<1x1x128xi32, #tpu.memory_space<vmem>> -> memref<1x128xi32, #tpu.memory_space<vmem>>
        %dma_start3A_61 = arith.constant 0 : i32
        %dma_start3A_62 = tpu.memref_slice %arg3[%dma_start3A_61, %mul3A_57] : memref<1x2400000xi32, #tpu.memory_space<hbm>> -> memref<1x128xi32, #tpu.memory_space<hbm>>
        %dma_start3A_63 = tpu.memref_slice %run_scoped3A_17[%rem3A_55] : memref<2x!tpu.dma_semaphore, #tpu.memory_space<semaphore_mem>> -> memref<1x!tpu.dma_semaphore, #tpu.memory_space<semaphore_mem>>
        %dma_start3A_64 = tpu.memref_squeeze %dma_start3A_63 : memref<1x!tpu.dma_semaphore, #tpu.memory_space<semaphore_mem>> -> memref<!tpu.dma_semaphore, #tpu.memory_space<semaphore_mem>>
        %dma_start3A_65 = arith.constant 0 : i32
        %dma_start3A_66 = arith.constant 0 : i32
        %dma_start3A_67 = tpu.memref_slice %run_scoped3A[%rem3A_55, %dma_start3A_65, %dma_start3A_66] : memref<2x1x128xi32, #tpu.memory_space<vmem>> -> memref<1x1x128xi32, #tpu.memory_space<vmem>>
        %dma_start3A_68 = tpu.memref_squeeze %dma_start3A_67 : memref<1x1x128xi32, #tpu.memory_space<vmem>> -> memref<1x128xi32, #tpu.memory_space<vmem>>
        %dma_start3A_69 = arith.constant 0 : i32
        %dma_start3A_70 = tpu.memref_slice %arg3[%dma_start3A_69, %mul3A_57] : memref<1x2400000xi32, #tpu.memory_space<hbm>> -> memref<1x128xi32, #tpu.memory_space<hbm>>
        tpu.enqueue_dma source(%dma_start3A_70 : memref<1x128xi32, #tpu.memory_space<hbm>>) target(%dma_start3A_68 : memref<1x128xi32, #tpu.memory_space<vmem>>) target_semaphore(%dma_start3A_64 : memref<!tpu.dma_semaphore, #tpu.memory_space<semaphore_mem>>)
        %add3A_71 = arith.constant 0 : i32
        %add3A_72 = arith.constant 1 : i32
        %add3A_73 = arith.addi %add3A_71, %add3A_72 : i32
        %select_n3A_74 = arith.constant true
        %select_n3A_75 = arith.constant 0 : i32
        %select_n3A_76 = arith.select %select_n3A_74, %add3A_73, %select_n3A_75 : i32
        %while3A = arith.constant 0 : i32
        %while3A_77 = arith.constant 0 : i32
        %while3A_78 = arith.constant 0 : i32
        %while3A_79 = arith.constant 0 : i32
        %while3A_80 = arith.constant 0 : i32
        "tpu.trace_stop"() : () -> ()
        %while3A_81 = arith.subi %mul3A_16, %while3A : i32
        %while3A_82 = arith.addi %while3A, %while3A_81 : i32
        %while3A_83 = arith.constant 1 : i32
        %while3A_84 = arith.divsi %while3A_81, %while3A_83 : i32
        %while3A_85 = arith.muli %while3A_84, %while3A_83 : i32
        %while3A_86 = arith.addi %while3A, %while3A_85 : i32
        %while3A_87 = arith.constant 1 : i32
        %while3A_88:5 = scf.for %while3A_142 = %while3A to %while3A_86 step %while3A_87 iter_args(%while3A_143 = %select_n3A_76, %while3A_144 = %while3A_77, %while3A_145 = %while3A_78, %while3A_146 = %while3A_79, %while3A_147 = %while3A_80) -> (i32, i32, i32, i32, i32)  : i32 {
          %mul3A_148 = arith.constant 1 : i32
          %mul3A_149 = arith.muli %mul3A_148, %select_n3A : i32
          %eq3A_150 = arith.constant 0 : i32
          %eq3A_151 = arith.cmpi eq, %while3A_142, %eq3A_150 : i32
          %sub3A_152 = arith.constant 1 : i32
          %sub3A_153 = arith.subi %mul3A_149, %sub3A_152 : i32
          %eq3A_154 = arith.cmpi eq, %while3A_142, %sub3A_153 : i32
          %add3A_155 = arith.addi %while3A_147, %select_n3A_14 : i32
          %sub3A_156 = arith.constant 1 : i32
          %sub3A_157 = arith.subi %while3A_147, %sub3A_156 : i32
          %select_n3A_158 = arith.constant true
          %select_n3A_159 = arith.select %select_n3A_158, %sub3A_157, %while3A_147 : i32
          %eq3A_160 = arith.constant -1 : i32
          %eq3A_161 = arith.cmpi eq, %select_n3A_159, %eq3A_160 : i32
          %sub3A_162 = arith.constant 1 : i32
          %sub3A_163 = arith.subi %select_n3A, %sub3A_162 : i32
          %select_n3A_164 = arith.select %eq3A_161, %sub3A_163, %select_n3A_159 : i32
          %add3A_165 = arith.addi %select_n3A_164, %select_n3A_14 : i32
          %add3A_166 = arith.constant 1 : i32
          %add3A_167 = arith.addi %while3A_147, %add3A_166 : i32
          %select_n3A_168 = arith.constant true
          %select_n3A_169 = arith.select %select_n3A_168, %add3A_167, %while3A_147 : i32
          %eq3A_170 = arith.cmpi eq, %select_n3A_169, %select_n3A : i32
          %select_n3A_171 = arith.constant 0 : i32
          %select_n3A_172 = arith.select %eq3A_170, %select_n3A_171, %select_n3A_169 : i32
          %add3A_173 = arith.addi %select_n3A_172, %select_n3A_14 : i32
          %add3A_174 = arith.constant 1 : i32
          %add3A_175 = arith.addi %select_n3A_172, %add3A_174 : i32
          %select_n3A_176 = arith.constant true
          %select_n3A_177 = arith.select %select_n3A_176, %add3A_175, %select_n3A_172 : i32
          %eq3A_178 = arith.cmpi eq, %select_n3A_177, %select_n3A : i32
          %select_n3A_179 = arith.constant 0 : i32
          %select_n3A_180 = arith.select %eq3A_178, %select_n3A_179, %select_n3A_177 : i32
          %add3A_181 = arith.addi %select_n3A_180, %select_n3A_14 : i32
          %ne3A = arith.cmpi ne, %add3A_155, %add3A_173 : i32
          %or3A = arith.constant false
          %or3A_182 = arith.ori %or3A, %ne3A : i1
          %sub3A_183 = arith.constant 2 : i32
          %sub3A_184 = arith.subi %mul3A_149, %sub3A_183 : i32
          %add3A_185 = arith.constant 1 : i32
          %add3A_186 = arith.addi %sub3A_184, %add3A_185 : i32
          %ge3A = arith.cmpi sge, %while3A_142, %add3A_186 : i32
          %not3A = arith.constant true
          %not3A_187 = arith.xori %ge3A, %not3A : i1
          %and3A = arith.andi %or3A_182, %not3A_187 : i1
          %convert_element_type3A_188 = arith.extui %and3A : i1 to i32
          %cond3A_189 = arith.constant 0 : i32
          %cond3A_190 = arith.cmpi ne, %convert_element_type3A_188, %cond3A_189 : i32
          scf.if %cond3A_190 {
            "tpu.trace_start"() <{level = 10 : i32, message = "ep_copy_in"}> : () -> ()
            %rem3A_294 = arith.constant 2 : i32
            %rem3A_295 = arith.remui %while3A_143, %rem3A_294 : i32
            %mul3A_296 = arith.constant 128 : i32
            %mul3A_297 = arith.muli %mul3A_296, %add3A_173 : i32
            %dma_start3A_298 = arith.constant 0 : i32
            %dma_start3A_299 = arith.constant 0 : i32
            %dma_start3A_300 = tpu.memref_slice %run_scoped3A[%rem3A_295, %dma_start3A_298, %dma_start3A_299] : memref<2x1x128xi32, #tpu.memory_space<vmem>> -> memref<1x1x128xi32, #tpu.memory_space<vmem>>
            %dma_start3A_301 = tpu.memref_squeeze %dma_start3A_300 : memref<1x1x128xi32, #tpu.memory_space<vmem>> -> memref<1x128xi32, #tpu.memory_space<vmem>>
            %dma_start3A_302 = arith.constant 0 : i32
            %dma_start3A_303 = tpu.memref_slice %arg3[%dma_start3A_302, %mul3A_297] : memref<1x2400000xi32, #tpu.memory_space<hbm>> -> memref<1x128xi32, #tpu.memory_space<hbm>>
            %dma_start3A_304 = tpu.memref_slice %run_scoped3A_17[%rem3A_295] : memref<2x!tpu.dma_semaphore, #tpu.memory_space<semaphore_mem>> -> memref<1x!tpu.dma_semaphore, #tpu.memory_space<semaphore_mem>>
            %dma_start3A_305 = tpu.memref_squeeze %dma_start3A_304 : memref<1x!tpu.dma_semaphore, #tpu.memory_space<semaphore_mem>> -> memref<!tpu.dma_semaphore, #tpu.memory_space<semaphore_mem>>
            %dma_start3A_306 = arith.constant 0 : i32
            %dma_start3A_307 = arith.constant 0 : i32
            %dma_start3A_308 = tpu.memref_slice %run_scoped3A[%rem3A_295, %dma_start3A_306, %dma_start3A_307] : memref<2x1x128xi32, #tpu.memory_space<vmem>> -> memref<1x1x128xi32, #tpu.memory_space<vmem>>
            %dma_start3A_309 = tpu.memref_squeeze %dma_start3A_308 : memref<1x1x128xi32, #tpu.memory_space<vmem>> -> memref<1x128xi32, #tpu.memory_space<vmem>>
            %dma_start3A_310 = arith.constant 0 : i32
            %dma_start3A_311 = tpu.memref_slice %arg3[%dma_start3A_310, %mul3A_297] : memref<1x2400000xi32, #tpu.memory_space<hbm>> -> memref<1x128xi32, #tpu.memory_space<hbm>>
            tpu.enqueue_dma source(%dma_start3A_311 : memref<1x128xi32, #tpu.memory_space<hbm>>) target(%dma_start3A_309 : memref<1x128xi32, #tpu.memory_space<vmem>>) target_semaphore(%dma_start3A_305 : memref<!tpu.dma_semaphore, #tpu.memory_space<semaphore_mem>>)
            "tpu.trace_stop"() : () -> ()
          } else {
          }
          %and3A_191 = arith.constant true
          %and3A_192 = arith.andi %and3A, %and3A_191 : i1
          %add3A_193 = arith.constant 1 : i32
          %add3A_194 = arith.addi %while3A_143, %add3A_193 : i32
          %select_n3A_195 = arith.select %and3A_192, %add3A_194, %while3A_143 : i32
          %ne3A_196 = arith.cmpi ne, %add3A_155, %add3A_173 : i32
          %or3A_197 = arith.constant false
          %or3A_198 = arith.ori %or3A_197, %ne3A_196 : i1
          %or3A_199 = arith.constant false
          %or3A_200 = arith.ori %or3A_198, %or3A_199 : i1
          %sub3A_201 = arith.constant 2 : i32
          %sub3A_202 = arith.subi %mul3A_149, %sub3A_201 : i32
          %add3A_203 = arith.constant 1 : i32
          %add3A_204 = arith.addi %sub3A_202, %add3A_203 : i32
          %ge3A_205 = arith.cmpi sge, %while3A_142, %add3A_204 : i32
          %not3A_206 = arith.constant true
          %not3A_207 = arith.xori %ge3A_205, %not3A_206 : i1
          %and3A_208 = arith.andi %or3A_200, %not3A_207 : i1
          %ne3A_209 = arith.cmpi ne, %add3A_155, %add3A_165 : i32
          %or3A_210 = arith.constant false
          %or3A_211 = arith.ori %or3A_210, %ne3A_209 : i1
          %or3A_212 = arith.ori %or3A_211, %eq3A_151 : i1
          %convert_element_type3A_213 = arith.extui %or3A_212 : i1 to i32
          %cond3A_214 = arith.constant 0 : i32
          %cond3A_215 = arith.cmpi ne, %convert_element_type3A_213, %cond3A_214 : i32
          scf.if %cond3A_215 {
            "tpu.trace_start"() <{level = 10 : i32, message = "ep_wait_in"}> : () -> ()
            %mul3A_294 = arith.constant 128 : i32
            %mul3A_295 = arith.muli %mul3A_294, %add3A_155 : i32
            %rem3A_296 = arith.constant 2 : i32
            %rem3A_297 = arith.remui %while3A_144, %rem3A_296 : i32
            %dma_wait3A = arith.constant 0 : i32
            %dma_wait3A_298 = arith.constant 0 : i32
            %dma_wait3A_299 = tpu.memref_slice %run_scoped3A[%rem3A_297, %dma_wait3A, %dma_wait3A_298] : memref<2x1x128xi32, #tpu.memory_space<vmem>> -> memref<1x1x128xi32, #tpu.memory_space<vmem>>
            %dma_wait3A_300 = tpu.memref_squeeze %dma_wait3A_299 : memref<1x1x128xi32, #tpu.memory_space<vmem>> -> memref<1x128xi32, #tpu.memory_space<vmem>>
            %dma_wait3A_301 = arith.constant 0 : i32
            %dma_wait3A_302 = tpu.memref_slice %arg3[%dma_wait3A_301, %mul3A_295] : memref<1x2400000xi32, #tpu.memory_space<hbm>> -> memref<1x128xi32, #tpu.memory_space<hbm>>
            %dma_wait3A_303 = tpu.memref_slice %run_scoped3A_17[%rem3A_297] : memref<2x!tpu.dma_semaphore, #tpu.memory_space<semaphore_mem>> -> memref<1x!tpu.dma_semaphore, #tpu.memory_space<semaphore_mem>>
            %dma_wait3A_304 = tpu.memref_squeeze %dma_wait3A_303 : memref<1x!tpu.dma_semaphore, #tpu.memory_space<semaphore_mem>> -> memref<!tpu.dma_semaphore, #tpu.memory_space<semaphore_mem>>
            %dma_wait3A_305 = arith.constant 0 : i32
            %dma_wait3A_306 = arith.constant 0 : i32
            %dma_wait3A_307 = tpu.memref_slice %run_scoped3A[%rem3A_297, %dma_wait3A_305, %dma_wait3A_306] : memref<2x1x128xi32, #tpu.memory_space<vmem>> -> memref<1x1x128xi32, #tpu.memory_space<vmem>>
            %dma_wait3A_308 = tpu.memref_squeeze %dma_wait3A_307 : memref<1x1x128xi32, #tpu.memory_space<vmem>> -> memref<1x128xi32, #tpu.memory_space<vmem>>
            %dma_wait3A_309 = arith.constant 0 : i32
            %dma_wait3A_310 = tpu.memref_slice %arg3[%dma_wait3A_309, %mul3A_295] : memref<1x2400000xi32, #tpu.memory_space<hbm>> -> memref<1x128xi32, #tpu.memory_space<hbm>>
            tpu.wait_dma2 semaphore(%dma_wait3A_304 : memref<!tpu.dma_semaphore, #tpu.memory_space<semaphore_mem>>) src(%dma_wait3A_310 : memref<1x128xi32, #tpu.memory_space<hbm>>) dst(%dma_wait3A_308 : memref<1x128xi32, #tpu.memory_space<vmem>>)
            "tpu.trace_stop"() : () -> ()
          } else {
          }
          %ne3A_216 = arith.cmpi ne, %add3A_155, %add3A_165 : i32
          %or3A_217 = arith.constant false
          %or3A_218 = arith.ori %or3A_217, %ne3A_216 : i1
          %or3A_219 = arith.constant false
          %or3A_220 = arith.ori %or3A_218, %or3A_219 : i1
          %or3A_221 = arith.ori %or3A_220, %eq3A_151 : i1
          %convert_element_type3A_222 = arith.extui %or3A_221 : i1 to i32
          %cond3A_223 = arith.constant 0 : i32
          %cond3A_224 = arith.cmpi ne, %convert_element_type3A_222, %cond3A_223 : i32
          scf.if %cond3A_224 {
          } else {
          }
          %rem3A_225 = arith.constant 2 : i32
          %rem3A_226 = arith.remui %while3A_144, %rem3A_225 : i32
          %rem3A_227 = arith.constant 2 : i32
          %rem3A_228 = arith.remui %while3A_145, %rem3A_227 : i32
          %run_scoped3A_229 = arith.constant 0 : i32
          "tpu.trace_start"() <{level = 10 : i32, message = "ep_run_kernel"}> : () -> ()
          "tpu.region"() ({
            %run_scoped3A_294 = tpu.sem_alloc : memref<!tpu.dma_semaphore, #tpu.memory_space<semaphore_mem>>
            %dma_start3A_295 = arith.constant 0 : i32
            %dma_start3A_296 = arith.constant 0 : i32
            %dma_start3A_297 = tpu.memref_slice %run_scoped3A_18[%rem3A_228, %dma_start3A_295, %dma_start3A_296] : memref<2x128x128xf32, #tpu.memory_space<vmem>> -> memref<1x128x128xf32, #tpu.memory_space<vmem>>
            %dma_start3A_298 = tpu.memref_squeeze %dma_start3A_297 : memref<1x128x128xf32, #tpu.memory_space<vmem>> -> memref<128x128xf32, #tpu.memory_space<vmem>>
            %dma_start3A_299 = arith.constant 0 : i32
            %dma_start3A_300 = arith.constant 0 : i32
            %dma_start3A_301 = tpu.memref_slice %run_scoped3A[%rem3A_226, %dma_start3A_299, %dma_start3A_300] : memref<2x1x128xi32, #tpu.memory_space<vmem>> -> memref<1x1x128xi32, #tpu.memory_space<vmem>>
            %dma_start3A_302 = tpu.memref_squeeze %dma_start3A_301 : memref<1x1x128xi32, #tpu.memory_space<vmem>> -> memref<1x128xi32, #tpu.memory_space<vmem>>
            %dma_start3A_303 = arith.constant 0 : i32
            %dma_start3A_304 = tpu.memref_slice %dma_start3A_302[%run_scoped3A_229, %dma_start3A_303] : memref<1x128xi32, #tpu.memory_space<vmem>> -> memref<1x128xi32, #tpu.memory_space<vmem>>
            %dma_start3A_305 = tpu.memref_squeeze %dma_start3A_304 : memref<1x128xi32, #tpu.memory_space<vmem>> -> memref<128xi32, #tpu.memory_space<vmem>>
            %dma_start3A_306 = arith.constant 0 : i32
            %dma_start3A_307 = arith.constant 0 : i32
            %dma_start3A_308 = tpu.memref_slice %arg2[%dma_start3A_306, %dma_start3A_307] : memref<200000x128xf32, #tpu.memory_space<hbm>> -> memref<200000x128xf32, #tpu.memory_space<hbm>>
            tpu.enqueue_indirect_dma source(%dma_start3A_308 : memref<200000x128xf32, #tpu.memory_space<hbm>>) target(%dma_start3A_298 : memref<128x128xf32, #tpu.memory_space<vmem>>) offsets(%dma_start3A_305 : memref<128xi32, #tpu.memory_space<vmem>>) semaphore(%run_scoped3A_294 : memref<!tpu.dma_semaphore, #tpu.memory_space<semaphore_mem>>)
            %dma_wait3A = arith.constant 0 : i32
            %dma_wait3A_309 = arith.constant 0 : i32
            %dma_wait3A_310 = tpu.memref_slice %run_scoped3A_18[%rem3A_228, %dma_wait3A, %dma_wait3A_309] : memref<2x128x128xf32, #tpu.memory_space<vmem>> -> memref<1x128x128xf32, #tpu.memory_space<vmem>>
            %dma_wait3A_311 = tpu.memref_squeeze %dma_wait3A_310 : memref<1x128x128xf32, #tpu.memory_space<vmem>> -> memref<128x128xf32, #tpu.memory_space<vmem>>
            %dma_wait3A_312 = arith.constant 0 : i32
            %dma_wait3A_313 = arith.constant 0 : i32
            %dma_wait3A_314 = tpu.memref_slice %run_scoped3A[%rem3A_226, %dma_wait3A_312, %dma_wait3A_313] : memref<2x1x128xi32, #tpu.memory_space<vmem>> -> memref<1x1x128xi32, #tpu.memory_space<vmem>>
            %dma_wait3A_315 = tpu.memref_squeeze %dma_wait3A_314 : memref<1x1x128xi32, #tpu.memory_space<vmem>> -> memref<1x128xi32, #tpu.memory_space<vmem>>
            %dma_wait3A_316 = arith.constant 0 : i32
            %dma_wait3A_317 = tpu.memref_slice %dma_wait3A_315[%run_scoped3A_229, %dma_wait3A_316] : memref<1x128xi32, #tpu.memory_space<vmem>> -> memref<1x128xi32, #tpu.memory_space<vmem>>
            %dma_wait3A_318 = tpu.memref_squeeze %dma_wait3A_317 : memref<1x128xi32, #tpu.memory_space<vmem>> -> memref<128xi32, #tpu.memory_space<vmem>>
            %dma_wait3A_319 = arith.constant 0 : i32
            %dma_wait3A_320 = arith.constant 0 : i32
            %dma_wait3A_321 = tpu.memref_slice %arg2[%dma_wait3A_319, %dma_wait3A_320] : memref<200000x128xf32, #tpu.memory_space<hbm>> -> memref<200000x128xf32, #tpu.memory_space<hbm>>
            tpu.wait_indirect_dma semaphore(%run_scoped3A_294 : memref<!tpu.dma_semaphore, #tpu.memory_space<semaphore_mem>>) src(%dma_wait3A_321 : memref<200000x128xf32, #tpu.memory_space<hbm>>) dst(%dma_wait3A_311 : memref<128x128xf32, #tpu.memory_space<vmem>>)
            tpu.yield
          }) : () -> ()
          "tpu.trace_stop"() : () -> ()
          %ne3A_230 = arith.cmpi ne, %add3A_155, %add3A_173 : i32
          %or3A_231 = arith.constant false
          %or3A_232 = arith.ori %or3A_231, %ne3A_230 : i1
          %or3A_233 = arith.ori %or3A_232, %eq3A_154 : i1
          %convert_element_type3A_234 = arith.extui %or3A_233 : i1 to i32
          %cond3A_235 = arith.constant 0 : i32
          %cond3A_236 = arith.cmpi ne, %convert_element_type3A_234, %cond3A_235 : i32
          scf.if %cond3A_236 {
          } else {
          }
          %and3A_237 = arith.constant false
          %and3A_238 = arith.andi %or3A_233, %and3A_237 : i1
          %ne3A_239 = arith.cmpi ne, %add3A_155, %add3A_173 : i32
          %or3A_240 = arith.constant false
          %or3A_241 = arith.ori %or3A_240, %ne3A_239 : i1
          %or3A_242 = arith.constant false
          %or3A_243 = arith.ori %or3A_241, %or3A_242 : i1
          %or3A_244 = arith.ori %or3A_243, %eq3A_154 : i1
          %convert_element_type3A_245 = arith.extui %or3A_244 : i1 to i32
          %cond3A_246 = arith.constant 0 : i32
          %cond3A_247 = arith.cmpi ne, %convert_element_type3A_245, %cond3A_246 : i32
          scf.if %cond3A_247 {
            "tpu.trace_start"() <{level = 10 : i32, message = "ep_copy_out"}> : () -> ()
            %rem3A_294 = arith.constant 2 : i32
            %rem3A_295 = arith.remui %while3A_145, %rem3A_294 : i32
            %mul3A_296 = arith.constant 128 : i32
            %mul3A_297 = arith.muli %mul3A_296, %add3A_155 : i32
            %dma_start3A_298 = arith.constant 0 : i32
            %dma_start3A_299 = arith.constant 0 : i32
            %dma_start3A_300 = tpu.memref_slice %run_scoped3A_18[%rem3A_295, %dma_start3A_298, %dma_start3A_299] : memref<2x128x128xf32, #tpu.memory_space<vmem>> -> memref<1x128x128xf32, #tpu.memory_space<vmem>>
            %dma_start3A_301 = tpu.memref_squeeze %dma_start3A_300 : memref<1x128x128xf32, #tpu.memory_space<vmem>> -> memref<128x128xf32, #tpu.memory_space<vmem>>
            %dma_start3A_302 = arith.constant 0 : i32
            %dma_start3A_303 = tpu.memref_slice %arg4[%mul3A_297, %dma_start3A_302] : memref<2400000x128xf32, #tpu.memory_space<hbm>> -> memref<128x128xf32, #tpu.memory_space<hbm>>
            %dma_start3A_304 = tpu.memref_slice %run_scoped3A_19[%rem3A_295] : memref<2x!tpu.dma_semaphore, #tpu.memory_space<semaphore_mem>> -> memref<1x!tpu.dma_semaphore, #tpu.memory_space<semaphore_mem>>
            %dma_start3A_305 = tpu.memref_squeeze %dma_start3A_304 : memref<1x!tpu.dma_semaphore, #tpu.memory_space<semaphore_mem>> -> memref<!tpu.dma_semaphore, #tpu.memory_space<semaphore_mem>>
            %dma_start3A_306 = arith.constant 0 : i32
            %dma_start3A_307 = tpu.memref_slice %arg4[%mul3A_297, %dma_start3A_306] : memref<2400000x128xf32, #tpu.memory_space<hbm>> -> memref<128x128xf32, #tpu.memory_space<hbm>>
            %dma_start3A_308 = arith.constant 0 : i32
            %dma_start3A_309 = arith.constant 0 : i32
            %dma_start3A_310 = tpu.memref_slice %run_scoped3A_18[%rem3A_295, %dma_start3A_308, %dma_start3A_309] : memref<2x128x128xf32, #tpu.memory_space<vmem>> -> memref<1x128x128xf32, #tpu.memory_space<vmem>>
            %dma_start3A_311 = tpu.memref_squeeze %dma_start3A_310 : memref<1x128x128xf32, #tpu.memory_space<vmem>> -> memref<128x128xf32, #tpu.memory_space<vmem>>
            tpu.enqueue_dma source(%dma_start3A_311 : memref<128x128xf32, #tpu.memory_space<vmem>>) target(%dma_start3A_307 : memref<128x128xf32, #tpu.memory_space<hbm>>) target_semaphore(%dma_start3A_305 : memref<!tpu.dma_semaphore, #tpu.memory_space<semaphore_mem>>)
            "tpu.trace_stop"() : () -> ()
          } else {
          }
          %and3A_248 = arith.constant true
          %and3A_249 = arith.andi %or3A_244, %and3A_248 : i1
          %add3A_250 = arith.constant 1 : i32
          %add3A_251 = arith.addi %while3A_145, %add3A_250 : i32
          %select_n3A_252 = arith.select %and3A_249, %add3A_251, %while3A_145 : i32
          %ne3A_253 = arith.cmpi ne, %add3A_155, %add3A_165 : i32
          %or3A_254 = arith.constant false
          %or3A_255 = arith.ori %or3A_254, %ne3A_253 : i1
          %not3A_256 = arith.constant true
          %not3A_257 = arith.xori %eq3A_151, %not3A_256 : i1
          %and3A_258 = arith.andi %or3A_255, %not3A_257 : i1
          %convert_element_type3A_259 = arith.extui %and3A_258 : i1 to i32
          %cond3A_260 = arith.constant 0 : i32
          %cond3A_261 = arith.cmpi ne, %convert_element_type3A_259, %cond3A_260 : i32
          scf.if %cond3A_261 {
          } else {
          }
          %and3A_262 = arith.constant false
          %and3A_263 = arith.andi %and3A_258, %and3A_262 : i1
          %ne3A_264 = arith.cmpi ne, %add3A_155, %add3A_165 : i32
          %or3A_265 = arith.constant false
          %or3A_266 = arith.ori %or3A_265, %ne3A_264 : i1
          %or3A_267 = arith.constant false
          %or3A_268 = arith.ori %or3A_266, %or3A_267 : i1
          %not3A_269 = arith.constant true
          %not3A_270 = arith.xori %eq3A_151, %not3A_269 : i1
          %and3A_271 = arith.andi %or3A_268, %not3A_270 : i1
          %convert_element_type3A_272 = arith.extui %and3A_271 : i1 to i32
          %cond3A_273 = arith.constant 0 : i32
          %cond3A_274 = arith.cmpi ne, %convert_element_type3A_272, %cond3A_273 : i32
          scf.if %cond3A_274 {
            "tpu.trace_start"() <{level = 10 : i32, message = "ep_wait_out"}> : () -> ()
            %rem3A_294 = arith.constant 2 : i32
            %rem3A_295 = arith.remui %while3A_146, %rem3A_294 : i32
            %mul3A_296 = arith.constant 128 : i32
            %mul3A_297 = arith.muli %mul3A_296, %add3A_165 : i32
            %dma_wait3A = arith.constant 0 : i32
            %dma_wait3A_298 = arith.constant 0 : i32
            %dma_wait3A_299 = tpu.memref_slice %run_scoped3A_18[%rem3A_295, %dma_wait3A, %dma_wait3A_298] : memref<2x128x128xf32, #tpu.memory_space<vmem>> -> memref<1x128x128xf32, #tpu.memory_space<vmem>>
            %dma_wait3A_300 = tpu.memref_squeeze %dma_wait3A_299 : memref<1x128x128xf32, #tpu.memory_space<vmem>> -> memref<128x128xf32, #tpu.memory_space<vmem>>
            %dma_wait3A_301 = arith.constant 0 : i32
            %dma_wait3A_302 = tpu.memref_slice %arg4[%mul3A_297, %dma_wait3A_301] : memref<2400000x128xf32, #tpu.memory_space<hbm>> -> memref<128x128xf32, #tpu.memory_space<hbm>>
            %dma_wait3A_303 = tpu.memref_slice %run_scoped3A_19[%rem3A_295] : memref<2x!tpu.dma_semaphore, #tpu.memory_space<semaphore_mem>> -> memref<1x!tpu.dma_semaphore, #tpu.memory_space<semaphore_mem>>
            %dma_wait3A_304 = tpu.memref_squeeze %dma_wait3A_303 : memref<1x!tpu.dma_semaphore, #tpu.memory_space<semaphore_mem>> -> memref<!tpu.dma_semaphore, #tpu.memory_space<semaphore_mem>>
            %dma_wait3A_305 = arith.constant 0 : i32
            %dma_wait3A_306 = tpu.memref_slice %arg4[%mul3A_297, %dma_wait3A_305] : memref<2400000x128xf32, #tpu.memory_space<hbm>> -> memref<128x128xf32, #tpu.memory_space<hbm>>
            %dma_wait3A_307 = arith.constant 0 : i32
            %dma_wait3A_308 = arith.constant 0 : i32
            %dma_wait3A_309 = tpu.memref_slice %run_scoped3A_18[%rem3A_295, %dma_wait3A_307, %dma_wait3A_308] : memref<2x128x128xf32, #tpu.memory_space<vmem>> -> memref<1x128x128xf32, #tpu.memory_space<vmem>>
            %dma_wait3A_310 = tpu.memref_squeeze %dma_wait3A_309 : memref<1x128x128xf32, #tpu.memory_space<vmem>> -> memref<128x128xf32, #tpu.memory_space<vmem>>
            tpu.wait_dma2 semaphore(%dma_wait3A_304 : memref<!tpu.dma_semaphore, #tpu.memory_space<semaphore_mem>>) src(%dma_wait3A_310 : memref<128x128xf32, #tpu.memory_space<vmem>>) dst(%dma_wait3A_306 : memref<128x128xf32, #tpu.memory_space<hbm>>)
            "tpu.trace_stop"() : () -> ()
          } else {
          }
          %and3A_275 = arith.constant true
          %and3A_276 = arith.andi %and3A_271, %and3A_275 : i1
          %add3A_277 = arith.constant 1 : i32
          %add3A_278 = arith.addi %while3A_146, %add3A_277 : i32
          %select_n3A_279 = arith.select %and3A_276, %add3A_278, %while3A_146 : i32
          %ne3A_280 = arith.cmpi ne, %add3A_155, %add3A_173 : i32
          %or3A_281 = arith.constant false
          %or3A_282 = arith.ori %or3A_281, %ne3A_280 : i1
          %or3A_283 = arith.ori %or3A_282, %eq3A_154 : i1
          %add3A_284 = arith.constant 1 : i32
          %add3A_285 = arith.addi %while3A_144, %add3A_284 : i32
          %select_n3A_286 = arith.select %or3A_283, %add3A_285, %while3A_144 : i32
          %add3A_287 = arith.constant 1 : i32
          %add3A_288 = arith.addi %while3A_147, %add3A_287 : i32
          %select_n3A_289 = arith.constant true
          %select_n3A_290 = arith.select %select_n3A_289, %add3A_288, %while3A_147 : i32
          %eq3A_291 = arith.cmpi eq, %select_n3A_290, %select_n3A : i32
          %select_n3A_292 = arith.constant 0 : i32
          %select_n3A_293 = arith.select %eq3A_291, %select_n3A_292, %select_n3A_290 : i32
          scf.yield %select_n3A_195, %select_n3A_286, %select_n3A_252, %select_n3A_279, %select_n3A_293 : i32, i32, i32, i32, i32
        }
        %while3A_89 = arith.constant 1 : i32
        %while3A_90:5 = scf.for %while3A_142 = %while3A_86 to %while3A_82 step %while3A_89 iter_args(%while3A_143 = %while3A_88#0, %while3A_144 = %while3A_88#1, %while3A_145 = %while3A_88#2, %while3A_146 = %while3A_88#3, %while3A_147 = %while3A_88#4) -> (i32, i32, i32, i32, i32)  : i32 {
          %mul3A_148 = arith.constant 1 : i32
          %mul3A_149 = arith.muli %mul3A_148, %select_n3A : i32
          %eq3A_150 = arith.constant 0 : i32
          %eq3A_151 = arith.cmpi eq, %while3A_142, %eq3A_150 : i32
          %sub3A_152 = arith.constant 1 : i32
          %sub3A_153 = arith.subi %mul3A_149, %sub3A_152 : i32
          %eq3A_154 = arith.cmpi eq, %while3A_142, %sub3A_153 : i32
          %add3A_155 = arith.addi %while3A_147, %select_n3A_14 : i32
          %sub3A_156 = arith.constant 1 : i32
          %sub3A_157 = arith.subi %while3A_147, %sub3A_156 : i32
          %select_n3A_158 = arith.constant true
          %select_n3A_159 = arith.select %select_n3A_158, %sub3A_157, %while3A_147 : i32
          %eq3A_160 = arith.constant -1 : i32
          %eq3A_161 = arith.cmpi eq, %select_n3A_159, %eq3A_160 : i32
          %sub3A_162 = arith.constant 1 : i32
          %sub3A_163 = arith.subi %select_n3A, %sub3A_162 : i32
          %select_n3A_164 = arith.select %eq3A_161, %sub3A_163, %select_n3A_159 : i32
          %add3A_165 = arith.addi %select_n3A_164, %select_n3A_14 : i32
          %add3A_166 = arith.constant 1 : i32
          %add3A_167 = arith.addi %while3A_147, %add3A_166 : i32
          %select_n3A_168 = arith.constant true
          %select_n3A_169 = arith.select %select_n3A_168, %add3A_167, %while3A_147 : i32
          %eq3A_170 = arith.cmpi eq, %select_n3A_169, %select_n3A : i32
          %select_n3A_171 = arith.constant 0 : i32
          %select_n3A_172 = arith.select %eq3A_170, %select_n3A_171, %select_n3A_169 : i32
          %add3A_173 = arith.addi %select_n3A_172, %select_n3A_14 : i32
          %add3A_174 = arith.constant 1 : i32
          %add3A_175 = arith.addi %select_n3A_172, %add3A_174 : i32
          %select_n3A_176 = arith.constant true
          %select_n3A_177 = arith.select %select_n3A_176, %add3A_175, %select_n3A_172 : i32
          %eq3A_178 = arith.cmpi eq, %select_n3A_177, %select_n3A : i32
          %select_n3A_179 = arith.constant 0 : i32
          %select_n3A_180 = arith.select %eq3A_178, %select_n3A_179, %select_n3A_177 : i32
          %add3A_181 = arith.addi %select_n3A_180, %select_n3A_14 : i32
          %ne3A = arith.cmpi ne, %add3A_155, %add3A_173 : i32
          %or3A = arith.constant false
          %or3A_182 = arith.ori %or3A, %ne3A : i1
          %sub3A_183 = arith.constant 2 : i32
          %sub3A_184 = arith.subi %mul3A_149, %sub3A_183 : i32
          %add3A_185 = arith.constant 1 : i32
          %add3A_186 = arith.addi %sub3A_184, %add3A_185 : i32
          %ge3A = arith.cmpi sge, %while3A_142, %add3A_186 : i32
          %not3A = arith.constant true
          %not3A_187 = arith.xori %ge3A, %not3A : i1
          %and3A = arith.andi %or3A_182, %not3A_187 : i1
          %convert_element_type3A_188 = arith.extui %and3A : i1 to i32
          %cond3A_189 = arith.constant 0 : i32
          %cond3A_190 = arith.cmpi ne, %convert_element_type3A_188, %cond3A_189 : i32
          scf.if %cond3A_190 {
            "tpu.trace_start"() <{level = 10 : i32, message = "ep_copy_in"}> : () -> ()
            %rem3A_294 = arith.constant 2 : i32
            %rem3A_295 = arith.remui %while3A_143, %rem3A_294 : i32
            %mul3A_296 = arith.constant 128 : i32
            %mul3A_297 = arith.muli %mul3A_296, %add3A_173 : i32
            %dma_start3A_298 = arith.constant 0 : i32
            %dma_start3A_299 = arith.constant 0 : i32
            %dma_start3A_300 = tpu.memref_slice %run_scoped3A[%rem3A_295, %dma_start3A_298, %dma_start3A_299] : memref<2x1x128xi32, #tpu.memory_space<vmem>> -> memref<1x1x128xi32, #tpu.memory_space<vmem>>
            %dma_start3A_301 = tpu.memref_squeeze %dma_start3A_300 : memref<1x1x128xi32, #tpu.memory_space<vmem>> -> memref<1x128xi32, #tpu.memory_space<vmem>>
            %dma_start3A_302 = arith.constant 0 : i32
            %dma_start3A_303 = tpu.memref_slice %arg3[%dma_start3A_302, %mul3A_297] : memref<1x2400000xi32, #tpu.memory_space<hbm>> -> memref<1x128xi32, #tpu.memory_space<hbm>>
            %dma_start3A_304 = tpu.memref_slice %run_scoped3A_17[%rem3A_295] : memref<2x!tpu.dma_semaphore, #tpu.memory_space<semaphore_mem>> -> memref<1x!tpu.dma_semaphore, #tpu.memory_space<semaphore_mem>>
            %dma_start3A_305 = tpu.memref_squeeze %dma_start3A_304 : memref<1x!tpu.dma_semaphore, #tpu.memory_space<semaphore_mem>> -> memref<!tpu.dma_semaphore, #tpu.memory_space<semaphore_mem>>
            %dma_start3A_306 = arith.constant 0 : i32
            %dma_start3A_307 = arith.constant 0 : i32
            %dma_start3A_308 = tpu.memref_slice %run_scoped3A[%rem3A_295, %dma_start3A_306, %dma_start3A_307] : memref<2x1x128xi32, #tpu.memory_space<vmem>> -> memref<1x1x128xi32, #tpu.memory_space<vmem>>
            %dma_start3A_309 = tpu.memref_squeeze %dma_start3A_308 : memref<1x1x128xi32, #tpu.memory_space<vmem>> -> memref<1x128xi32, #tpu.memory_space<vmem>>
            %dma_start3A_310 = arith.constant 0 : i32
            %dma_start3A_311 = tpu.memref_slice %arg3[%dma_start3A_310, %mul3A_297] : memref<1x2400000xi32, #tpu.memory_space<hbm>> -> memref<1x128xi32, #tpu.memory_space<hbm>>
            tpu.enqueue_dma source(%dma_start3A_311 : memref<1x128xi32, #tpu.memory_space<hbm>>) target(%dma_start3A_309 : memref<1x128xi32, #tpu.memory_space<vmem>>) target_semaphore(%dma_start3A_305 : memref<!tpu.dma_semaphore, #tpu.memory_space<semaphore_mem>>)
            "tpu.trace_stop"() : () -> ()
          } else {
          }
          %and3A_191 = arith.constant true
          %and3A_192 = arith.andi %and3A, %and3A_191 : i1
          %add3A_193 = arith.constant 1 : i32
          %add3A_194 = arith.addi %while3A_143, %add3A_193 : i32
          %select_n3A_195 = arith.select %and3A_192, %add3A_194, %while3A_143 : i32
          %ne3A_196 = arith.cmpi ne, %add3A_155, %add3A_173 : i32
          %or3A_197 = arith.constant false
          %or3A_198 = arith.ori %or3A_197, %ne3A_196 : i1
          %or3A_199 = arith.constant false
          %or3A_200 = arith.ori %or3A_198, %or3A_199 : i1
          %sub3A_201 = arith.constant 2 : i32
          %sub3A_202 = arith.subi %mul3A_149, %sub3A_201 : i32
          %add3A_203 = arith.constant 1 : i32
          %add3A_204 = arith.addi %sub3A_202, %add3A_203 : i32
          %ge3A_205 = arith.cmpi sge, %while3A_142, %add3A_204 : i32
          %not3A_206 = arith.constant true
          %not3A_207 = arith.xori %ge3A_205, %not3A_206 : i1
          %and3A_208 = arith.andi %or3A_200, %not3A_207 : i1
          %ne3A_209 = arith.cmpi ne, %add3A_155, %add3A_165 : i32
          %or3A_210 = arith.constant false
          %or3A_211 = arith.ori %or3A_210, %ne3A_209 : i1
          %or3A_212 = arith.ori %or3A_211, %eq3A_151 : i1
          %convert_element_type3A_213 = arith.extui %or3A_212 : i1 to i32
          %cond3A_214 = arith.constant 0 : i32
          %cond3A_215 = arith.cmpi ne, %convert_element_type3A_213, %cond3A_214 : i32
          scf.if %cond3A_215 {
            "tpu.trace_start"() <{level = 10 : i32, message = "ep_wait_in"}> : () -> ()
            %mul3A_294 = arith.constant 128 : i32
            %mul3A_295 = arith.muli %mul3A_294, %add3A_155 : i32
            %rem3A_296 = arith.constant 2 : i32
            %rem3A_297 = arith.remui %while3A_144, %rem3A_296 : i32
            %dma_wait3A = arith.constant 0 : i32
            %dma_wait3A_298 = arith.constant 0 : i32
            %dma_wait3A_299 = tpu.memref_slice %run_scoped3A[%rem3A_297, %dma_wait3A, %dma_wait3A_298] : memref<2x1x128xi32, #tpu.memory_space<vmem>> -> memref<1x1x128xi32, #tpu.memory_space<vmem>>
            %dma_wait3A_300 = tpu.memref_squeeze %dma_wait3A_299 : memref<1x1x128xi32, #tpu.memory_space<vmem>> -> memref<1x128xi32, #tpu.memory_space<vmem>>
            %dma_wait3A_301 = arith.constant 0 : i32
            %dma_wait3A_302 = tpu.memref_slice %arg3[%dma_wait3A_301, %mul3A_295] : memref<1x2400000xi32, #tpu.memory_space<hbm>> -> memref<1x128xi32, #tpu.memory_space<hbm>>
            %dma_wait3A_303 = tpu.memref_slice %run_scoped3A_17[%rem3A_297] : memref<2x!tpu.dma_semaphore, #tpu.memory_space<semaphore_mem>> -> memref<1x!tpu.dma_semaphore, #tpu.memory_space<semaphore_mem>>
            %dma_wait3A_304 = tpu.memref_squeeze %dma_wait3A_303 : memref<1x!tpu.dma_semaphore, #tpu.memory_space<semaphore_mem>> -> memref<!tpu.dma_semaphore, #tpu.memory_space<semaphore_mem>>
            %dma_wait3A_305 = arith.constant 0 : i32
            %dma_wait3A_306 = arith.constant 0 : i32
            %dma_wait3A_307 = tpu.memref_slice %run_scoped3A[%rem3A_297, %dma_wait3A_305, %dma_wait3A_306] : memref<2x1x128xi32, #tpu.memory_space<vmem>> -> memref<1x1x128xi32, #tpu.memory_space<vmem>>
            %dma_wait3A_308 = tpu.memref_squeeze %dma_wait3A_307 : memref<1x1x128xi32, #tpu.memory_space<vmem>> -> memref<1x128xi32, #tpu.memory_space<vmem>>
            %dma_wait3A_309 = arith.constant 0 : i32
            %dma_wait3A_310 = tpu.memref_slice %arg3[%dma_wait3A_309, %mul3A_295] : memref<1x2400000xi32, #tpu.memory_space<hbm>> -> memref<1x128xi32, #tpu.memory_space<hbm>>
            tpu.wait_dma2 semaphore(%dma_wait3A_304 : memref<!tpu.dma_semaphore, #tpu.memory_space<semaphore_mem>>) src(%dma_wait3A_310 : memref<1x128xi32, #tpu.memory_space<hbm>>) dst(%dma_wait3A_308 : memref<1x128xi32, #tpu.memory_space<vmem>>)
            "tpu.trace_stop"() : () -> ()
          } else {
          }
          %ne3A_216 = arith.cmpi ne, %add3A_155, %add3A_165 : i32
          %or3A_217 = arith.constant false
          %or3A_218 = arith.ori %or3A_217, %ne3A_216 : i1
          %or3A_219 = arith.constant false
          %or3A_220 = arith.ori %or3A_218, %or3A_219 : i1
          %or3A_221 = arith.ori %or3A_220, %eq3A_151 : i1
          %convert_element_type3A_222 = arith.extui %or3A_221 : i1 to i32
          %cond3A_223 = arith.constant 0 : i32
          %cond3A_224 = arith.cmpi ne, %convert_element_type3A_222, %cond3A_223 : i32
          scf.if %cond3A_224 {
          } else {
          }
          %rem3A_225 = arith.constant 2 : i32
          %rem3A_226 = arith.remui %while3A_144, %rem3A_225 : i32
          %rem3A_227 = arith.constant 2 : i32
          %rem3A_228 = arith.remui %while3A_145, %rem3A_227 : i32
          %run_scoped3A_229 = arith.constant 0 : i32
          "tpu.trace_start"() <{level = 10 : i32, message = "ep_run_kernel"}> : () -> ()
          "tpu.region"() ({
            %run_scoped3A_294 = tpu.sem_alloc : memref<!tpu.dma_semaphore, #tpu.memory_space<semaphore_mem>>
            %dma_start3A_295 = arith.constant 0 : i32
            %dma_start3A_296 = arith.constant 0 : i32
            %dma_start3A_297 = tpu.memref_slice %run_scoped3A_18[%rem3A_228, %dma_start3A_295, %dma_start3A_296] : memref<2x128x128xf32, #tpu.memory_space<vmem>> -> memref<1x128x128xf32, #tpu.memory_space<vmem>>
            %dma_start3A_298 = tpu.memref_squeeze %dma_start3A_297 : memref<1x128x128xf32, #tpu.memory_space<vmem>> -> memref<128x128xf32, #tpu.memory_space<vmem>>
            %dma_start3A_299 = arith.constant 0 : i32
            %dma_start3A_300 = arith.constant 0 : i32
            %dma_start3A_301 = tpu.memref_slice %run_scoped3A[%rem3A_226, %dma_start3A_299, %dma_start3A_300] : memref<2x1x128xi32, #tpu.memory_space<vmem>> -> memref<1x1x128xi32, #tpu.memory_space<vmem>>
            %dma_start3A_302 = tpu.memref_squeeze %dma_start3A_301 : memref<1x1x128xi32, #tpu.memory_space<vmem>> -> memref<1x128xi32, #tpu.memory_space<vmem>>
            %dma_start3A_303 = arith.constant 0 : i32
            %dma_start3A_304 = tpu.memref_slice %dma_start3A_302[%run_scoped3A_229, %dma_start3A_303] : memref<1x128xi32, #tpu.memory_space<vmem>> -> memref<1x128xi32, #tpu.memory_space<vmem>>
            %dma_start3A_305 = tpu.memref_squeeze %dma_start3A_304 : memref<1x128xi32, #tpu.memory_space<vmem>> -> memref<128xi32, #tpu.memory_space<vmem>>
            %dma_start3A_306 = arith.constant 0 : i32
            %dma_start3A_307 = arith.constant 0 : i32
            %dma_start3A_308 = tpu.memref_slice %arg2[%dma_start3A_306, %dma_start3A_307] : memref<200000x128xf32, #tpu.memory_space<hbm>> -> memref<200000x128xf32, #tpu.memory_space<hbm>>
            tpu.enqueue_indirect_dma source(%dma_start3A_308 : memref<200000x128xf32, #tpu.memory_space<hbm>>) target(%dma_start3A_298 : memref<128x128xf32, #tpu.memory_space<vmem>>) offsets(%dma_start3A_305 : memref<128xi32, #tpu.memory_space<vmem>>) semaphore(%run_scoped3A_294 : memref<!tpu.dma_semaphore, #tpu.memory_space<semaphore_mem>>)
            %dma_wait3A = arith.constant 0 : i32
            %dma_wait3A_309 = arith.constant 0 : i32
            %dma_wait3A_310 = tpu.memref_slice %run_scoped3A_18[%rem3A_228, %dma_wait3A, %dma_wait3A_309] : memref<2x128x128xf32, #tpu.memory_space<vmem>> -> memref<1x128x128xf32, #tpu.memory_space<vmem>>
            %dma_wait3A_311 = tpu.memref_squeeze %dma_wait3A_310 : memref<1x128x128xf32, #tpu.memory_space<vmem>> -> memref<128x128xf32, #tpu.memory_space<vmem>>
            %dma_wait3A_312 = arith.constant 0 : i32
            %dma_wait3A_313 = arith.constant 0 : i32
            %dma_wait3A_314 = tpu.memref_slice %run_scoped3A[%rem3A_226, %dma_wait3A_312, %dma_wait3A_313] : memref<2x1x128xi32, #tpu.memory_space<vmem>> -> memref<1x1x128xi32, #tpu.memory_space<vmem>>
            %dma_wait3A_315 = tpu.memref_squeeze %dma_wait3A_314 : memref<1x1x128xi32, #tpu.memory_space<vmem>> -> memref<1x128xi32, #tpu.memory_space<vmem>>
            %dma_wait3A_316 = arith.constant 0 : i32
            %dma_wait3A_317 = tpu.memref_slice %dma_wait3A_315[%run_scoped3A_229, %dma_wait3A_316] : memref<1x128xi32, #tpu.memory_space<vmem>> -> memref<1x128xi32, #tpu.memory_space<vmem>>
            %dma_wait3A_318 = tpu.memref_squeeze %dma_wait3A_317 : memref<1x128xi32, #tpu.memory_space<vmem>> -> memref<128xi32, #tpu.memory_space<vmem>>
            %dma_wait3A_319 = arith.constant 0 : i32
            %dma_wait3A_320 = arith.constant 0 : i32
            %dma_wait3A_321 = tpu.memref_slice %arg2[%dma_wait3A_319, %dma_wait3A_320] : memref<200000x128xf32, #tpu.memory_space<hbm>> -> memref<200000x128xf32, #tpu.memory_space<hbm>>
            tpu.wait_indirect_dma semaphore(%run_scoped3A_294 : memref<!tpu.dma_semaphore, #tpu.memory_space<semaphore_mem>>) src(%dma_wait3A_321 : memref<200000x128xf32, #tpu.memory_space<hbm>>) dst(%dma_wait3A_311 : memref<128x128xf32, #tpu.memory_space<vmem>>)
            tpu.yield
          }) : () -> ()
          "tpu.trace_stop"() : () -> ()
          %ne3A_230 = arith.cmpi ne, %add3A_155, %add3A_173 : i32
          %or3A_231 = arith.constant false
          %or3A_232 = arith.ori %or3A_231, %ne3A_230 : i1
          %or3A_233 = arith.ori %or3A_232, %eq3A_154 : i1
          %convert_element_type3A_234 = arith.extui %or3A_233 : i1 to i32
          %cond3A_235 = arith.constant 0 : i32
          %cond3A_236 = arith.cmpi ne, %convert_element_type3A_234, %cond3A_235 : i32
          scf.if %cond3A_236 {
          } else {
          }
          %and3A_237 = arith.constant false
          %and3A_238 = arith.andi %or3A_233, %and3A_237 : i1
          %ne3A_239 = arith.cmpi ne, %add3A_155, %add3A_173 : i32
          %or3A_240 = arith.constant false
          %or3A_241 = arith.ori %or3A_240, %ne3A_239 : i1
          %or3A_242 = arith.constant false
          %or3A_243 = arith.ori %or3A_241, %or3A_242 : i1
          %or3A_244 = arith.ori %or3A_243, %eq3A_154 : i1
          %convert_element_type3A_245 = arith.extui %or3A_244 : i1 to i32
          %cond3A_246 = arith.constant 0 : i32
          %cond3A_247 = arith.cmpi ne, %convert_element_type3A_245, %cond3A_246 : i32
          scf.if %cond3A_247 {
            "tpu.trace_start"() <{level = 10 : i32, message = "ep_copy_out"}> : () -> ()
            %rem3A_294 = arith.constant 2 : i32
            %rem3A_295 = arith.remui %while3A_145, %rem3A_294 : i32
            %mul3A_296 = arith.constant 128 : i32
            %mul3A_297 = arith.muli %mul3A_296, %add3A_155 : i32
            %dma_start3A_298 = arith.constant 0 : i32
            %dma_start3A_299 = arith.constant 0 : i32
            %dma_start3A_300 = tpu.memref_slice %run_scoped3A_18[%rem3A_295, %dma_start3A_298, %dma_start3A_299] : memref<2x128x128xf32, #tpu.memory_space<vmem>> -> memref<1x128x128xf32, #tpu.memory_space<vmem>>
            %dma_start3A_301 = tpu.memref_squeeze %dma_start3A_300 : memref<1x128x128xf32, #tpu.memory_space<vmem>> -> memref<128x128xf32, #tpu.memory_space<vmem>>
            %dma_start3A_302 = arith.constant 0 : i32
            %dma_start3A_303 = tpu.memref_slice %arg4[%mul3A_297, %dma_start3A_302] : memref<2400000x128xf32, #tpu.memory_space<hbm>> -> memref<128x128xf32, #tpu.memory_space<hbm>>
            %dma_start3A_304 = tpu.memref_slice %run_scoped3A_19[%rem3A_295] : memref<2x!tpu.dma_semaphore, #tpu.memory_space<semaphore_mem>> -> memref<1x!tpu.dma_semaphore, #tpu.memory_space<semaphore_mem>>
            %dma_start3A_305 = tpu.memref_squeeze %dma_start3A_304 : memref<1x!tpu.dma_semaphore, #tpu.memory_space<semaphore_mem>> -> memref<!tpu.dma_semaphore, #tpu.memory_space<semaphore_mem>>
            %dma_start3A_306 = arith.constant 0 : i32
            %dma_start3A_307 = tpu.memref_slice %arg4[%mul3A_297, %dma_start3A_306] : memref<2400000x128xf32, #tpu.memory_space<hbm>> -> memref<128x128xf32, #tpu.memory_space<hbm>>
            %dma_start3A_308 = arith.constant 0 : i32
            %dma_start3A_309 = arith.constant 0 : i32
            %dma_start3A_310 = tpu.memref_slice %run_scoped3A_18[%rem3A_295, %dma_start3A_308, %dma_start3A_309] : memref<2x128x128xf32, #tpu.memory_space<vmem>> -> memref<1x128x128xf32, #tpu.memory_space<vmem>>
            %dma_start3A_311 = tpu.memref_squeeze %dma_start3A_310 : memref<1x128x128xf32, #tpu.memory_space<vmem>> -> memref<128x128xf32, #tpu.memory_space<vmem>>
            tpu.enqueue_dma source(%dma_start3A_311 : memref<128x128xf32, #tpu.memory_space<vmem>>) target(%dma_start3A_307 : memref<128x128xf32, #tpu.memory_space<hbm>>) target_semaphore(%dma_start3A_305 : memref<!tpu.dma_semaphore, #tpu.memory_space<semaphore_mem>>)
            "tpu.trace_stop"() : () -> ()
          } else {
          }
          %and3A_248 = arith.constant true
          %and3A_249 = arith.andi %or3A_244, %and3A_248 : i1
          %add3A_250 = arith.constant 1 : i32
          %add3A_251 = arith.addi %while3A_145, %add3A_250 : i32
          %select_n3A_252 = arith.select %and3A_249, %add3A_251, %while3A_145 : i32
          %ne3A_253 = arith.cmpi ne, %add3A_155, %add3A_165 : i32
          %or3A_254 = arith.constant false
          %or3A_255 = arith.ori %or3A_254, %ne3A_253 : i1
          %not3A_256 = arith.constant true
          %not3A_257 = arith.xori %eq3A_151, %not3A_256 : i1
          %and3A_258 = arith.andi %or3A_255, %not3A_257 : i1
          %convert_element_type3A_259 = arith.extui %and3A_258 : i1 to i32
          %cond3A_260 = arith.constant 0 : i32
          %cond3A_261 = arith.cmpi ne, %convert_element_type3A_259, %cond3A_260 : i32
          scf.if %cond3A_261 {
          } else {
          }
          %and3A_262 = arith.constant false
          %and3A_263 = arith.andi %and3A_258, %and3A_262 : i1
          %ne3A_264 = arith.cmpi ne, %add3A_155, %add3A_165 : i32
          %or3A_265 = arith.constant false
          %or3A_266 = arith.ori %or3A_265, %ne3A_264 : i1
          %or3A_267 = arith.constant false
          %or3A_268 = arith.ori %or3A_266, %or3A_267 : i1
          %not3A_269 = arith.constant true
          %not3A_270 = arith.xori %eq3A_151, %not3A_269 : i1
          %and3A_271 = arith.andi %or3A_268, %not3A_270 : i1
          %convert_element_type3A_272 = arith.extui %and3A_271 : i1 to i32
          %cond3A_273 = arith.constant 0 : i32
          %cond3A_274 = arith.cmpi ne, %convert_element_type3A_272, %cond3A_273 : i32
          scf.if %cond3A_274 {
            "tpu.trace_start"() <{level = 10 : i32, message = "ep_wait_out"}> : () -> ()
            %rem3A_294 = arith.constant 2 : i32
            %rem3A_295 = arith.remui %while3A_146, %rem3A_294 : i32
            %mul3A_296 = arith.constant 128 : i32
            %mul3A_297 = arith.muli %mul3A_296, %add3A_165 : i32
            %dma_wait3A = arith.constant 0 : i32
            %dma_wait3A_298 = arith.constant 0 : i32
            %dma_wait3A_299 = tpu.memref_slice %run_scoped3A_18[%rem3A_295, %dma_wait3A, %dma_wait3A_298] : memref<2x128x128xf32, #tpu.memory_space<vmem>> -> memref<1x128x128xf32, #tpu.memory_space<vmem>>
            %dma_wait3A_300 = tpu.memref_squeeze %dma_wait3A_299 : memref<1x128x128xf32, #tpu.memory_space<vmem>> -> memref<128x128xf32, #tpu.memory_space<vmem>>
            %dma_wait3A_301 = arith.constant 0 : i32
            %dma_wait3A_302 = tpu.memref_slice %arg4[%mul3A_297, %dma_wait3A_301] : memref<2400000x128xf32, #tpu.memory_space<hbm>> -> memref<128x128xf32, #tpu.memory_space<hbm>>
            %dma_wait3A_303 = tpu.memref_slice %run_scoped3A_19[%rem3A_295] : memref<2x!tpu.dma_semaphore, #tpu.memory_space<semaphore_mem>> -> memref<1x!tpu.dma_semaphore, #tpu.memory_space<semaphore_mem>>
            %dma_wait3A_304 = tpu.memref_squeeze %dma_wait3A_303 : memref<1x!tpu.dma_semaphore, #tpu.memory_space<semaphore_mem>> -> memref<!tpu.dma_semaphore, #tpu.memory_space<semaphore_mem>>
            %dma_wait3A_305 = arith.constant 0 : i32
            %dma_wait3A_306 = tpu.memref_slice %arg4[%mul3A_297, %dma_wait3A_305] : memref<2400000x128xf32, #tpu.memory_space<hbm>> -> memref<128x128xf32, #tpu.memory_space<hbm>>
            %dma_wait3A_307 = arith.constant 0 : i32
            %dma_wait3A_308 = arith.constant 0 : i32
            %dma_wait3A_309 = tpu.memref_slice %run_scoped3A_18[%rem3A_295, %dma_wait3A_307, %dma_wait3A_308] : memref<2x128x128xf32, #tpu.memory_space<vmem>> -> memref<1x128x128xf32, #tpu.memory_space<vmem>>
            %dma_wait3A_310 = tpu.memref_squeeze %dma_wait3A_309 : memref<1x128x128xf32, #tpu.memory_space<vmem>> -> memref<128x128xf32, #tpu.memory_space<vmem>>
            tpu.wait_dma2 semaphore(%dma_wait3A_304 : memref<!tpu.dma_semaphore, #tpu.memory_space<semaphore_mem>>) src(%dma_wait3A_310 : memref<128x128xf32, #tpu.memory_space<vmem>>) dst(%dma_wait3A_306 : memref<128x128xf32, #tpu.memory_space<hbm>>)
            "tpu.trace_stop"() : () -> ()
          } else {
          }
          %and3A_275 = arith.constant true
          %and3A_276 = arith.andi %and3A_271, %and3A_275 : i1
          %add3A_277 = arith.constant 1 : i32
          %add3A_278 = arith.addi %while3A_146, %add3A_277 : i32
          %select_n3A_279 = arith.select %and3A_276, %add3A_278, %while3A_146 : i32
          %ne3A_280 = arith.cmpi ne, %add3A_155, %add3A_173 : i32
          %or3A_281 = arith.constant false
          %or3A_282 = arith.ori %or3A_281, %ne3A_280 : i1
          %or3A_283 = arith.ori %or3A_282, %eq3A_154 : i1
          %add3A_284 = arith.constant 1 : i32
          %add3A_285 = arith.addi %while3A_144, %add3A_284 : i32
          %select_n3A_286 = arith.select %or3A_283, %add3A_285, %while3A_144 : i32
          %add3A_287 = arith.constant 1 : i32
          %add3A_288 = arith.addi %while3A_147, %add3A_287 : i32
          %select_n3A_289 = arith.constant true
          %select_n3A_290 = arith.select %select_n3A_289, %add3A_288, %while3A_147 : i32
          %eq3A_291 = arith.cmpi eq, %select_n3A_290, %select_n3A : i32
          %select_n3A_292 = arith.constant 0 : i32
          %select_n3A_293 = arith.select %eq3A_291, %select_n3A_292, %select_n3A_290 : i32
          scf.yield %select_n3A_195, %select_n3A_286, %select_n3A_252, %select_n3A_279, %select_n3A_293 : i32, i32, i32, i32, i32
        }
        %sub3A_91 = arith.constant 1 : i32
        %sub3A_92 = arith.subi %while3A_90#4, %sub3A_91 : i32
        %select_n3A_93 = arith.constant true
        %select_n3A_94 = arith.select %select_n3A_93, %sub3A_92, %while3A_90#4 : i32
        %eq3A_95 = arith.constant -1 : i32
        %eq3A_96 = arith.cmpi eq, %select_n3A_94, %eq3A_95 : i32
        %sub3A_97 = arith.constant 1 : i32
        %sub3A_98 = arith.subi %select_n3A, %sub3A_97 : i32
        %select_n3A_99 = arith.select %eq3A_96, %sub3A_98, %select_n3A_94 : i32
        %sub3A_100 = arith.constant 1 : i32
        %sub3A_101 = arith.subi %mul3A_16, %sub3A_100 : i32
        %mul3A_102 = arith.constant 1 : i32
        %mul3A_103 = arith.muli %mul3A_102, %select_n3A : i32
        %eq3A_104 = arith.constant 0 : i32
        %eq3A_105 = arith.cmpi eq, %sub3A_101, %eq3A_104 : i32
        %sub3A_106 = arith.constant 1 : i32
        %sub3A_107 = arith.subi %mul3A_103, %sub3A_106 : i32
        %eq3A_108 = arith.cmpi eq, %sub3A_101, %sub3A_107 : i32
        %add3A_109 = arith.addi %select_n3A_99, %select_n3A_14 : i32
        %sub3A_110 = arith.constant 1 : i32
        %sub3A_111 = arith.subi %select_n3A_99, %sub3A_110 : i32
        %select_n3A_112 = arith.constant true
        %select_n3A_113 = arith.select %select_n3A_112, %sub3A_111, %select_n3A_99 : i32
        %eq3A_114 = arith.constant -1 : i32
        %eq3A_115 = arith.cmpi eq, %select_n3A_113, %eq3A_114 : i32
        %sub3A_116 = arith.constant 1 : i32
        %sub3A_117 = arith.subi %select_n3A, %sub3A_116 : i32
        %select_n3A_118 = arith.select %eq3A_115, %sub3A_117, %select_n3A_113 : i32
        %add3A_119 = arith.addi %select_n3A_118, %select_n3A_14 : i32
        %add3A_120 = arith.constant 1 : i32
        %add3A_121 = arith.addi %select_n3A_99, %add3A_120 : i32
        %select_n3A_122 = arith.constant true
        %select_n3A_123 = arith.select %select_n3A_122, %add3A_121, %select_n3A_99 : i32
        %eq3A_124 = arith.cmpi eq, %select_n3A_123, %select_n3A : i32
        %select_n3A_125 = arith.constant 0 : i32
        %select_n3A_126 = arith.select %eq3A_124, %select_n3A_125, %select_n3A_123 : i32
        %add3A_127 = arith.addi %select_n3A_126, %select_n3A_14 : i32
        %add3A_128 = arith.constant 1 : i32
        %add3A_129 = arith.addi %select_n3A_126, %add3A_128 : i32
        %select_n3A_130 = arith.constant true
        %select_n3A_131 = arith.select %select_n3A_130, %add3A_129, %select_n3A_126 : i32
        %eq3A_132 = arith.cmpi eq, %select_n3A_131, %select_n3A : i32
        %select_n3A_133 = arith.constant 0 : i32
        %select_n3A_134 = arith.select %eq3A_132, %select_n3A_133, %select_n3A_131 : i32
        %add3A_135 = arith.addi %select_n3A_134, %select_n3A_14 : i32
        %convert_element_type3A_136 = arith.extui %eq3A_108 : i1 to i32
        %cond3A_137 = arith.constant 0 : i32
        %cond3A_138 = arith.cmpi ne, %convert_element_type3A_136, %cond3A_137 : i32
        scf.if %cond3A_138 {
        } else {
        }
        %convert_element_type3A_139 = arith.extui %eq3A_108 : i1 to i32
        %cond3A_140 = arith.constant 0 : i32
        %cond3A_141 = arith.cmpi ne, %convert_element_type3A_139, %cond3A_140 : i32
        scf.if %cond3A_141 {
          "tpu.trace_start"() <{level = 10 : i32, message = "ep_finalize"}> : () -> ()
          %rem3A_142 = arith.constant 2 : i32
          %rem3A_143 = arith.remui %while3A_90#3, %rem3A_142 : i32
          %mul3A_144 = arith.constant 128 : i32
          %mul3A_145 = arith.muli %mul3A_144, %add3A_109 : i32
          %dma_wait3A = arith.constant 0 : i32
          %dma_wait3A_146 = arith.constant 0 : i32
          %dma_wait3A_147 = tpu.memref_slice %run_scoped3A_18[%rem3A_143, %dma_wait3A, %dma_wait3A_146] : memref<2x128x128xf32, #tpu.memory_space<vmem>> -> memref<1x128x128xf32, #tpu.memory_space<vmem>>
          %dma_wait3A_148 = tpu.memref_squeeze %dma_wait3A_147 : memref<1x128x128xf32, #tpu.memory_space<vmem>> -> memref<128x128xf32, #tpu.memory_space<vmem>>
          %dma_wait3A_149 = arith.constant 0 : i32
          %dma_wait3A_150 = tpu.memref_slice %arg4[%mul3A_145, %dma_wait3A_149] : memref<2400000x128xf32, #tpu.memory_space<hbm>> -> memref<128x128xf32, #tpu.memory_space<hbm>>
          %dma_wait3A_151 = tpu.memref_slice %run_scoped3A_19[%rem3A_143] : memref<2x!tpu.dma_semaphore, #tpu.memory_space<semaphore_mem>> -> memref<1x!tpu.dma_semaphore, #tpu.memory_space<semaphore_mem>>
          %dma_wait3A_152 = tpu.memref_squeeze %dma_wait3A_151 : memref<1x!tpu.dma_semaphore, #tpu.memory_space<semaphore_mem>> -> memref<!tpu.dma_semaphore, #tpu.memory_space<semaphore_mem>>
          %dma_wait3A_153 = arith.constant 0 : i32
          %dma_wait3A_154 = tpu.memref_slice %arg4[%mul3A_145, %dma_wait3A_153] : memref<2400000x128xf32, #tpu.memory_space<hbm>> -> memref<128x128xf32, #tpu.memory_space<hbm>>
          %dma_wait3A_155 = arith.constant 0 : i32
          %dma_wait3A_156 = arith.constant 0 : i32
          %dma_wait3A_157 = tpu.memref_slice %run_scoped3A_18[%rem3A_143, %dma_wait3A_155, %dma_wait3A_156] : memref<2x128x128xf32, #tpu.memory_space<vmem>> -> memref<1x128x128xf32, #tpu.memory_space<vmem>>
          %dma_wait3A_158 = tpu.memref_squeeze %dma_wait3A_157 : memref<1x128x128xf32, #tpu.memory_space<vmem>> -> memref<128x128xf32, #tpu.memory_space<vmem>>
          tpu.wait_dma2 semaphore(%dma_wait3A_152 : memref<!tpu.dma_semaphore, #tpu.memory_space<semaphore_mem>>) src(%dma_wait3A_158 : memref<128x128xf32, #tpu.memory_space<vmem>>) dst(%dma_wait3A_154 : memref<128x128xf32, #tpu.memory_space<hbm>>)
          "tpu.trace_stop"() : () -> ()
        } else {
        }
      } else {
      }
      tpu.yield
    }) : () -> ()
    return
  }
}

#map = affine_map<(d0, d1) -> (0, 0)>
module attributes {stable_mosaic.version = 14 : i64} {
  func.func @gk(%arg0: i32, %arg1: i32, %arg2: memref<200000x128xf32, #tpu.memory_space<hbm>>, %arg3: memref<1x2400000xi32, #tpu.memory_space<hbm>>, %arg4: memref<2400000x128xf32, #tpu.memory_space<hbm>>) attributes {dimension_semantics = [#tpu.dimension_semantics<core_parallel>, #tpu.dimension_semantics<subcore_parallel>], iteration_bounds = array<i64: 2, 16>, scalar_prefetch = 0 : i64, scratch_operands = 0 : i64, tpu.core_type = #tpu.core_type<sc_vector_subcore>, window_params = [{transform_indices = #map}, {transform_indices = #map}, {transform_indices = #map}]} {
    %mul3A = arith.constant 1 : i32
    %mul3A_0 = arith.muli %arg1, %mul3A : i32
    %add3A = arith.constant 0 : i32
    %add3A_1 = arith.addi %add3A, %mul3A_0 : i32
    %mul3A_2 = arith.constant 16 : i32
    %mul3A_3 = arith.muli %arg0, %mul3A_2 : i32
    %add3A_4 = arith.addi %add3A_1, %mul3A_3 : i32
    %lt3A = arith.constant 30 : i32
    %lt3A_5 = arith.cmpi slt, %add3A_4, %lt3A : i32
    %jit3A = arith.constant 586 : i32
    %jit3A_6 = arith.constant 585 : i32
    %select_n3A = arith.select %lt3A_5, %jit3A, %jit3A_6 : i32
    %lt3A_7 = arith.constant 30 : i32
    %lt3A_8 = arith.cmpi slt, %add3A_4, %lt3A_7 : i32
    %mul3A_9 = arith.muli %add3A_4, %select_n3A : i32
    %mul3A_10 = arith.constant 585 : i32
    %mul3A_11 = arith.muli %add3A_4, %mul3A_10 : i32
    %add3A_12 = arith.constant 30 : i32
    %add3A_13 = arith.addi %mul3A_11, %add3A_12 : i32
    %select_n3A_14 = arith.select %lt3A_8, %mul3A_9, %add3A_13 : i32
    %mul3A_15 = arith.constant 1 : i32
    %mul3A_16 = arith.muli %mul3A_15, %select_n3A : i32
    "tpu.region"() ({
      %run_scoped3A = memref.alloca() : memref<2x1x128xi32, #tpu.memory_space<vmem>>
      %run_scoped3A_17 = tpu.sem_alloc : memref<2x!tpu.dma_semaphore, #tpu.memory_space<semaphore_mem>>
      %run_scoped3A_18 = memref.alloca() : memref<2x128x128xf32, #tpu.memory_space<vmem>>
      %run_scoped3A_19 = tpu.sem_alloc : memref<2x!tpu.dma_semaphore, #tpu.memory_space<semaphore_mem>>
      %gt3A = arith.constant 0 : i32
      %gt3A_20 = arith.cmpi sgt, %mul3A_16, %gt3A : i32
      %convert_element_type3A = arith.extui %gt3A_20 : i1 to i32
      %cond3A = arith.constant 0 : i32
      %cond3A_21 = arith.cmpi ne, %convert_element_type3A, %cond3A : i32
      scf.if %cond3A_21 {
        %mul3A_22 = arith.constant 1 : i32
        %mul3A_23 = arith.muli %mul3A_22, %select_n3A : i32
        %sub3A = arith.constant 1 : i32
        %sub3A_24 = arith.subi %mul3A_23, %sub3A : i32
        %eq3A = arith.constant 0 : i32
        %eq3A_25 = arith.cmpi eq, %sub3A_24, %eq3A : i32
        %add3A_26 = arith.constant 0 : i32
        %add3A_27 = arith.addi %add3A_26, %select_n3A_14 : i32
        %select_n3A_28 = arith.constant true
        %select_n3A_29 = arith.constant 0 : i32
        %select_n3A_30 = arith.constant -1 : i32
        %select_n3A_31 = arith.select %select_n3A_28, %select_n3A_30, %select_n3A_29 : i32
        %eq3A_32 = arith.constant -1 : i32
        %eq3A_33 = arith.cmpi eq, %select_n3A_31, %eq3A_32 : i32
        %sub3A_34 = arith.constant 1 : i32
        %sub3A_35 = arith.subi %select_n3A, %sub3A_34 : i32
        %select_n3A_36 = arith.select %eq3A_33, %sub3A_35, %select_n3A_31 : i32
        %add3A_37 = arith.addi %select_n3A_36, %select_n3A_14 : i32
        %select_n3A_38 = arith.constant true
        %select_n3A_39 = arith.constant 0 : i32
        %select_n3A_40 = arith.constant 1 : i32
        %select_n3A_41 = arith.select %select_n3A_38, %select_n3A_40, %select_n3A_39 : i32
        %eq3A_42 = arith.cmpi eq, %select_n3A_41, %select_n3A : i32
        %select_n3A_43 = arith.constant 0 : i32
        %select_n3A_44 = arith.select %eq3A_42, %select_n3A_43, %select_n3A_41 : i32
        %add3A_45 = arith.addi %select_n3A_44, %select_n3A_14 : i32
        %add3A_46 = arith.constant 1 : i32
        %add3A_47 = arith.addi %select_n3A_44, %add3A_46 : i32
        %select_n3A_48 = arith.constant true
        %select_n3A_49 = arith.select %select_n3A_48, %add3A_47, %select_n3A_44 : i32
        %eq3A_50 = arith.cmpi eq, %select_n3A_49, %select_n3A : i32
        %select_n3A_51 = arith.constant 0 : i32
        %select_n3A_52 = arith.select %eq3A_50, %select_n3A_51, %select_n3A_49 : i32
        %add3A_53 = arith.addi %select_n3A_52, %select_n3A_14 : i32
        "tpu.trace_start"() <{level = 10 : i32, message = "ep_initialize_0"}> : () -> ()
        %rem3A = arith.constant 0 : i32
        %rem3A_54 = arith.constant 2 : i32
        %rem3A_55 = arith.remui %rem3A, %rem3A_54 : i32
        %mul3A_56 = arith.constant 128 : i32
        %mul3A_57 = arith.muli %mul3A_56, %add3A_27 : i32
        %dma_start3A = arith.constant 0 : i32
        %dma_start3A_58 = arith.constant 0 : i32
        %dma_start3A_59 = tpu.memref_slice %run_scoped3A[%rem3A_55, %dma_start3A, %dma_start3A_58] : memref<2x1x128xi32, #tpu.memory_space<vmem>> -> memref<1x1x128xi32, #tpu.memory_space<vmem>>
        %dma_start3A_60 = tpu.memref_squeeze %dma_start3A_59 : memref<1x1x128xi32, #tpu.memory_space<vmem>> -> memref<1x128xi32, #tpu.memory_space<vmem>>
        %dma_start3A_61 = arith.constant 0 : i32
        %dma_start3A_62 = tpu.memref_slice %arg3[%dma_start3A_61, %mul3A_57] : memref<1x2400000xi32, #tpu.memory_space<hbm>> -> memref<1x128xi32, #tpu.memory_space<hbm>>
        %dma_start3A_63 = tpu.memref_slice %run_scoped3A_17[%rem3A_55] : memref<2x!tpu.dma_semaphore, #tpu.memory_space<semaphore_mem>> -> memref<1x!tpu.dma_semaphore, #tpu.memory_space<semaphore_mem>>
        %dma_start3A_64 = tpu.memref_squeeze %dma_start3A_63 : memref<1x!tpu.dma_semaphore, #tpu.memory_space<semaphore_mem>> -> memref<!tpu.dma_semaphore, #tpu.memory_space<semaphore_mem>>
        %dma_start3A_65 = arith.constant 0 : i32
        %dma_start3A_66 = arith.constant 0 : i32
        %dma_start3A_67 = tpu.memref_slice %run_scoped3A[%rem3A_55, %dma_start3A_65, %dma_start3A_66] : memref<2x1x128xi32, #tpu.memory_space<vmem>> -> memref<1x1x128xi32, #tpu.memory_space<vmem>>
        %dma_start3A_68 = tpu.memref_squeeze %dma_start3A_67 : memref<1x1x128xi32, #tpu.memory_space<vmem>> -> memref<1x128xi32, #tpu.memory_space<vmem>>
        %dma_start3A_69 = arith.constant 0 : i32
        %dma_start3A_70 = tpu.memref_slice %arg3[%dma_start3A_69, %mul3A_57] : memref<1x2400000xi32, #tpu.memory_space<hbm>> -> memref<1x128xi32, #tpu.memory_space<hbm>>
        tpu.enqueue_dma source(%dma_start3A_70 : memref<1x128xi32, #tpu.memory_space<hbm>>) target(%dma_start3A_68 : memref<1x128xi32, #tpu.memory_space<vmem>>) target_semaphore(%dma_start3A_64 : memref<!tpu.dma_semaphore, #tpu.memory_space<semaphore_mem>>)
        %add3A_71 = arith.constant 0 : i32
        %add3A_72 = arith.constant 1 : i32
        %add3A_73 = arith.addi %add3A_71, %add3A_72 : i32
        %select_n3A_74 = arith.constant true
        %select_n3A_75 = arith.constant 0 : i32
        %select_n3A_76 = arith.select %select_n3A_74, %add3A_73, %select_n3A_75 : i32
        %while3A = arith.constant 0 : i32
        %while3A_77 = arith.constant 0 : i32
        %while3A_78 = arith.constant 0 : i32
        %while3A_79 = arith.constant 0 : i32
        %while3A_80 = arith.constant 0 : i32
        "tpu.trace_stop"() : () -> ()
        %while3A_81 = arith.subi %mul3A_16, %while3A : i32
        %while3A_82 = arith.addi %while3A, %while3A_81 : i32
        %while3A_83 = arith.constant 1 : i32
        %while3A_84 = arith.divsi %while3A_81, %while3A_83 : i32
        %while3A_85 = arith.muli %while3A_84, %while3A_83 : i32
        %while3A_86 = arith.addi %while3A, %while3A_85 : i32
        %while3A_87 = arith.constant 1 : i32
        %while3A_88:5 = scf.for %while3A_142 = %while3A to %while3A_86 step %while3A_87 iter_args(%while3A_143 = %select_n3A_76, %while3A_144 = %while3A_77, %while3A_145 = %while3A_78, %while3A_146 = %while3A_79, %while3A_147 = %while3A_80) -> (i32, i32, i32, i32, i32)  : i32 {
          %mul3A_148 = arith.constant 1 : i32
          %mul3A_149 = arith.muli %mul3A_148, %select_n3A : i32
          %eq3A_150 = arith.constant 0 : i32
          %eq3A_151 = arith.cmpi eq, %while3A_142, %eq3A_150 : i32
          %sub3A_152 = arith.constant 1 : i32
          %sub3A_153 = arith.subi %mul3A_149, %sub3A_152 : i32
          %eq3A_154 = arith.cmpi eq, %while3A_142, %sub3A_153 : i32
          %add3A_155 = arith.addi %while3A_147, %select_n3A_14 : i32
          %sub3A_156 = arith.constant 1 : i32
          %sub3A_157 = arith.subi %while3A_147, %sub3A_156 : i32
          %select_n3A_158 = arith.constant true
          %select_n3A_159 = arith.select %select_n3A_158, %sub3A_157, %while3A_147 : i32
          %eq3A_160 = arith.constant -1 : i32
          %eq3A_161 = arith.cmpi eq, %select_n3A_159, %eq3A_160 : i32
          %sub3A_162 = arith.constant 1 : i32
          %sub3A_163 = arith.subi %select_n3A, %sub3A_162 : i32
          %select_n3A_164 = arith.select %eq3A_161, %sub3A_163, %select_n3A_159 : i32
          %add3A_165 = arith.addi %select_n3A_164, %select_n3A_14 : i32
          %add3A_166 = arith.constant 1 : i32
          %add3A_167 = arith.addi %while3A_147, %add3A_166 : i32
          %select_n3A_168 = arith.constant true
          %select_n3A_169 = arith.select %select_n3A_168, %add3A_167, %while3A_147 : i32
          %eq3A_170 = arith.cmpi eq, %select_n3A_169, %select_n3A : i32
          %select_n3A_171 = arith.constant 0 : i32
          %select_n3A_172 = arith.select %eq3A_170, %select_n3A_171, %select_n3A_169 : i32
          %add3A_173 = arith.addi %select_n3A_172, %select_n3A_14 : i32
          %add3A_174 = arith.constant 1 : i32
          %add3A_175 = arith.addi %select_n3A_172, %add3A_174 : i32
          %select_n3A_176 = arith.constant true
          %select_n3A_177 = arith.select %select_n3A_176, %add3A_175, %select_n3A_172 : i32
          %eq3A_178 = arith.cmpi eq, %select_n3A_177, %select_n3A : i32
          %select_n3A_179 = arith.constant 0 : i32
          %select_n3A_180 = arith.select %eq3A_178, %select_n3A_179, %select_n3A_177 : i32
          %add3A_181 = arith.addi %select_n3A_180, %select_n3A_14 : i32
          %ne3A = arith.cmpi ne, %add3A_155, %add3A_173 : i32
          %or3A = arith.constant false
          %or3A_182 = arith.ori %or3A, %ne3A : i1
          %sub3A_183 = arith.constant 2 : i32
          %sub3A_184 = arith.subi %mul3A_149, %sub3A_183 : i32
          %add3A_185 = arith.constant 1 : i32
          %add3A_186 = arith.addi %sub3A_184, %add3A_185 : i32
          %ge3A = arith.cmpi sge, %while3A_142, %add3A_186 : i32
          %not3A = arith.constant true
          %not3A_187 = arith.xori %ge3A, %not3A : i1
          %and3A = arith.andi %or3A_182, %not3A_187 : i1
          %convert_element_type3A_188 = arith.extui %and3A : i1 to i32
          %cond3A_189 = arith.constant 0 : i32
          %cond3A_190 = arith.cmpi ne, %convert_element_type3A_188, %cond3A_189 : i32
          scf.if %cond3A_190 {
            "tpu.trace_start"() <{level = 10 : i32, message = "ep_copy_in"}> : () -> ()
            %rem3A_294 = arith.constant 2 : i32
            %rem3A_295 = arith.remui %while3A_143, %rem3A_294 : i32
            %mul3A_296 = arith.constant 128 : i32
            %mul3A_297 = arith.muli %mul3A_296, %add3A_173 : i32
            %dma_start3A_298 = arith.constant 0 : i32
            %dma_start3A_299 = arith.constant 0 : i32
            %dma_start3A_300 = tpu.memref_slice %run_scoped3A[%rem3A_295, %dma_start3A_298, %dma_start3A_299] : memref<2x1x128xi32, #tpu.memory_space<vmem>> -> memref<1x1x128xi32, #tpu.memory_space<vmem>>
            %dma_start3A_301 = tpu.memref_squeeze %dma_start3A_300 : memref<1x1x128xi32, #tpu.memory_space<vmem>> -> memref<1x128xi32, #tpu.memory_space<vmem>>
            %dma_start3A_302 = arith.constant 0 : i32
            %dma_start3A_303 = tpu.memref_slice %arg3[%dma_start3A_302, %mul3A_297] : memref<1x2400000xi32, #tpu.memory_space<hbm>> -> memref<1x128xi32, #tpu.memory_space<hbm>>
            %dma_start3A_304 = tpu.memref_slice %run_scoped3A_17[%rem3A_295] : memref<2x!tpu.dma_semaphore, #tpu.memory_space<semaphore_mem>> -> memref<1x!tpu.dma_semaphore, #tpu.memory_space<semaphore_mem>>
            %dma_start3A_305 = tpu.memref_squeeze %dma_start3A_304 : memref<1x!tpu.dma_semaphore, #tpu.memory_space<semaphore_mem>> -> memref<!tpu.dma_semaphore, #tpu.memory_space<semaphore_mem>>
            %dma_start3A_306 = arith.constant 0 : i32
            %dma_start3A_307 = arith.constant 0 : i32
            %dma_start3A_308 = tpu.memref_slice %run_scoped3A[%rem3A_295, %dma_start3A_306, %dma_start3A_307] : memref<2x1x128xi32, #tpu.memory_space<vmem>> -> memref<1x1x128xi32, #tpu.memory_space<vmem>>
            %dma_start3A_309 = tpu.memref_squeeze %dma_start3A_308 : memref<1x1x128xi32, #tpu.memory_space<vmem>> -> memref<1x128xi32, #tpu.memory_space<vmem>>
            %dma_start3A_310 = arith.constant 0 : i32
            %dma_start3A_311 = tpu.memref_slice %arg3[%dma_start3A_310, %mul3A_297] : memref<1x2400000xi32, #tpu.memory_space<hbm>> -> memref<1x128xi32, #tpu.memory_space<hbm>>
            tpu.enqueue_dma source(%dma_start3A_311 : memref<1x128xi32, #tpu.memory_space<hbm>>) target(%dma_start3A_309 : memref<1x128xi32, #tpu.memory_space<vmem>>) target_semaphore(%dma_start3A_305 : memref<!tpu.dma_semaphore, #tpu.memory_space<semaphore_mem>>)
            "tpu.trace_stop"() : () -> ()
          } else {
          }
          %and3A_191 = arith.constant true
          %and3A_192 = arith.andi %and3A, %and3A_191 : i1
          %add3A_193 = arith.constant 1 : i32
          %add3A_194 = arith.addi %while3A_143, %add3A_193 : i32
          %select_n3A_195 = arith.select %and3A_192, %add3A_194, %while3A_143 : i32
          %ne3A_196 = arith.cmpi ne, %add3A_155, %add3A_173 : i32
          %or3A_197 = arith.constant false
          %or3A_198 = arith.ori %or3A_197, %ne3A_196 : i1
          %or3A_199 = arith.constant false
          %or3A_200 = arith.ori %or3A_198, %or3A_199 : i1
          %sub3A_201 = arith.constant 2 : i32
          %sub3A_202 = arith.subi %mul3A_149, %sub3A_201 : i32
          %add3A_203 = arith.constant 1 : i32
          %add3A_204 = arith.addi %sub3A_202, %add3A_203 : i32
          %ge3A_205 = arith.cmpi sge, %while3A_142, %add3A_204 : i32
          %not3A_206 = arith.constant true
          %not3A_207 = arith.xori %ge3A_205, %not3A_206 : i1
          %and3A_208 = arith.andi %or3A_200, %not3A_207 : i1
          %ne3A_209 = arith.cmpi ne, %add3A_155, %add3A_165 : i32
          %or3A_210 = arith.constant false
          %or3A_211 = arith.ori %or3A_210, %ne3A_209 : i1
          %or3A_212 = arith.ori %or3A_211, %eq3A_151 : i1
          %convert_element_type3A_213 = arith.extui %or3A_212 : i1 to i32
          %cond3A_214 = arith.constant 0 : i32
          %cond3A_215 = arith.cmpi ne, %convert_element_type3A_213, %cond3A_214 : i32
          scf.if %cond3A_215 {
            "tpu.trace_start"() <{level = 10 : i32, message = "ep_wait_in"}> : () -> ()
            %mul3A_294 = arith.constant 128 : i32
            %mul3A_295 = arith.muli %mul3A_294, %add3A_155 : i32
            %rem3A_296 = arith.constant 2 : i32
            %rem3A_297 = arith.remui %while3A_144, %rem3A_296 : i32
            %dma_wait3A = arith.constant 0 : i32
            %dma_wait3A_298 = arith.constant 0 : i32
            %dma_wait3A_299 = tpu.memref_slice %run_scoped3A[%rem3A_297, %dma_wait3A, %dma_wait3A_298] : memref<2x1x128xi32, #tpu.memory_space<vmem>> -> memref<1x1x128xi32, #tpu.memory_space<vmem>>
            %dma_wait3A_300 = tpu.memref_squeeze %dma_wait3A_299 : memref<1x1x128xi32, #tpu.memory_space<vmem>> -> memref<1x128xi32, #tpu.memory_space<vmem>>
            %dma_wait3A_301 = arith.constant 0 : i32
            %dma_wait3A_302 = tpu.memref_slice %arg3[%dma_wait3A_301, %mul3A_295] : memref<1x2400000xi32, #tpu.memory_space<hbm>> -> memref<1x128xi32, #tpu.memory_space<hbm>>
            %dma_wait3A_303 = tpu.memref_slice %run_scoped3A_17[%rem3A_297] : memref<2x!tpu.dma_semaphore, #tpu.memory_space<semaphore_mem>> -> memref<1x!tpu.dma_semaphore, #tpu.memory_space<semaphore_mem>>
            %dma_wait3A_304 = tpu.memref_squeeze %dma_wait3A_303 : memref<1x!tpu.dma_semaphore, #tpu.memory_space<semaphore_mem>> -> memref<!tpu.dma_semaphore, #tpu.memory_space<semaphore_mem>>
            %dma_wait3A_305 = arith.constant 0 : i32
            %dma_wait3A_306 = arith.constant 0 : i32
            %dma_wait3A_307 = tpu.memref_slice %run_scoped3A[%rem3A_297, %dma_wait3A_305, %dma_wait3A_306] : memref<2x1x128xi32, #tpu.memory_space<vmem>> -> memref<1x1x128xi32, #tpu.memory_space<vmem>>
            %dma_wait3A_308 = tpu.memref_squeeze %dma_wait3A_307 : memref<1x1x128xi32, #tpu.memory_space<vmem>> -> memref<1x128xi32, #tpu.memory_space<vmem>>
            %dma_wait3A_309 = arith.constant 0 : i32
            %dma_wait3A_310 = tpu.memref_slice %arg3[%dma_wait3A_309, %mul3A_295] : memref<1x2400000xi32, #tpu.memory_space<hbm>> -> memref<1x128xi32, #tpu.memory_space<hbm>>
            tpu.wait_dma2 semaphore(%dma_wait3A_304 : memref<!tpu.dma_semaphore, #tpu.memory_space<semaphore_mem>>) src(%dma_wait3A_310 : memref<1x128xi32, #tpu.memory_space<hbm>>) dst(%dma_wait3A_308 : memref<1x128xi32, #tpu.memory_space<vmem>>)
            "tpu.trace_stop"() : () -> ()
          } else {
          }
          %ne3A_216 = arith.cmpi ne, %add3A_155, %add3A_165 : i32
          %or3A_217 = arith.constant false
          %or3A_218 = arith.ori %or3A_217, %ne3A_216 : i1
          %or3A_219 = arith.constant false
          %or3A_220 = arith.ori %or3A_218, %or3A_219 : i1
          %or3A_221 = arith.ori %or3A_220, %eq3A_151 : i1
          %convert_element_type3A_222 = arith.extui %or3A_221 : i1 to i32
          %cond3A_223 = arith.constant 0 : i32
          %cond3A_224 = arith.cmpi ne, %convert_element_type3A_222, %cond3A_223 : i32
          scf.if %cond3A_224 {
          } else {
          }
          %rem3A_225 = arith.constant 2 : i32
          %rem3A_226 = arith.remui %while3A_144, %rem3A_225 : i32
          %rem3A_227 = arith.constant 2 : i32
          %rem3A_228 = arith.remui %while3A_145, %rem3A_227 : i32
          %run_scoped3A_229 = arith.constant 0 : i32
          "tpu.trace_start"() <{level = 10 : i32, message = "ep_run_kernel"}> : () -> ()
          "tpu.region"() ({
            %run_scoped3A_294 = tpu.sem_alloc : memref<!tpu.dma_semaphore, #tpu.memory_space<semaphore_mem>>
            %dma_start3A_295 = arith.constant 0 : i32
            %dma_start3A_296 = arith.constant 0 : i32
            %dma_start3A_297 = tpu.memref_slice %run_scoped3A_18[%rem3A_228, %dma_start3A_295, %dma_start3A_296] : memref<2x128x128xf32, #tpu.memory_space<vmem>> -> memref<1x128x128xf32, #tpu.memory_space<vmem>>
            %dma_start3A_298 = tpu.memref_squeeze %dma_start3A_297 : memref<1x128x128xf32, #tpu.memory_space<vmem>> -> memref<128x128xf32, #tpu.memory_space<vmem>>
            %dma_start3A_299 = arith.constant 0 : i32
            %dma_start3A_300 = arith.constant 0 : i32
            %dma_start3A_301 = tpu.memref_slice %run_scoped3A[%rem3A_226, %dma_start3A_299, %dma_start3A_300] : memref<2x1x128xi32, #tpu.memory_space<vmem>> -> memref<1x1x128xi32, #tpu.memory_space<vmem>>
            %dma_start3A_302 = tpu.memref_squeeze %dma_start3A_301 : memref<1x1x128xi32, #tpu.memory_space<vmem>> -> memref<1x128xi32, #tpu.memory_space<vmem>>
            %dma_start3A_303 = arith.constant 0 : i32
            %dma_start3A_304 = tpu.memref_slice %dma_start3A_302[%run_scoped3A_229, %dma_start3A_303] : memref<1x128xi32, #tpu.memory_space<vmem>> -> memref<1x128xi32, #tpu.memory_space<vmem>>
            %dma_start3A_305 = tpu.memref_squeeze %dma_start3A_304 : memref<1x128xi32, #tpu.memory_space<vmem>> -> memref<128xi32, #tpu.memory_space<vmem>>
            %dma_start3A_306 = arith.constant 0 : i32
            %dma_start3A_307 = arith.constant 0 : i32
            %dma_start3A_308 = tpu.memref_slice %arg2[%dma_start3A_306, %dma_start3A_307] : memref<200000x128xf32, #tpu.memory_space<hbm>> -> memref<200000x128xf32, #tpu.memory_space<hbm>>
            tpu.enqueue_indirect_dma source(%dma_start3A_308 : memref<200000x128xf32, #tpu.memory_space<hbm>>) target(%dma_start3A_298 : memref<128x128xf32, #tpu.memory_space<vmem>>) offsets(%dma_start3A_305 : memref<128xi32, #tpu.memory_space<vmem>>) semaphore(%run_scoped3A_294 : memref<!tpu.dma_semaphore, #tpu.memory_space<semaphore_mem>>)
            %dma_wait3A = arith.constant 0 : i32
            %dma_wait3A_309 = arith.constant 0 : i32
            %dma_wait3A_310 = tpu.memref_slice %run_scoped3A_18[%rem3A_228, %dma_wait3A, %dma_wait3A_309] : memref<2x128x128xf32, #tpu.memory_space<vmem>> -> memref<1x128x128xf32, #tpu.memory_space<vmem>>
            %dma_wait3A_311 = tpu.memref_squeeze %dma_wait3A_310 : memref<1x128x128xf32, #tpu.memory_space<vmem>> -> memref<128x128xf32, #tpu.memory_space<vmem>>
            %dma_wait3A_312 = arith.constant 0 : i32
            %dma_wait3A_313 = arith.constant 0 : i32
            %dma_wait3A_314 = tpu.memref_slice %run_scoped3A[%rem3A_226, %dma_wait3A_312, %dma_wait3A_313] : memref<2x1x128xi32, #tpu.memory_space<vmem>> -> memref<1x1x128xi32, #tpu.memory_space<vmem>>
            %dma_wait3A_315 = tpu.memref_squeeze %dma_wait3A_314 : memref<1x1x128xi32, #tpu.memory_space<vmem>> -> memref<1x128xi32, #tpu.memory_space<vmem>>
            %dma_wait3A_316 = arith.constant 0 : i32
            %dma_wait3A_317 = tpu.memref_slice %dma_wait3A_315[%run_scoped3A_229, %dma_wait3A_316] : memref<1x128xi32, #tpu.memory_space<vmem>> -> memref<1x128xi32, #tpu.memory_space<vmem>>
            %dma_wait3A_318 = tpu.memref_squeeze %dma_wait3A_317 : memref<1x128xi32, #tpu.memory_space<vmem>> -> memref<128xi32, #tpu.memory_space<vmem>>
            %dma_wait3A_319 = arith.constant 0 : i32
            %dma_wait3A_320 = arith.constant 0 : i32
            %dma_wait3A_321 = tpu.memref_slice %arg2[%dma_wait3A_319, %dma_wait3A_320] : memref<200000x128xf32, #tpu.memory_space<hbm>> -> memref<200000x128xf32, #tpu.memory_space<hbm>>
            tpu.wait_indirect_dma semaphore(%run_scoped3A_294 : memref<!tpu.dma_semaphore, #tpu.memory_space<semaphore_mem>>) src(%dma_wait3A_321 : memref<200000x128xf32, #tpu.memory_space<hbm>>) dst(%dma_wait3A_311 : memref<128x128xf32, #tpu.memory_space<vmem>>)
            tpu.yield
          }) : () -> ()
          "tpu.trace_stop"() : () -> ()
          %ne3A_230 = arith.cmpi ne, %add3A_155, %add3A_173 : i32
          %or3A_231 = arith.constant false
          %or3A_232 = arith.ori %or3A_231, %ne3A_230 : i1
          %or3A_233 = arith.ori %or3A_232, %eq3A_154 : i1
          %convert_element_type3A_234 = arith.extui %or3A_233 : i1 to i32
          %cond3A_235 = arith.constant 0 : i32
          %cond3A_236 = arith.cmpi ne, %convert_element_type3A_234, %cond3A_235 : i32
          scf.if %cond3A_236 {
          } else {
          }
          %and3A_237 = arith.constant false
          %and3A_238 = arith.andi %or3A_233, %and3A_237 : i1
          %ne3A_239 = arith.cmpi ne, %add3A_155, %add3A_173 : i32
          %or3A_240 = arith.constant false
          %or3A_241 = arith.ori %or3A_240, %ne3A_239 : i1
          %or3A_242 = arith.constant false
          %or3A_243 = arith.ori %or3A_241, %or3A_242 : i1
          %or3A_244 = arith.ori %or3A_243, %eq3A_154 : i1
          %convert_element_type3A_245 = arith.extui %or3A_244 : i1 to i32
          %cond3A_246 = arith.constant 0 : i32
          %cond3A_247 = arith.cmpi ne, %convert_element_type3A_245, %cond3A_246 : i32
          scf.if %cond3A_247 {
            "tpu.trace_start"() <{level = 10 : i32, message = "ep_copy_out"}> : () -> ()
            %rem3A_294 = arith.constant 2 : i32
            %rem3A_295 = arith.remui %while3A_145, %rem3A_294 : i32
            %mul3A_296 = arith.constant 128 : i32
            %mul3A_297 = arith.muli %mul3A_296, %add3A_155 : i32
            %dma_start3A_298 = arith.constant 0 : i32
            %dma_start3A_299 = arith.constant 0 : i32
            %dma_start3A_300 = tpu.memref_slice %run_scoped3A_18[%rem3A_295, %dma_start3A_298, %dma_start3A_299] : memref<2x128x128xf32, #tpu.memory_space<vmem>> -> memref<1x128x128xf32, #tpu.memory_space<vmem>>
            %dma_start3A_301 = tpu.memref_squeeze %dma_start3A_300 : memref<1x128x128xf32, #tpu.memory_space<vmem>> -> memref<128x128xf32, #tpu.memory_space<vmem>>
            %dma_start3A_302 = arith.constant 0 : i32
            %dma_start3A_303 = tpu.memref_slice %arg4[%mul3A_297, %dma_start3A_302] : memref<2400000x128xf32, #tpu.memory_space<hbm>> -> memref<128x128xf32, #tpu.memory_space<hbm>>
            %dma_start3A_304 = tpu.memref_slice %run_scoped3A_19[%rem3A_295] : memref<2x!tpu.dma_semaphore, #tpu.memory_space<semaphore_mem>> -> memref<1x!tpu.dma_semaphore, #tpu.memory_space<semaphore_mem>>
            %dma_start3A_305 = tpu.memref_squeeze %dma_start3A_304 : memref<1x!tpu.dma_semaphore, #tpu.memory_space<semaphore_mem>> -> memref<!tpu.dma_semaphore, #tpu.memory_space<semaphore_mem>>
            %dma_start3A_306 = arith.constant 0 : i32
            %dma_start3A_307 = tpu.memref_slice %arg4[%mul3A_297, %dma_start3A_306] : memref<2400000x128xf32, #tpu.memory_space<hbm>> -> memref<128x128xf32, #tpu.memory_space<hbm>>
            %dma_start3A_308 = arith.constant 0 : i32
            %dma_start3A_309 = arith.constant 0 : i32
            %dma_start3A_310 = tpu.memref_slice %run_scoped3A_18[%rem3A_295, %dma_start3A_308, %dma_start3A_309] : memref<2x128x128xf32, #tpu.memory_space<vmem>> -> memref<1x128x128xf32, #tpu.memory_space<vmem>>
            %dma_start3A_311 = tpu.memref_squeeze %dma_start3A_310 : memref<1x128x128xf32, #tpu.memory_space<vmem>> -> memref<128x128xf32, #tpu.memory_space<vmem>>
            tpu.enqueue_dma source(%dma_start3A_311 : memref<128x128xf32, #tpu.memory_space<vmem>>) target(%dma_start3A_307 : memref<128x128xf32, #tpu.memory_space<hbm>>) target_semaphore(%dma_start3A_305 : memref<!tpu.dma_semaphore, #tpu.memory_space<semaphore_mem>>)
            "tpu.trace_stop"() : () -> ()
          } else {
          }
          %and3A_248 = arith.constant true
          %and3A_249 = arith.andi %or3A_244, %and3A_248 : i1
          %add3A_250 = arith.constant 1 : i32
          %add3A_251 = arith.addi %while3A_145, %add3A_250 : i32
          %select_n3A_252 = arith.select %and3A_249, %add3A_251, %while3A_145 : i32
          %ne3A_253 = arith.cmpi ne, %add3A_155, %add3A_165 : i32
          %or3A_254 = arith.constant false
          %or3A_255 = arith.ori %or3A_254, %ne3A_253 : i1
          %not3A_256 = arith.constant true
          %not3A_257 = arith.xori %eq3A_151, %not3A_256 : i1
          %and3A_258 = arith.andi %or3A_255, %not3A_257 : i1
          %convert_element_type3A_259 = arith.extui %and3A_258 : i1 to i32
          %cond3A_260 = arith.constant 0 : i32
          %cond3A_261 = arith.cmpi ne, %convert_element_type3A_259, %cond3A_260 : i32
          scf.if %cond3A_261 {
          } else {
          }
          %and3A_262 = arith.constant false
          %and3A_263 = arith.andi %and3A_258, %and3A_262 : i1
          %ne3A_264 = arith.cmpi ne, %add3A_155, %add3A_165 : i32
          %or3A_265 = arith.constant false
          %or3A_266 = arith.ori %or3A_265, %ne3A_264 : i1
          %or3A_267 = arith.constant false
          %or3A_268 = arith.ori %or3A_266, %or3A_267 : i1
          %not3A_269 = arith.constant true
          %not3A_270 = arith.xori %eq3A_151, %not3A_269 : i1
          %and3A_271 = arith.andi %or3A_268, %not3A_270 : i1
          %convert_element_type3A_272 = arith.extui %and3A_271 : i1 to i32
          %cond3A_273 = arith.constant 0 : i32
          %cond3A_274 = arith.cmpi ne, %convert_element_type3A_272, %cond3A_273 : i32
          scf.if %cond3A_274 {
            "tpu.trace_start"() <{level = 10 : i32, message = "ep_wait_out"}> : () -> ()
            %rem3A_294 = arith.constant 2 : i32
            %rem3A_295 = arith.remui %while3A_146, %rem3A_294 : i32
            %mul3A_296 = arith.constant 128 : i32
            %mul3A_297 = arith.muli %mul3A_296, %add3A_165 : i32
            %dma_wait3A = arith.constant 0 : i32
            %dma_wait3A_298 = arith.constant 0 : i32
            %dma_wait3A_299 = tpu.memref_slice %run_scoped3A_18[%rem3A_295, %dma_wait3A, %dma_wait3A_298] : memref<2x128x128xf32, #tpu.memory_space<vmem>> -> memref<1x128x128xf32, #tpu.memory_space<vmem>>
            %dma_wait3A_300 = tpu.memref_squeeze %dma_wait3A_299 : memref<1x128x128xf32, #tpu.memory_space<vmem>> -> memref<128x128xf32, #tpu.memory_space<vmem>>
            %dma_wait3A_301 = arith.constant 0 : i32
            %dma_wait3A_302 = tpu.memref_slice %arg4[%mul3A_297, %dma_wait3A_301] : memref<2400000x128xf32, #tpu.memory_space<hbm>> -> memref<128x128xf32, #tpu.memory_space<hbm>>
            %dma_wait3A_303 = tpu.memref_slice %run_scoped3A_19[%rem3A_295] : memref<2x!tpu.dma_semaphore, #tpu.memory_space<semaphore_mem>> -> memref<1x!tpu.dma_semaphore, #tpu.memory_space<semaphore_mem>>
            %dma_wait3A_304 = tpu.memref_squeeze %dma_wait3A_303 : memref<1x!tpu.dma_semaphore, #tpu.memory_space<semaphore_mem>> -> memref<!tpu.dma_semaphore, #tpu.memory_space<semaphore_mem>>
            %dma_wait3A_305 = arith.constant 0 : i32
            %dma_wait3A_306 = tpu.memref_slice %arg4[%mul3A_297, %dma_wait3A_305] : memref<2400000x128xf32, #tpu.memory_space<hbm>> -> memref<128x128xf32, #tpu.memory_space<hbm>>
            %dma_wait3A_307 = arith.constant 0 : i32
            %dma_wait3A_308 = arith.constant 0 : i32
            %dma_wait3A_309 = tpu.memref_slice %run_scoped3A_18[%rem3A_295, %dma_wait3A_307, %dma_wait3A_308] : memref<2x128x128xf32, #tpu.memory_space<vmem>> -> memref<1x128x128xf32, #tpu.memory_space<vmem>>
            %dma_wait3A_310 = tpu.memref_squeeze %dma_wait3A_309 : memref<1x128x128xf32, #tpu.memory_space<vmem>> -> memref<128x128xf32, #tpu.memory_space<vmem>>
            tpu.wait_dma2 semaphore(%dma_wait3A_304 : memref<!tpu.dma_semaphore, #tpu.memory_space<semaphore_mem>>) src(%dma_wait3A_310 : memref<128x128xf32, #tpu.memory_space<vmem>>) dst(%dma_wait3A_306 : memref<128x128xf32, #tpu.memory_space<hbm>>)
            "tpu.trace_stop"() : () -> ()
          } else {
          }
          %and3A_275 = arith.constant true
          %and3A_276 = arith.andi %and3A_271, %and3A_275 : i1
          %add3A_277 = arith.constant 1 : i32
          %add3A_278 = arith.addi %while3A_146, %add3A_277 : i32
          %select_n3A_279 = arith.select %and3A_276, %add3A_278, %while3A_146 : i32
          %ne3A_280 = arith.cmpi ne, %add3A_155, %add3A_173 : i32
          %or3A_281 = arith.constant false
          %or3A_282 = arith.ori %or3A_281, %ne3A_280 : i1
          %or3A_283 = arith.ori %or3A_282, %eq3A_154 : i1
          %add3A_284 = arith.constant 1 : i32
          %add3A_285 = arith.addi %while3A_144, %add3A_284 : i32
          %select_n3A_286 = arith.select %or3A_283, %add3A_285, %while3A_144 : i32
          %add3A_287 = arith.constant 1 : i32
          %add3A_288 = arith.addi %while3A_147, %add3A_287 : i32
          %select_n3A_289 = arith.constant true
          %select_n3A_290 = arith.select %select_n3A_289, %add3A_288, %while3A_147 : i32
          %eq3A_291 = arith.cmpi eq, %select_n3A_290, %select_n3A : i32
          %select_n3A_292 = arith.constant 0 : i32
          %select_n3A_293 = arith.select %eq3A_291, %select_n3A_292, %select_n3A_290 : i32
          scf.yield %select_n3A_195, %select_n3A_286, %select_n3A_252, %select_n3A_279, %select_n3A_293 : i32, i32, i32, i32, i32
        }
        %while3A_89 = arith.constant 1 : i32
        %while3A_90:5 = scf.for %while3A_142 = %while3A_86 to %while3A_82 step %while3A_89 iter_args(%while3A_143 = %while3A_88#0, %while3A_144 = %while3A_88#1, %while3A_145 = %while3A_88#2, %while3A_146 = %while3A_88#3, %while3A_147 = %while3A_88#4) -> (i32, i32, i32, i32, i32)  : i32 {
          %mul3A_148 = arith.constant 1 : i32
          %mul3A_149 = arith.muli %mul3A_148, %select_n3A : i32
          %eq3A_150 = arith.constant 0 : i32
          %eq3A_151 = arith.cmpi eq, %while3A_142, %eq3A_150 : i32
          %sub3A_152 = arith.constant 1 : i32
          %sub3A_153 = arith.subi %mul3A_149, %sub3A_152 : i32
          %eq3A_154 = arith.cmpi eq, %while3A_142, %sub3A_153 : i32
          %add3A_155 = arith.addi %while3A_147, %select_n3A_14 : i32
          %sub3A_156 = arith.constant 1 : i32
          %sub3A_157 = arith.subi %while3A_147, %sub3A_156 : i32
          %select_n3A_158 = arith.constant true
          %select_n3A_159 = arith.select %select_n3A_158, %sub3A_157, %while3A_147 : i32
          %eq3A_160 = arith.constant -1 : i32
          %eq3A_161 = arith.cmpi eq, %select_n3A_159, %eq3A_160 : i32
          %sub3A_162 = arith.constant 1 : i32
          %sub3A_163 = arith.subi %select_n3A, %sub3A_162 : i32
          %select_n3A_164 = arith.select %eq3A_161, %sub3A_163, %select_n3A_159 : i32
          %add3A_165 = arith.addi %select_n3A_164, %select_n3A_14 : i32
          %add3A_166 = arith.constant 1 : i32
          %add3A_167 = arith.addi %while3A_147, %add3A_166 : i32
          %select_n3A_168 = arith.constant true
          %select_n3A_169 = arith.select %select_n3A_168, %add3A_167, %while3A_147 : i32
          %eq3A_170 = arith.cmpi eq, %select_n3A_169, %select_n3A : i32
          %select_n3A_171 = arith.constant 0 : i32
          %select_n3A_172 = arith.select %eq3A_170, %select_n3A_171, %select_n3A_169 : i32
          %add3A_173 = arith.addi %select_n3A_172, %select_n3A_14 : i32
          %add3A_174 = arith.constant 1 : i32
          %add3A_175 = arith.addi %select_n3A_172, %add3A_174 : i32
          %select_n3A_176 = arith.constant true
          %select_n3A_177 = arith.select %select_n3A_176, %add3A_175, %select_n3A_172 : i32
          %eq3A_178 = arith.cmpi eq, %select_n3A_177, %select_n3A : i32
          %select_n3A_179 = arith.constant 0 : i32
          %select_n3A_180 = arith.select %eq3A_178, %select_n3A_179, %select_n3A_177 : i32
          %add3A_181 = arith.addi %select_n3A_180, %select_n3A_14 : i32
          %ne3A = arith.cmpi ne, %add3A_155, %add3A_173 : i32
          %or3A = arith.constant false
          %or3A_182 = arith.ori %or3A, %ne3A : i1
          %sub3A_183 = arith.constant 2 : i32
          %sub3A_184 = arith.subi %mul3A_149, %sub3A_183 : i32
          %add3A_185 = arith.constant 1 : i32
          %add3A_186 = arith.addi %sub3A_184, %add3A_185 : i32
          %ge3A = arith.cmpi sge, %while3A_142, %add3A_186 : i32
          %not3A = arith.constant true
          %not3A_187 = arith.xori %ge3A, %not3A : i1
          %and3A = arith.andi %or3A_182, %not3A_187 : i1
          %convert_element_type3A_188 = arith.extui %and3A : i1 to i32
          %cond3A_189 = arith.constant 0 : i32
          %cond3A_190 = arith.cmpi ne, %convert_element_type3A_188, %cond3A_189 : i32
          scf.if %cond3A_190 {
            "tpu.trace_start"() <{level = 10 : i32, message = "ep_copy_in"}> : () -> ()
            %rem3A_294 = arith.constant 2 : i32
            %rem3A_295 = arith.remui %while3A_143, %rem3A_294 : i32
            %mul3A_296 = arith.constant 128 : i32
            %mul3A_297 = arith.muli %mul3A_296, %add3A_173 : i32
            %dma_start3A_298 = arith.constant 0 : i32
            %dma_start3A_299 = arith.constant 0 : i32
            %dma_start3A_300 = tpu.memref_slice %run_scoped3A[%rem3A_295, %dma_start3A_298, %dma_start3A_299] : memref<2x1x128xi32, #tpu.memory_space<vmem>> -> memref<1x1x128xi32, #tpu.memory_space<vmem>>
            %dma_start3A_301 = tpu.memref_squeeze %dma_start3A_300 : memref<1x1x128xi32, #tpu.memory_space<vmem>> -> memref<1x128xi32, #tpu.memory_space<vmem>>
            %dma_start3A_302 = arith.constant 0 : i32
            %dma_start3A_303 = tpu.memref_slice %arg3[%dma_start3A_302, %mul3A_297] : memref<1x2400000xi32, #tpu.memory_space<hbm>> -> memref<1x128xi32, #tpu.memory_space<hbm>>
            %dma_start3A_304 = tpu.memref_slice %run_scoped3A_17[%rem3A_295] : memref<2x!tpu.dma_semaphore, #tpu.memory_space<semaphore_mem>> -> memref<1x!tpu.dma_semaphore, #tpu.memory_space<semaphore_mem>>
            %dma_start3A_305 = tpu.memref_squeeze %dma_start3A_304 : memref<1x!tpu.dma_semaphore, #tpu.memory_space<semaphore_mem>> -> memref<!tpu.dma_semaphore, #tpu.memory_space<semaphore_mem>>
            %dma_start3A_306 = arith.constant 0 : i32
            %dma_start3A_307 = arith.constant 0 : i32
            %dma_start3A_308 = tpu.memref_slice %run_scoped3A[%rem3A_295, %dma_start3A_306, %dma_start3A_307] : memref<2x1x128xi32, #tpu.memory_space<vmem>> -> memref<1x1x128xi32, #tpu.memory_space<vmem>>
            %dma_start3A_309 = tpu.memref_squeeze %dma_start3A_308 : memref<1x1x128xi32, #tpu.memory_space<vmem>> -> memref<1x128xi32, #tpu.memory_space<vmem>>
            %dma_start3A_310 = arith.constant 0 : i32
            %dma_start3A_311 = tpu.memref_slice %arg3[%dma_start3A_310, %mul3A_297] : memref<1x2400000xi32, #tpu.memory_space<hbm>> -> memref<1x128xi32, #tpu.memory_space<hbm>>
            tpu.enqueue_dma source(%dma_start3A_311 : memref<1x128xi32, #tpu.memory_space<hbm>>) target(%dma_start3A_309 : memref<1x128xi32, #tpu.memory_space<vmem>>) target_semaphore(%dma_start3A_305 : memref<!tpu.dma_semaphore, #tpu.memory_space<semaphore_mem>>)
            "tpu.trace_stop"() : () -> ()
          } else {
          }
          %and3A_191 = arith.constant true
          %and3A_192 = arith.andi %and3A, %and3A_191 : i1
          %add3A_193 = arith.constant 1 : i32
          %add3A_194 = arith.addi %while3A_143, %add3A_193 : i32
          %select_n3A_195 = arith.select %and3A_192, %add3A_194, %while3A_143 : i32
          %ne3A_196 = arith.cmpi ne, %add3A_155, %add3A_173 : i32
          %or3A_197 = arith.constant false
          %or3A_198 = arith.ori %or3A_197, %ne3A_196 : i1
          %or3A_199 = arith.constant false
          %or3A_200 = arith.ori %or3A_198, %or3A_199 : i1
          %sub3A_201 = arith.constant 2 : i32
          %sub3A_202 = arith.subi %mul3A_149, %sub3A_201 : i32
          %add3A_203 = arith.constant 1 : i32
          %add3A_204 = arith.addi %sub3A_202, %add3A_203 : i32
          %ge3A_205 = arith.cmpi sge, %while3A_142, %add3A_204 : i32
          %not3A_206 = arith.constant true
          %not3A_207 = arith.xori %ge3A_205, %not3A_206 : i1
          %and3A_208 = arith.andi %or3A_200, %not3A_207 : i1
          %ne3A_209 = arith.cmpi ne, %add3A_155, %add3A_165 : i32
          %or3A_210 = arith.constant false
          %or3A_211 = arith.ori %or3A_210, %ne3A_209 : i1
          %or3A_212 = arith.ori %or3A_211, %eq3A_151 : i1
          %convert_element_type3A_213 = arith.extui %or3A_212 : i1 to i32
          %cond3A_214 = arith.constant 0 : i32
          %cond3A_215 = arith.cmpi ne, %convert_element_type3A_213, %cond3A_214 : i32
          scf.if %cond3A_215 {
            "tpu.trace_start"() <{level = 10 : i32, message = "ep_wait_in"}> : () -> ()
            %mul3A_294 = arith.constant 128 : i32
            %mul3A_295 = arith.muli %mul3A_294, %add3A_155 : i32
            %rem3A_296 = arith.constant 2 : i32
            %rem3A_297 = arith.remui %while3A_144, %rem3A_296 : i32
            %dma_wait3A = arith.constant 0 : i32
            %dma_wait3A_298 = arith.constant 0 : i32
            %dma_wait3A_299 = tpu.memref_slice %run_scoped3A[%rem3A_297, %dma_wait3A, %dma_wait3A_298] : memref<2x1x128xi32, #tpu.memory_space<vmem>> -> memref<1x1x128xi32, #tpu.memory_space<vmem>>
            %dma_wait3A_300 = tpu.memref_squeeze %dma_wait3A_299 : memref<1x1x128xi32, #tpu.memory_space<vmem>> -> memref<1x128xi32, #tpu.memory_space<vmem>>
            %dma_wait3A_301 = arith.constant 0 : i32
            %dma_wait3A_302 = tpu.memref_slice %arg3[%dma_wait3A_301, %mul3A_295] : memref<1x2400000xi32, #tpu.memory_space<hbm>> -> memref<1x128xi32, #tpu.memory_space<hbm>>
            %dma_wait3A_303 = tpu.memref_slice %run_scoped3A_17[%rem3A_297] : memref<2x!tpu.dma_semaphore, #tpu.memory_space<semaphore_mem>> -> memref<1x!tpu.dma_semaphore, #tpu.memory_space<semaphore_mem>>
            %dma_wait3A_304 = tpu.memref_squeeze %dma_wait3A_303 : memref<1x!tpu.dma_semaphore, #tpu.memory_space<semaphore_mem>> -> memref<!tpu.dma_semaphore, #tpu.memory_space<semaphore_mem>>
            %dma_wait3A_305 = arith.constant 0 : i32
            %dma_wait3A_306 = arith.constant 0 : i32
            %dma_wait3A_307 = tpu.memref_slice %run_scoped3A[%rem3A_297, %dma_wait3A_305, %dma_wait3A_306] : memref<2x1x128xi32, #tpu.memory_space<vmem>> -> memref<1x1x128xi32, #tpu.memory_space<vmem>>
            %dma_wait3A_308 = tpu.memref_squeeze %dma_wait3A_307 : memref<1x1x128xi32, #tpu.memory_space<vmem>> -> memref<1x128xi32, #tpu.memory_space<vmem>>
            %dma_wait3A_309 = arith.constant 0 : i32
            %dma_wait3A_310 = tpu.memref_slice %arg3[%dma_wait3A_309, %mul3A_295] : memref<1x2400000xi32, #tpu.memory_space<hbm>> -> memref<1x128xi32, #tpu.memory_space<hbm>>
            tpu.wait_dma2 semaphore(%dma_wait3A_304 : memref<!tpu.dma_semaphore, #tpu.memory_space<semaphore_mem>>) src(%dma_wait3A_310 : memref<1x128xi32, #tpu.memory_space<hbm>>) dst(%dma_wait3A_308 : memref<1x128xi32, #tpu.memory_space<vmem>>)
            "tpu.trace_stop"() : () -> ()
          } else {
          }
          %ne3A_216 = arith.cmpi ne, %add3A_155, %add3A_165 : i32
          %or3A_217 = arith.constant false
          %or3A_218 = arith.ori %or3A_217, %ne3A_216 : i1
          %or3A_219 = arith.constant false
          %or3A_220 = arith.ori %or3A_218, %or3A_219 : i1
          %or3A_221 = arith.ori %or3A_220, %eq3A_151 : i1
          %convert_element_type3A_222 = arith.extui %or3A_221 : i1 to i32
          %cond3A_223 = arith.constant 0 : i32
          %cond3A_224 = arith.cmpi ne, %convert_element_type3A_222, %cond3A_223 : i32
          scf.if %cond3A_224 {
          } else {
          }
          %rem3A_225 = arith.constant 2 : i32
          %rem3A_226 = arith.remui %while3A_144, %rem3A_225 : i32
          %rem3A_227 = arith.constant 2 : i32
          %rem3A_228 = arith.remui %while3A_145, %rem3A_227 : i32
          %run_scoped3A_229 = arith.constant 0 : i32
          "tpu.trace_start"() <{level = 10 : i32, message = "ep_run_kernel"}> : () -> ()
          "tpu.region"() ({
            %run_scoped3A_294 = tpu.sem_alloc : memref<!tpu.dma_semaphore, #tpu.memory_space<semaphore_mem>>
            %dma_start3A_295 = arith.constant 0 : i32
            %dma_start3A_296 = arith.constant 0 : i32
            %dma_start3A_297 = tpu.memref_slice %run_scoped3A_18[%rem3A_228, %dma_start3A_295, %dma_start3A_296] : memref<2x128x128xf32, #tpu.memory_space<vmem>> -> memref<1x128x128xf32, #tpu.memory_space<vmem>>
            %dma_start3A_298 = tpu.memref_squeeze %dma_start3A_297 : memref<1x128x128xf32, #tpu.memory_space<vmem>> -> memref<128x128xf32, #tpu.memory_space<vmem>>
            %dma_start3A_299 = arith.constant 0 : i32
            %dma_start3A_300 = arith.constant 0 : i32
            %dma_start3A_301 = tpu.memref_slice %run_scoped3A[%rem3A_226, %dma_start3A_299, %dma_start3A_300] : memref<2x1x128xi32, #tpu.memory_space<vmem>> -> memref<1x1x128xi32, #tpu.memory_space<vmem>>
            %dma_start3A_302 = tpu.memref_squeeze %dma_start3A_301 : memref<1x1x128xi32, #tpu.memory_space<vmem>> -> memref<1x128xi32, #tpu.memory_space<vmem>>
            %dma_start3A_303 = arith.constant 0 : i32
            %dma_start3A_304 = tpu.memref_slice %dma_start3A_302[%run_scoped3A_229, %dma_start3A_303] : memref<1x128xi32, #tpu.memory_space<vmem>> -> memref<1x128xi32, #tpu.memory_space<vmem>>
            %dma_start3A_305 = tpu.memref_squeeze %dma_start3A_304 : memref<1x128xi32, #tpu.memory_space<vmem>> -> memref<128xi32, #tpu.memory_space<vmem>>
            %dma_start3A_306 = arith.constant 0 : i32
            %dma_start3A_307 = arith.constant 0 : i32
            %dma_start3A_308 = tpu.memref_slice %arg2[%dma_start3A_306, %dma_start3A_307] : memref<200000x128xf32, #tpu.memory_space<hbm>> -> memref<200000x128xf32, #tpu.memory_space<hbm>>
            tpu.enqueue_indirect_dma source(%dma_start3A_308 : memref<200000x128xf32, #tpu.memory_space<hbm>>) target(%dma_start3A_298 : memref<128x128xf32, #tpu.memory_space<vmem>>) offsets(%dma_start3A_305 : memref<128xi32, #tpu.memory_space<vmem>>) semaphore(%run_scoped3A_294 : memref<!tpu.dma_semaphore, #tpu.memory_space<semaphore_mem>>)
            %dma_wait3A = arith.constant 0 : i32
            %dma_wait3A_309 = arith.constant 0 : i32
            %dma_wait3A_310 = tpu.memref_slice %run_scoped3A_18[%rem3A_228, %dma_wait3A, %dma_wait3A_309] : memref<2x128x128xf32, #tpu.memory_space<vmem>> -> memref<1x128x128xf32, #tpu.memory_space<vmem>>
            %dma_wait3A_311 = tpu.memref_squeeze %dma_wait3A_310 : memref<1x128x128xf32, #tpu.memory_space<vmem>> -> memref<128x128xf32, #tpu.memory_space<vmem>>
            %dma_wait3A_312 = arith.constant 0 : i32
            %dma_wait3A_313 = arith.constant 0 : i32
            %dma_wait3A_314 = tpu.memref_slice %run_scoped3A[%rem3A_226, %dma_wait3A_312, %dma_wait3A_313] : memref<2x1x128xi32, #tpu.memory_space<vmem>> -> memref<1x1x128xi32, #tpu.memory_space<vmem>>
            %dma_wait3A_315 = tpu.memref_squeeze %dma_wait3A_314 : memref<1x1x128xi32, #tpu.memory_space<vmem>> -> memref<1x128xi32, #tpu.memory_space<vmem>>
            %dma_wait3A_316 = arith.constant 0 : i32
            %dma_wait3A_317 = tpu.memref_slice %dma_wait3A_315[%run_scoped3A_229, %dma_wait3A_316] : memref<1x128xi32, #tpu.memory_space<vmem>> -> memref<1x128xi32, #tpu.memory_space<vmem>>
            %dma_wait3A_318 = tpu.memref_squeeze %dma_wait3A_317 : memref<1x128xi32, #tpu.memory_space<vmem>> -> memref<128xi32, #tpu.memory_space<vmem>>
            %dma_wait3A_319 = arith.constant 0 : i32
            %dma_wait3A_320 = arith.constant 0 : i32
            %dma_wait3A_321 = tpu.memref_slice %arg2[%dma_wait3A_319, %dma_wait3A_320] : memref<200000x128xf32, #tpu.memory_space<hbm>> -> memref<200000x128xf32, #tpu.memory_space<hbm>>
            tpu.wait_indirect_dma semaphore(%run_scoped3A_294 : memref<!tpu.dma_semaphore, #tpu.memory_space<semaphore_mem>>) src(%dma_wait3A_321 : memref<200000x128xf32, #tpu.memory_space<hbm>>) dst(%dma_wait3A_311 : memref<128x128xf32, #tpu.memory_space<vmem>>)
            tpu.yield
          }) : () -> ()
          "tpu.trace_stop"() : () -> ()
          %ne3A_230 = arith.cmpi ne, %add3A_155, %add3A_173 : i32
          %or3A_231 = arith.constant false
          %or3A_232 = arith.ori %or3A_231, %ne3A_230 : i1
          %or3A_233 = arith.ori %or3A_232, %eq3A_154 : i1
          %convert_element_type3A_234 = arith.extui %or3A_233 : i1 to i32
          %cond3A_235 = arith.constant 0 : i32
          %cond3A_236 = arith.cmpi ne, %convert_element_type3A_234, %cond3A_235 : i32
          scf.if %cond3A_236 {
          } else {
          }
          %and3A_237 = arith.constant false
          %and3A_238 = arith.andi %or3A_233, %and3A_237 : i1
          %ne3A_239 = arith.cmpi ne, %add3A_155, %add3A_173 : i32
          %or3A_240 = arith.constant false
          %or3A_241 = arith.ori %or3A_240, %ne3A_239 : i1
          %or3A_242 = arith.constant false
          %or3A_243 = arith.ori %or3A_241, %or3A_242 : i1
          %or3A_244 = arith.ori %or3A_243, %eq3A_154 : i1
          %convert_element_type3A_245 = arith.extui %or3A_244 : i1 to i32
          %cond3A_246 = arith.constant 0 : i32
          %cond3A_247 = arith.cmpi ne, %convert_element_type3A_245, %cond3A_246 : i32
          scf.if %cond3A_247 {
            "tpu.trace_start"() <{level = 10 : i32, message = "ep_copy_out"}> : () -> ()
            %rem3A_294 = arith.constant 2 : i32
            %rem3A_295 = arith.remui %while3A_145, %rem3A_294 : i32
            %mul3A_296 = arith.constant 128 : i32
            %mul3A_297 = arith.muli %mul3A_296, %add3A_155 : i32
            %dma_start3A_298 = arith.constant 0 : i32
            %dma_start3A_299 = arith.constant 0 : i32
            %dma_start3A_300 = tpu.memref_slice %run_scoped3A_18[%rem3A_295, %dma_start3A_298, %dma_start3A_299] : memref<2x128x128xf32, #tpu.memory_space<vmem>> -> memref<1x128x128xf32, #tpu.memory_space<vmem>>
            %dma_start3A_301 = tpu.memref_squeeze %dma_start3A_300 : memref<1x128x128xf32, #tpu.memory_space<vmem>> -> memref<128x128xf32, #tpu.memory_space<vmem>>
            %dma_start3A_302 = arith.constant 0 : i32
            %dma_start3A_303 = tpu.memref_slice %arg4[%mul3A_297, %dma_start3A_302] : memref<2400000x128xf32, #tpu.memory_space<hbm>> -> memref<128x128xf32, #tpu.memory_space<hbm>>
            %dma_start3A_304 = tpu.memref_slice %run_scoped3A_19[%rem3A_295] : memref<2x!tpu.dma_semaphore, #tpu.memory_space<semaphore_mem>> -> memref<1x!tpu.dma_semaphore, #tpu.memory_space<semaphore_mem>>
            %dma_start3A_305 = tpu.memref_squeeze %dma_start3A_304 : memref<1x!tpu.dma_semaphore, #tpu.memory_space<semaphore_mem>> -> memref<!tpu.dma_semaphore, #tpu.memory_space<semaphore_mem>>
            %dma_start3A_306 = arith.constant 0 : i32
            %dma_start3A_307 = tpu.memref_slice %arg4[%mul3A_297, %dma_start3A_306] : memref<2400000x128xf32, #tpu.memory_space<hbm>> -> memref<128x128xf32, #tpu.memory_space<hbm>>
            %dma_start3A_308 = arith.constant 0 : i32
            %dma_start3A_309 = arith.constant 0 : i32
            %dma_start3A_310 = tpu.memref_slice %run_scoped3A_18[%rem3A_295, %dma_start3A_308, %dma_start3A_309] : memref<2x128x128xf32, #tpu.memory_space<vmem>> -> memref<1x128x128xf32, #tpu.memory_space<vmem>>
            %dma_start3A_311 = tpu.memref_squeeze %dma_start3A_310 : memref<1x128x128xf32, #tpu.memory_space<vmem>> -> memref<128x128xf32, #tpu.memory_space<vmem>>
            tpu.enqueue_dma source(%dma_start3A_311 : memref<128x128xf32, #tpu.memory_space<vmem>>) target(%dma_start3A_307 : memref<128x128xf32, #tpu.memory_space<hbm>>) target_semaphore(%dma_start3A_305 : memref<!tpu.dma_semaphore, #tpu.memory_space<semaphore_mem>>)
            "tpu.trace_stop"() : () -> ()
          } else {
          }
          %and3A_248 = arith.constant true
          %and3A_249 = arith.andi %or3A_244, %and3A_248 : i1
          %add3A_250 = arith.constant 1 : i32
          %add3A_251 = arith.addi %while3A_145, %add3A_250 : i32
          %select_n3A_252 = arith.select %and3A_249, %add3A_251, %while3A_145 : i32
          %ne3A_253 = arith.cmpi ne, %add3A_155, %add3A_165 : i32
          %or3A_254 = arith.constant false
          %or3A_255 = arith.ori %or3A_254, %ne3A_253 : i1
          %not3A_256 = arith.constant true
          %not3A_257 = arith.xori %eq3A_151, %not3A_256 : i1
          %and3A_258 = arith.andi %or3A_255, %not3A_257 : i1
          %convert_element_type3A_259 = arith.extui %and3A_258 : i1 to i32
          %cond3A_260 = arith.constant 0 : i32
          %cond3A_261 = arith.cmpi ne, %convert_element_type3A_259, %cond3A_260 : i32
          scf.if %cond3A_261 {
          } else {
          }
          %and3A_262 = arith.constant false
          %and3A_263 = arith.andi %and3A_258, %and3A_262 : i1
          %ne3A_264 = arith.cmpi ne, %add3A_155, %add3A_165 : i32
          %or3A_265 = arith.constant false
          %or3A_266 = arith.ori %or3A_265, %ne3A_264 : i1
          %or3A_267 = arith.constant false
          %or3A_268 = arith.ori %or3A_266, %or3A_267 : i1
          %not3A_269 = arith.constant true
          %not3A_270 = arith.xori %eq3A_151, %not3A_269 : i1
          %and3A_271 = arith.andi %or3A_268, %not3A_270 : i1
          %convert_element_type3A_272 = arith.extui %and3A_271 : i1 to i32
          %cond3A_273 = arith.constant 0 : i32
          %cond3A_274 = arith.cmpi ne, %convert_element_type3A_272, %cond3A_273 : i32
          scf.if %cond3A_274 {
            "tpu.trace_start"() <{level = 10 : i32, message = "ep_wait_out"}> : () -> ()
            %rem3A_294 = arith.constant 2 : i32
            %rem3A_295 = arith.remui %while3A_146, %rem3A_294 : i32
            %mul3A_296 = arith.constant 128 : i32
            %mul3A_297 = arith.muli %mul3A_296, %add3A_165 : i32
            %dma_wait3A = arith.constant 0 : i32
            %dma_wait3A_298 = arith.constant 0 : i32
            %dma_wait3A_299 = tpu.memref_slice %run_scoped3A_18[%rem3A_295, %dma_wait3A, %dma_wait3A_298] : memref<2x128x128xf32, #tpu.memory_space<vmem>> -> memref<1x128x128xf32, #tpu.memory_space<vmem>>
            %dma_wait3A_300 = tpu.memref_squeeze %dma_wait3A_299 : memref<1x128x128xf32, #tpu.memory_space<vmem>> -> memref<128x128xf32, #tpu.memory_space<vmem>>
            %dma_wait3A_301 = arith.constant 0 : i32
            %dma_wait3A_302 = tpu.memref_slice %arg4[%mul3A_297, %dma_wait3A_301] : memref<2400000x128xf32, #tpu.memory_space<hbm>> -> memref<128x128xf32, #tpu.memory_space<hbm>>
            %dma_wait3A_303 = tpu.memref_slice %run_scoped3A_19[%rem3A_295] : memref<2x!tpu.dma_semaphore, #tpu.memory_space<semaphore_mem>> -> memref<1x!tpu.dma_semaphore, #tpu.memory_space<semaphore_mem>>
            %dma_wait3A_304 = tpu.memref_squeeze %dma_wait3A_303 : memref<1x!tpu.dma_semaphore, #tpu.memory_space<semaphore_mem>> -> memref<!tpu.dma_semaphore, #tpu.memory_space<semaphore_mem>>
            %dma_wait3A_305 = arith.constant 0 : i32
            %dma_wait3A_306 = tpu.memref_slice %arg4[%mul3A_297, %dma_wait3A_305] : memref<2400000x128xf32, #tpu.memory_space<hbm>> -> memref<128x128xf32, #tpu.memory_space<hbm>>
            %dma_wait3A_307 = arith.constant 0 : i32
            %dma_wait3A_308 = arith.constant 0 : i32
            %dma_wait3A_309 = tpu.memref_slice %run_scoped3A_18[%rem3A_295, %dma_wait3A_307, %dma_wait3A_308] : memref<2x128x128xf32, #tpu.memory_space<vmem>> -> memref<1x128x128xf32, #tpu.memory_space<vmem>>
            %dma_wait3A_310 = tpu.memref_squeeze %dma_wait3A_309 : memref<1x128x128xf32, #tpu.memory_space<vmem>> -> memref<128x128xf32, #tpu.memory_space<vmem>>
            tpu.wait_dma2 semaphore(%dma_wait3A_304 : memref<!tpu.dma_semaphore, #tpu.memory_space<semaphore_mem>>) src(%dma_wait3A_310 : memref<128x128xf32, #tpu.memory_space<vmem>>) dst(%dma_wait3A_306 : memref<128x128xf32, #tpu.memory_space<hbm>>)
            "tpu.trace_stop"() : () -> ()
          } else {
          }
          %and3A_275 = arith.constant true
          %and3A_276 = arith.andi %and3A_271, %and3A_275 : i1
          %add3A_277 = arith.constant 1 : i32
          %add3A_278 = arith.addi %while3A_146, %add3A_277 : i32
          %select_n3A_279 = arith.select %and3A_276, %add3A_278, %while3A_146 : i32
          %ne3A_280 = arith.cmpi ne, %add3A_155, %add3A_173 : i32
          %or3A_281 = arith.constant false
          %or3A_282 = arith.ori %or3A_281, %ne3A_280 : i1
          %or3A_283 = arith.ori %or3A_282, %eq3A_154 : i1
          %add3A_284 = arith.constant 1 : i32
          %add3A_285 = arith.addi %while3A_144, %add3A_284 : i32
          %select_n3A_286 = arith.select %or3A_283, %add3A_285, %while3A_144 : i32
          %add3A_287 = arith.constant 1 : i32
          %add3A_288 = arith.addi %while3A_147, %add3A_287 : i32
          %select_n3A_289 = arith.constant true
          %select_n3A_290 = arith.select %select_n3A_289, %add3A_288, %while3A_147 : i32
          %eq3A_291 = arith.cmpi eq, %select_n3A_290, %select_n3A : i32
          %select_n3A_292 = arith.constant 0 : i32
          %select_n3A_293 = arith.select %eq3A_291, %select_n3A_292, %select_n3A_290 : i32
          scf.yield %select_n3A_195, %select_n3A_286, %select_n3A_252, %select_n3A_279, %select_n3A_293 : i32, i32, i32, i32, i32
        }
        %sub3A_91 = arith.constant 1 : i32
        %sub3A_92 = arith.subi %while3A_90#4, %sub3A_91 : i32
        %select_n3A_93 = arith.constant true
        %select_n3A_94 = arith.select %select_n3A_93, %sub3A_92, %while3A_90#4 : i32
        %eq3A_95 = arith.constant -1 : i32
        %eq3A_96 = arith.cmpi eq, %select_n3A_94, %eq3A_95 : i32
        %sub3A_97 = arith.constant 1 : i32
        %sub3A_98 = arith.subi %select_n3A, %sub3A_97 : i32
        %select_n3A_99 = arith.select %eq3A_96, %sub3A_98, %select_n3A_94 : i32
        %sub3A_100 = arith.constant 1 : i32
        %sub3A_101 = arith.subi %mul3A_16, %sub3A_100 : i32
        %mul3A_102 = arith.constant 1 : i32
        %mul3A_103 = arith.muli %mul3A_102, %select_n3A : i32
        %eq3A_104 = arith.constant 0 : i32
        %eq3A_105 = arith.cmpi eq, %sub3A_101, %eq3A_104 : i32
        %sub3A_106 = arith.constant 1 : i32
        %sub3A_107 = arith.subi %mul3A_103, %sub3A_106 : i32
        %eq3A_108 = arith.cmpi eq, %sub3A_101, %sub3A_107 : i32
        %add3A_109 = arith.addi %select_n3A_99, %select_n3A_14 : i32
        %sub3A_110 = arith.constant 1 : i32
        %sub3A_111 = arith.subi %select_n3A_99, %sub3A_110 : i32
        %select_n3A_112 = arith.constant true
        %select_n3A_113 = arith.select %select_n3A_112, %sub3A_111, %select_n3A_99 : i32
        %eq3A_114 = arith.constant -1 : i32
        %eq3A_115 = arith.cmpi eq, %select_n3A_113, %eq3A_114 : i32
        %sub3A_116 = arith.constant 1 : i32
        %sub3A_117 = arith.subi %select_n3A, %sub3A_116 : i32
        %select_n3A_118 = arith.select %eq3A_115, %sub3A_117, %select_n3A_113 : i32
        %add3A_119 = arith.addi %select_n3A_118, %select_n3A_14 : i32
        %add3A_120 = arith.constant 1 : i32
        %add3A_121 = arith.addi %select_n3A_99, %add3A_120 : i32
        %select_n3A_122 = arith.constant true
        %select_n3A_123 = arith.select %select_n3A_122, %add3A_121, %select_n3A_99 : i32
        %eq3A_124 = arith.cmpi eq, %select_n3A_123, %select_n3A : i32
        %select_n3A_125 = arith.constant 0 : i32
        %select_n3A_126 = arith.select %eq3A_124, %select_n3A_125, %select_n3A_123 : i32
        %add3A_127 = arith.addi %select_n3A_126, %select_n3A_14 : i32
        %add3A_128 = arith.constant 1 : i32
        %add3A_129 = arith.addi %select_n3A_126, %add3A_128 : i32
        %select_n3A_130 = arith.constant true
        %select_n3A_131 = arith.select %select_n3A_130, %add3A_129, %select_n3A_126 : i32
        %eq3A_132 = arith.cmpi eq, %select_n3A_131, %select_n3A : i32
        %select_n3A_133 = arith.constant 0 : i32
        %select_n3A_134 = arith.select %eq3A_132, %select_n3A_133, %select_n3A_131 : i32
        %add3A_135 = arith.addi %select_n3A_134, %select_n3A_14 : i32
        %convert_element_type3A_136 = arith.extui %eq3A_108 : i1 to i32
        %cond3A_137 = arith.constant 0 : i32
        %cond3A_138 = arith.cmpi ne, %convert_element_type3A_136, %cond3A_137 : i32
        scf.if %cond3A_138 {
        } else {
        }
        %convert_element_type3A_139 = arith.extui %eq3A_108 : i1 to i32
        %cond3A_140 = arith.constant 0 : i32
        %cond3A_141 = arith.cmpi ne, %convert_element_type3A_139, %cond3A_140 : i32
        scf.if %cond3A_141 {
          "tpu.trace_start"() <{level = 10 : i32, message = "ep_finalize"}> : () -> ()
          %rem3A_142 = arith.constant 2 : i32
          %rem3A_143 = arith.remui %while3A_90#3, %rem3A_142 : i32
          %mul3A_144 = arith.constant 128 : i32
          %mul3A_145 = arith.muli %mul3A_144, %add3A_109 : i32
          %dma_wait3A = arith.constant 0 : i32
          %dma_wait3A_146 = arith.constant 0 : i32
          %dma_wait3A_147 = tpu.memref_slice %run_scoped3A_18[%rem3A_143, %dma_wait3A, %dma_wait3A_146] : memref<2x128x128xf32, #tpu.memory_space<vmem>> -> memref<1x128x128xf32, #tpu.memory_space<vmem>>
          %dma_wait3A_148 = tpu.memref_squeeze %dma_wait3A_147 : memref<1x128x128xf32, #tpu.memory_space<vmem>> -> memref<128x128xf32, #tpu.memory_space<vmem>>
          %dma_wait3A_149 = arith.constant 0 : i32
          %dma_wait3A_150 = tpu.memref_slice %arg4[%mul3A_145, %dma_wait3A_149] : memref<2400000x128xf32, #tpu.memory_space<hbm>> -> memref<128x128xf32, #tpu.memory_space<hbm>>
          %dma_wait3A_151 = tpu.memref_slice %run_scoped3A_19[%rem3A_143] : memref<2x!tpu.dma_semaphore, #tpu.memory_space<semaphore_mem>> -> memref<1x!tpu.dma_semaphore, #tpu.memory_space<semaphore_mem>>
          %dma_wait3A_152 = tpu.memref_squeeze %dma_wait3A_151 : memref<1x!tpu.dma_semaphore, #tpu.memory_space<semaphore_mem>> -> memref<!tpu.dma_semaphore, #tpu.memory_space<semaphore_mem>>
          %dma_wait3A_153 = arith.constant 0 : i32
          %dma_wait3A_154 = tpu.memref_slice %arg4[%mul3A_145, %dma_wait3A_153] : memref<2400000x128xf32, #tpu.memory_space<hbm>> -> memref<128x128xf32, #tpu.memory_space<hbm>>
          %dma_wait3A_155 = arith.constant 0 : i32
          %dma_wait3A_156 = arith.constant 0 : i32
          %dma_wait3A_157 = tpu.memref_slice %run_scoped3A_18[%rem3A_143, %dma_wait3A_155, %dma_wait3A_156] : memref<2x128x128xf32, #tpu.memory_space<vmem>> -> memref<1x128x128xf32, #tpu.memory_space<vmem>>
          %dma_wait3A_158 = tpu.memref_squeeze %dma_wait3A_157 : memref<1x128x128xf32, #tpu.memory_space<vmem>> -> memref<128x128xf32, #tpu.memory_space<vmem>>
          tpu.wait_dma2 semaphore(%dma_wait3A_152 : memref<!tpu.dma_semaphore, #tpu.memory_space<semaphore_mem>>) src(%dma_wait3A_158 : memref<128x128xf32, #tpu.memory_space<vmem>>) dst(%dma_wait3A_154 : memref<128x128xf32, #tpu.memory_space<hbm>>)
          "tpu.trace_stop"() : () -> ()
        } else {
        }
      } else {
      }
      tpu.yield
    }) : () -> ()
    return
  }
}

module attributes {stable_mosaic.version = 14 : i64} {
  func.func @body(%arg0: i32, %arg1: memref<1000x9xi32, #tpu.memory_space<vmem>>, %arg2: memref<192x64xf32, #tpu.memory_space<vmem>>, %arg3: memref<1x9xi32, #tpu.memory_space<vmem>>, %arg4: memref<1000x64xf32, #tpu.memory_space<vmem>>) attributes {dimension_semantics = [#tpu.dimension_semantics<arbitrary>], iteration_bounds = array<i64: 100>, scalar_prefetch = 0 : i64, scratch_operands = 0 : i64, tpu.core_type = #tpu.core_type<tc>, window_params = [{transform_indices = @transform_0, window_bounds = array<i64: 1000, 9>}, {pipeline_mode = #tpu.pipeline_mode<synchronous>, transform_indices = @transform_1, window_bounds = array<i64: 192, 64>}, {pipeline_mode = #tpu.pipeline_mode<synchronous>, transform_indices = @transform_2, window_bounds = array<i64: 1, 9>}, {transform_indices = @transform_3, window_bounds = array<i64: 1000, 64>}]} {
    %get3A = arith.constant 0 : index
    %get3A_0 = arith.constant 0 : index
    %get3A_1 = vector.load %arg1[%get3A, %get3A_0] : memref<1000x9xi32, #tpu.memory_space<vmem>>, vector<1000x9xi32>
    %get3A_2 = arith.constant 0 : index
    %get3A_3 = arith.constant 0 : index
    %get3A_4 = vector.load %arg3[%get3A_2, %get3A_3] : memref<1x9xi32, #tpu.memory_space<vmem>>, vector<1x9xi32>
    %add3A = vector.broadcast %get3A_4 : vector<1x9xi32> to vector<1000x9xi32>
    %add3A_5 = arith.addi %get3A_1, %add3A : vector<1000x9xi32>
    %iota3A = tpu.iota {dimensions = array<i32: 1>} : vector<1000x192xi32>
    %broadcast_in_dim3A = arith.constant 0.000000e+00 : f32
    %broadcast_in_dim3A_6 = vector.broadcast %broadcast_in_dim3A : f32 to vector<1000x192xf32>
    %slice3A = vector.extract_strided_slice %add3A_5 {offsets = [0, 0], sizes = [1000, 1], strides = [1, 1]} : vector<1000x9xi32> to vector<1000x1xi32>
    %eq3A = vector.broadcast %slice3A : vector<1000x1xi32> to vector<1000x192xi32>
    %eq3A_7 = arith.cmpi eq, %iota3A, %eq3A : vector<1000x192xi32>
    %convert_element_type3A = arith.extui %eq3A_7 : vector<1000x192xi1> to vector<1000x192xi32>
    %convert_element_type3A_8 = arith.sitofp %convert_element_type3A : vector<1000x192xi32> to vector<1000x192xf32>
    %add3A_9 = arith.addf %broadcast_in_dim3A_6, %convert_element_type3A_8 : vector<1000x192xf32>
    %slice3A_10 = vector.extract_strided_slice %add3A_5 {offsets = [0, 1], sizes = [1000, 1], strides = [1, 1]} : vector<1000x9xi32> to vector<1000x1xi32>
    %eq3A_11 = vector.broadcast %slice3A_10 : vector<1000x1xi32> to vector<1000x192xi32>
    %eq3A_12 = arith.cmpi eq, %iota3A, %eq3A_11 : vector<1000x192xi32>
    %convert_element_type3A_13 = arith.extui %eq3A_12 : vector<1000x192xi1> to vector<1000x192xi32>
    %convert_element_type3A_14 = arith.sitofp %convert_element_type3A_13 : vector<1000x192xi32> to vector<1000x192xf32>
    %add3A_15 = arith.addf %add3A_9, %convert_element_type3A_14 : vector<1000x192xf32>
    %slice3A_16 = vector.extract_strided_slice %add3A_5 {offsets = [0, 2], sizes = [1000, 1], strides = [1, 1]} : vector<1000x9xi32> to vector<1000x1xi32>
    %eq3A_17 = vector.broadcast %slice3A_16 : vector<1000x1xi32> to vector<1000x192xi32>
    %eq3A_18 = arith.cmpi eq, %iota3A, %eq3A_17 : vector<1000x192xi32>
    %convert_element_type3A_19 = arith.extui %eq3A_18 : vector<1000x192xi1> to vector<1000x192xi32>
    %convert_element_type3A_20 = arith.sitofp %convert_element_type3A_19 : vector<1000x192xi32> to vector<1000x192xf32>
    %add3A_21 = arith.addf %add3A_15, %convert_element_type3A_20 : vector<1000x192xf32>
    %slice3A_22 = vector.extract_strided_slice %add3A_5 {offsets = [0, 3], sizes = [1000, 1], strides = [1, 1]} : vector<1000x9xi32> to vector<1000x1xi32>
    %eq3A_23 = vector.broadcast %slice3A_22 : vector<1000x1xi32> to vector<1000x192xi32>
    %eq3A_24 = arith.cmpi eq, %iota3A, %eq3A_23 : vector<1000x192xi32>
    %convert_element_type3A_25 = arith.extui %eq3A_24 : vector<1000x192xi1> to vector<1000x192xi32>
    %convert_element_type3A_26 = arith.sitofp %convert_element_type3A_25 : vector<1000x192xi32> to vector<1000x192xf32>
    %add3A_27 = arith.addf %add3A_21, %convert_element_type3A_26 : vector<1000x192xf32>
    %slice3A_28 = vector.extract_strided_slice %add3A_5 {offsets = [0, 4], sizes = [1000, 1], strides = [1, 1]} : vector<1000x9xi32> to vector<1000x1xi32>
    %eq3A_29 = vector.broadcast %slice3A_28 : vector<1000x1xi32> to vector<1000x192xi32>
    %eq3A_30 = arith.cmpi eq, %iota3A, %eq3A_29 : vector<1000x192xi32>
    %convert_element_type3A_31 = arith.extui %eq3A_30 : vector<1000x192xi1> to vector<1000x192xi32>
    %convert_element_type3A_32 = arith.sitofp %convert_element_type3A_31 : vector<1000x192xi32> to vector<1000x192xf32>
    %add3A_33 = arith.addf %add3A_27, %convert_element_type3A_32 : vector<1000x192xf32>
    %slice3A_34 = vector.extract_strided_slice %add3A_5 {offsets = [0, 5], sizes = [1000, 1], strides = [1, 1]} : vector<1000x9xi32> to vector<1000x1xi32>
    %eq3A_35 = vector.broadcast %slice3A_34 : vector<1000x1xi32> to vector<1000x192xi32>
    %eq3A_36 = arith.cmpi eq, %iota3A, %eq3A_35 : vector<1000x192xi32>
    %convert_element_type3A_37 = arith.extui %eq3A_36 : vector<1000x192xi1> to vector<1000x192xi32>
    %convert_element_type3A_38 = arith.sitofp %convert_element_type3A_37 : vector<1000x192xi32> to vector<1000x192xf32>
    %add3A_39 = arith.addf %add3A_33, %convert_element_type3A_38 : vector<1000x192xf32>
    %slice3A_40 = vector.extract_strided_slice %add3A_5 {offsets = [0, 6], sizes = [1000, 1], strides = [1, 1]} : vector<1000x9xi32> to vector<1000x1xi32>
    %eq3A_41 = vector.broadcast %slice3A_40 : vector<1000x1xi32> to vector<1000x192xi32>
    %eq3A_42 = arith.cmpi eq, %iota3A, %eq3A_41 : vector<1000x192xi32>
    %convert_element_type3A_43 = arith.extui %eq3A_42 : vector<1000x192xi1> to vector<1000x192xi32>
    %convert_element_type3A_44 = arith.sitofp %convert_element_type3A_43 : vector<1000x192xi32> to vector<1000x192xf32>
    %add3A_45 = arith.addf %add3A_39, %convert_element_type3A_44 : vector<1000x192xf32>
    %slice3A_46 = vector.extract_strided_slice %add3A_5 {offsets = [0, 7], sizes = [1000, 1], strides = [1, 1]} : vector<1000x9xi32> to vector<1000x1xi32>
    %eq3A_47 = vector.broadcast %slice3A_46 : vector<1000x1xi32> to vector<1000x192xi32>
    %eq3A_48 = arith.cmpi eq, %iota3A, %eq3A_47 : vector<1000x192xi32>
    %convert_element_type3A_49 = arith.extui %eq3A_48 : vector<1000x192xi1> to vector<1000x192xi32>
    %convert_element_type3A_50 = arith.sitofp %convert_element_type3A_49 : vector<1000x192xi32> to vector<1000x192xf32>
    %add3A_51 = arith.addf %add3A_45, %convert_element_type3A_50 : vector<1000x192xf32>
    %slice3A_52 = vector.extract_strided_slice %add3A_5 {offsets = [0, 8], sizes = [1000, 1], strides = [1, 1]} : vector<1000x9xi32> to vector<1000x1xi32>
    %eq3A_53 = vector.broadcast %slice3A_52 : vector<1000x1xi32> to vector<1000x192xi32>
    %eq3A_54 = arith.cmpi eq, %iota3A, %eq3A_53 : vector<1000x192xi32>
    %convert_element_type3A_55 = arith.extui %eq3A_54 : vector<1000x192xi1> to vector<1000x192xi32>
    %convert_element_type3A_56 = arith.sitofp %convert_element_type3A_55 : vector<1000x192xi32> to vector<1000x192xf32>
    %add3A_57 = arith.addf %add3A_51, %convert_element_type3A_56 : vector<1000x192xf32>
    %get3A_58 = arith.constant 0 : index
    %get3A_59 = arith.constant 0 : index
    %get3A_60 = vector.load %arg2[%get3A_58, %get3A_59] : memref<192x64xf32, #tpu.memory_space<vmem>>, vector<192x64xf32>
    %dot_general3A = arith.constant dense<0.000000e+00> : vector<1000x64xf32>
    %dot_general3A_61 = tpu.matmul %add3A_57, %get3A_60, %dot_general3A {dimension_numbers = #tpu.dot_dimension_numbers<[1], [0], [0], [1], [0, 0, 1, 1], [], []>, transpose_lhs_hint = false} : vector<1000x192xf32>, vector<192x64xf32>, vector<1000x64xf32> -> vector<1000x64xf32>
    %swap3A = arith.constant 0 : index
    %swap3A_62 = arith.constant 0 : index
    %swap3A_63 = vector.load %arg4[%swap3A, %swap3A_62] : memref<1000x64xf32, #tpu.memory_space<vmem>>, vector<1000x64xf32>
    tpu.vector_store %arg4[%swap3A, %swap3A_62], %dot_general3A_61 {strides = array<i32>} : memref<1000x64xf32, #tpu.memory_space<vmem>>, vector<1000x64xf32>,
    return
  }
  func.func @transform_0(%arg0: i32) -> (i32, i32) {
    %c0_i32 = arith.constant 0 : i32
    %c0_i32_0 = arith.constant 0 : i32
    return %arg0, %c0_i32 : i32, i32
  }
  func.func @transform_1(%arg0: i32) -> (i32, i32) {
    %c0_i32 = arith.constant 0 : i32
    %c0_i32_0 = arith.constant 0 : i32
    %c0_i32_1 = arith.constant 0 : i32
    return %c0_i32, %c0_i32_0 : i32, i32
  }
  func.func @transform_2(%arg0: i32) -> (i32, i32) {
    %c0_i32 = arith.constant 0 : i32
    %c0_i32_0 = arith.constant 0 : i32
    %c0_i32_1 = arith.constant 0 : i32
    return %c0_i32, %c0_i32_0 : i32, i32
  }
  func.func @transform_3(%arg0: i32) -> (i32, i32) {
    %c0_i32 = arith.constant 0 : i32
    %c0_i32_0 = arith.constant 0 : i32
    return %arg0, %c0_i32 : i32, i32
  }
}

module attributes {stable_mosaic.version = 14 : i64} {
  func.func @body(%arg0: i32, %arg1: i32, %arg2: memref<2000x64xf32, #tpu.memory_space<vmem>>, %arg3: memref<1x64x128xf32, #tpu.memory_space<vmem>>, %arg4: memref<2000x128xf32, #tpu.memory_space<vmem>>) attributes {dimension_semantics = [#tpu.dimension_semantics<arbitrary>, #tpu.dimension_semantics<arbitrary>], iteration_bounds = array<i64: 2, 50>, scalar_prefetch = 0 : i64, scratch_operands = 0 : i64, tpu.core_type = #tpu.core_type<tc>, window_params = [{transform_indices = @transform_0, window_bounds = array<i64: 2000, 64>}, {transform_indices = @transform_1, window_bounds = array<i64: 1, 64, 128>}, {transform_indices = @transform_2, window_bounds = array<i64: 2000, 128>}]} {
    %get3A = arith.constant 0 : index
    %get3A_0 = arith.constant 0 : index
    %get3A_1 = vector.load %arg2[%get3A, %get3A_0] : memref<2000x64xf32, #tpu.memory_space<vmem>>, vector<2000x64xf32>
    %get3A_2 = arith.constant 0 : index
    %get3A_3 = arith.constant 0 : index
    %get3A_4 = arith.constant 0 : index
    %get3A_5 = vector.load %arg3[%get3A_2, %get3A_3, %get3A_4] : memref<1x64x128xf32, #tpu.memory_space<vmem>>, vector<1x64x128xf32>
    %get3A_6 = vector.shape_cast %get3A_5 : vector<1x64x128xf32> to vector<64x128xf32>
    %dot_general3A = arith.constant dense<0.000000e+00> : vector<2000x128xf32>
    %dot_general3A_7 = tpu.matmul %get3A_1, %get3A_6, %dot_general3A {dimension_numbers = #tpu.dot_dimension_numbers<[1], [0], [0], [1], [0, 0, 1, 1], [], []>, transpose_lhs_hint = false} : vector<2000x64xf32>, vector<64x128xf32>, vector<2000x128xf32> -> vector<2000x128xf32>
    %swap3A = arith.constant 0 : index
    %swap3A_8 = arith.constant 0 : index
    %swap3A_9 = vector.load %arg4[%swap3A, %swap3A_8] : memref<2000x128xf32, #tpu.memory_space<vmem>>, vector<2000x128xf32>
    tpu.vector_store %arg4[%swap3A, %swap3A_8], %dot_general3A_7 {strides = array<i32>} : memref<2000x128xf32, #tpu.memory_space<vmem>>, vector<2000x128xf32>,
    return
  }
  func.func @transform_0(%arg0: i32, %arg1: i32) -> (i32, i32) {
    %c0_i32 = arith.constant 0 : i32
    %c0_i32_0 = arith.constant 0 : i32
    return %arg1, %c0_i32 : i32, i32
  }
  func.func @transform_1(%arg0: i32, %arg1: i32) -> (i32, i32, i32) {
    %c0_i32 = arith.constant 0 : i32
    %c0_i32_0 = arith.constant 0 : i32
    %c0_i32_1 = arith.constant 0 : i32
    return %arg0, %c0_i32, %c0_i32_0 : i32, i32, i32
  }
  func.func @transform_2(%arg0: i32, %arg1: i32) -> (i32, i32) {
    %mul3A = arith.constant 50 : i32
    %mul3A_0 = arith.muli %arg0, %mul3A : i32
    %add3A = arith.addi %mul3A_0, %arg1 : i32
    %c0_i32 = arith.constant 0 : i32
    %c0_i32_1 = arith.constant 0 : i32
    return %add3A, %c0_i32 : i32, i32
  }
}

module attributes {stable_mosaic.version = 14 : i64} {
  func.func @body(%arg0: i32, %arg1: memref<6000x128xf32, #tpu.memory_space<vmem>>, %arg2: memref<6000x128xf32, #tpu.memory_space<vmem>>, %arg3: memref<6000x41xf32, #tpu.memory_space<vmem>>, %arg4: memref<41x128xf32, #tpu.memory_space<vmem>>, %arg5: memref<1x128xf32, #tpu.memory_space<vmem>>, %arg6: memref<6000x128xf32, #tpu.memory_space<vmem>>, %arg7: memref<1x128xf32, #tpu.memory_space<vmem>>, %arg8: memref<1x128xf32, #tpu.memory_space<vmem>>) attributes {dimension_semantics = [#tpu.dimension_semantics<arbitrary>], iteration_bounds = array<i64: 200>, scalar_prefetch = 0 : i64, scratch_operands = 0 : i64, tpu.core_type = #tpu.core_type<tc>, window_params = [{transform_indices = @transform_0, window_bounds = array<i64: 6000, 128>}, {transform_indices = @transform_1, window_bounds = array<i64: 6000, 128>}, {transform_indices = @transform_2, window_bounds = array<i64: 6000, 41>}, {pipeline_mode = #tpu.pipeline_mode<synchronous>, transform_indices = @transform_3, window_bounds = array<i64: 41, 128>}, {pipeline_mode = #tpu.pipeline_mode<synchronous>, transform_indices = @transform_4, window_bounds = array<i64: 1, 128>}, {transform_indices = @transform_5, window_bounds = array<i64: 6000, 128>}, {pipeline_mode = #tpu.pipeline_mode<synchronous>, transform_indices = @transform_6, window_bounds = array<i64: 1, 128>}, {pipeline_mode = #tpu.pipeline_mode<synchronous>, transform_indices = @transform_7, window_bounds = array<i64: 1, 128>}]} {
    %get3A = arith.constant 0 : index
    %get3A_0 = arith.constant 0 : index
    %get3A_1 = vector.load %arg3[%get3A, %get3A_0] : memref<6000x41xf32, #tpu.memory_space<vmem>>, vector<6000x41xf32>
    %get3A_2 = arith.constant 0 : index
    %get3A_3 = arith.constant 0 : index
    %get3A_4 = vector.load %arg4[%get3A_2, %get3A_3] : memref<41x128xf32, #tpu.memory_space<vmem>>, vector<41x128xf32>
    %dot_general3A = arith.constant dense<0.000000e+00> : vector<6000x128xf32>
    %dot_general3A_5 = tpu.matmul %get3A_1, %get3A_4, %dot_general3A {dimension_numbers = #tpu.dot_dimension_numbers<[1], [0], [0], [1], [0, 0, 1, 1], [], []>, transpose_lhs_hint = false} : vector<6000x41xf32>, vector<41x128xf32>, vector<6000x128xf32> -> vector<6000x128xf32>
    %get3A_6 = arith.constant 0 : index
    %get3A_7 = arith.constant 0 : index
    %get3A_8 = vector.load %arg1[%get3A_6, %get3A_7] : memref<6000x128xf32, #tpu.memory_space<vmem>>, vector<6000x128xf32>
    %add3A = arith.addf %dot_general3A_5, %get3A_8 : vector<6000x128xf32>
    %get3A_9 = arith.constant 0 : index
    %get3A_10 = arith.constant 0 : index
    %get3A_11 = vector.load %arg2[%get3A_9, %get3A_10] : memref<6000x128xf32, #tpu.memory_space<vmem>>, vector<6000x128xf32>
    %add3A_12 = arith.addf %add3A, %get3A_11 : vector<6000x128xf32>
    %get3A_13 = arith.constant 0 : index
    %get3A_14 = arith.constant 0 : index
    %get3A_15 = vector.load %arg5[%get3A_13, %get3A_14] : memref<1x128xf32, #tpu.memory_space<vmem>>, vector<1x128xf32>
    %add3A_16 = vector.broadcast %get3A_15 : vector<1x128xf32> to vector<6000x128xf32>
    %add3A_17 = arith.addf %add3A_12, %add3A_16 : vector<6000x128xf32>
    %swap3A = arith.constant 0 : index
    %swap3A_18 = arith.constant 0 : index
    %swap3A_19 = vector.load %arg6[%swap3A, %swap3A_18] : memref<6000x128xf32, #tpu.memory_space<vmem>>, vector<6000x128xf32>
    tpu.vector_store %arg6[%swap3A, %swap3A_18], %add3A_17 {strides = array<i32>} : memref<6000x128xf32, #tpu.memory_space<vmem>>, vector<6000x128xf32>,
    %reduce_sum3A = arith.constant dense<0.000000e+00> : vector<128xf32>
    %reduce_sum3A_20 = vector.multi_reduction <add>, %add3A_17, %reduce_sum3A [0] : vector<6000x128xf32> to vector<128xf32>
    %broadcast_in_dim3A = vector.shape_cast %reduce_sum3A_20 : vector<128xf32> to vector<1x128xf32>
    %mul3A = arith.mulf %add3A_17, %add3A_17 : vector<6000x128xf32>
    %reduce_sum3A_21 = arith.constant dense<0.000000e+00> : vector<128xf32>
    %reduce_sum3A_22 = vector.multi_reduction <add>, %mul3A, %reduce_sum3A_21 [0] : vector<6000x128xf32> to vector<128xf32>
    %broadcast_in_dim3A_23 = vector.shape_cast %reduce_sum3A_22 : vector<128xf32> to vector<1x128xf32>
    %eq3A = arith.constant 0 : i32
    %eq3A_24 = arith.cmpi eq, %arg0, %eq3A : i32
    %convert_element_type3A = arith.extui %eq3A_24 : i1 to i32
    %cond3A = arith.constant 0 : i32
    %cond3A_25 = arith.cmpi ne, %convert_element_type3A, %cond3A : i32
    scf.if %cond3A_25 {
      %swap3A_30 = arith.constant 0 : index
      %swap3A_31 = arith.constant 0 : index
      %swap3A_32 = vector.load %arg7[%swap3A_30, %swap3A_31] : memref<1x128xf32, #tpu.memory_space<vmem>>, vector<1x128xf32>
      tpu.vector_store %arg7[%swap3A_30, %swap3A_31], %broadcast_in_dim3A {strides = array<i32>} : memref<1x128xf32, #tpu.memory_space<vmem>>, vector<1x128xf32>,
      %swap3A_33 = arith.constant 0 : index
      %swap3A_34 = arith.constant 0 : index
      %swap3A_35 = vector.load %arg8[%swap3A_33, %swap3A_34] : memref<1x128xf32, #tpu.memory_space<vmem>>, vector<1x128xf32>
      tpu.vector_store %arg8[%swap3A_33, %swap3A_34], %broadcast_in_dim3A_23 {strides = array<i32>} : memref<1x128xf32, #tpu.memory_space<vmem>>, vector<1x128xf32>,
    } else {
    }
    %gt3A = arith.constant 0 : i32
    %gt3A_26 = arith.cmpi sgt, %arg0, %gt3A : i32
    %convert_element_type3A_27 = arith.extui %gt3A_26 : i1 to i32
    %cond3A_28 = arith.constant 0 : i32
    %cond3A_29 = arith.cmpi ne, %convert_element_type3A_27, %cond3A_28 : i32
    scf.if %cond3A_29 {
      %get3A_30 = arith.constant 0 : index
      %get3A_31 = arith.constant 0 : index
      %get3A_32 = vector.load %arg7[%get3A_30, %get3A_31] : memref<1x128xf32, #tpu.memory_space<vmem>>, vector<1x128xf32>
      %add3A_33 = arith.addf %get3A_32, %broadcast_in_dim3A : vector<1x128xf32>
      %swap3A_34 = arith.constant 0 : index
      %swap3A_35 = arith.constant 0 : index
      %swap3A_36 = vector.load %arg7[%swap3A_34, %swap3A_35] : memref<1x128xf32, #tpu.memory_space<vmem>>, vector<1x128xf32>
      tpu.vector_store %arg7[%swap3A_34, %swap3A_35], %add3A_33 {strides = array<i32>} : memref<1x128xf32, #tpu.memory_space<vmem>>, vector<1x128xf32>,
      %get3A_37 = arith.constant 0 : index
      %get3A_38 = arith.constant 0 : index
      %get3A_39 = vector.load %arg8[%get3A_37, %get3A_38] : memref<1x128xf32, #tpu.memory_space<vmem>>, vector<1x128xf32>
      %add3A_40 = arith.addf %get3A_39, %broadcast_in_dim3A_23 : vector<1x128xf32>
      %swap3A_41 = arith.constant 0 : index
      %swap3A_42 = arith.constant 0 : index
      %swap3A_43 = vector.load %arg8[%swap3A_41, %swap3A_42] : memref<1x128xf32, #tpu.memory_space<vmem>>, vector<1x128xf32>
      tpu.vector_store %arg8[%swap3A_41, %swap3A_42], %add3A_40 {strides = array<i32>} : memref<1x128xf32, #tpu.memory_space<vmem>>, vector<1x128xf32>,
    } else {
    }
    return
  }
  func.func @transform_0(%arg0: i32) -> (i32, i32) {
    %c0_i32 = arith.constant 0 : i32
    %c0_i32_0 = arith.constant 0 : i32
    return %arg0, %c0_i32 : i32, i32
  }
  func.func @transform_1(%arg0: i32) -> (i32, i32) {
    %add3A = arith.constant 200 : i32
    %add3A_0 = arith.addi %arg0, %add3A : i32
    %c0_i32 = arith.constant 0 : i32
    %c0_i32_1 = arith.constant 0 : i32
    return %add3A_0, %c0_i32 : i32, i32
  }
  func.func @transform_2(%arg0: i32) -> (i32, i32) {
    %c0_i32 = arith.constant 0 : i32
    %c0_i32_0 = arith.constant 0 : i32
    return %arg0, %c0_i32 : i32, i32
  }
  func.func @transform_3(%arg0: i32) -> (i32, i32) {
    %c0_i32 = arith.constant 0 : i32
    %c0_i32_0 = arith.constant 0 : i32
    %c0_i32_1 = arith.constant 0 : i32
    return %c0_i32, %c0_i32_0 : i32, i32
  }
  func.func @transform_4(%arg0: i32) -> (i32, i32) {
    %c0_i32 = arith.constant 0 : i32
    %c0_i32_0 = arith.constant 0 : i32
    %c0_i32_1 = arith.constant 0 : i32
    return %c0_i32, %c0_i32_0 : i32, i32
  }
  func.func @transform_5(%arg0: i32) -> (i32, i32) {
    %c0_i32 = arith.constant 0 : i32
    %c0_i32_0 = arith.constant 0 : i32
    return %arg0, %c0_i32 : i32, i32
  }
  func.func @transform_6(%arg0: i32) -> (i32, i32) {
    %c0_i32 = arith.constant 0 : i32
    %c0_i32_0 = arith.constant 0 : i32
    %c0_i32_1 = arith.constant 0 : i32
    return %c0_i32, %c0_i32_0 : i32, i32
  }
  func.func @transform_7(%arg0: i32) -> (i32, i32) {
    %c0_i32 = arith.constant 0 : i32
    %c0_i32_0 = arith.constant 0 : i32
    %c0_i32_1 = arith.constant 0 : i32
    return %c0_i32, %c0_i32_0 : i32, i32
  }
}

module attributes {stable_mosaic.version = 14 : i64} {
  func.func @body(%arg0: i32, %arg1: memref<400x12x128xf32, #tpu.memory_space<vmem>>, %arg2: memref<1x128xf32, #tpu.memory_space<vmem>>, %arg3: memref<1x128xf32, #tpu.memory_space<vmem>>, %arg4: memref<400x64xf32, #tpu.memory_space<vmem>>, %arg5: memref<1x64xf32, #tpu.memory_space<vmem>>, %arg6: memref<1x64xf32, #tpu.memory_space<vmem>>) attributes {dimension_semantics = [#tpu.dimension_semantics<arbitrary>], iteration_bounds = array<i64: 250>, scalar_prefetch = 0 : i64, scratch_operands = 0 : i64, tpu.core_type = #tpu.core_type<tc>, window_params = [{transform_indices = @transform_0, window_bounds = array<i64: 400, 12, 128>}, {pipeline_mode = #tpu.pipeline_mode<synchronous>, transform_indices = @transform_1, window_bounds = array<i64: 1, 128>}, {pipeline_mode = #tpu.pipeline_mode<synchronous>, transform_indices = @transform_2, window_bounds = array<i64: 1, 128>}, {transform_indices = @transform_3, window_bounds = array<i64: 400, 64>}, {pipeline_mode = #tpu.pipeline_mode<synchronous>, transform_indices = @transform_4, window_bounds = array<i64: 1, 64>}, {pipeline_mode = #tpu.pipeline_mode<synchronous>, transform_indices = @transform_5, window_bounds = array<i64: 1, 64>}]} {
    %get3A = arith.constant 0 : index
    %get3A_0 = arith.constant 0 : index
    %get3A_1 = arith.constant 0 : index
    %get3A_2 = vector.load %arg1[%get3A, %get3A_0, %get3A_1] : memref<400x12x128xf32, #tpu.memory_space<vmem>>, vector<400x12x128xf32>
    %get3A_3 = arith.constant 0 : index
    %get3A_4 = arith.constant 0 : index
    %get3A_5 = vector.load %arg2[%get3A_3, %get3A_4] : memref<1x128xf32, #tpu.memory_space<vmem>>, vector<1x128xf32>
    %broadcast_in_dim3A = vector.shape_cast %get3A_5 : vector<1x128xf32> to vector<1x1x128xf32>
    %mul3A = vector.broadcast %broadcast_in_dim3A : vector<1x1x128xf32> to vector<400x12x128xf32>
    %mul3A_6 = arith.mulf %get3A_2, %mul3A : vector<400x12x128xf32>
    %get3A_7 = arith.constant 0 : index
    %get3A_8 = arith.constant 0 : index
    %get3A_9 = vector.load %arg3[%get3A_7, %get3A_8] : memref<1x128xf32, #tpu.memory_space<vmem>>, vector<1x128xf32>
    %broadcast_in_dim3A_10 = vector.shape_cast %get3A_9 : vector<1x128xf32> to vector<1x1x128xf32>
    %add3A = vector.broadcast %broadcast_in_dim3A_10 : vector<1x1x128xf32> to vector<400x12x128xf32>
    %add3A_11 = arith.addf %mul3A_6, %add3A : vector<400x12x128xf32>
    %slice3A = vector.extract_strided_slice %add3A_11 {offsets = [0, 0, 0], sizes = [400, 12, 64], strides = [1, 1, 1]} : vector<400x12x128xf32> to vector<400x12x64xf32>
    %slice3A_12 = vector.extract_strided_slice %add3A_11 {offsets = [0, 0, 64], sizes = [400, 12, 64], strides = [1, 1, 1]} : vector<400x12x128xf32> to vector<400x12x64xf32>
    %neg3A = arith.constant 0.000000e+00 : f32
    %neg3A_13 = vector.broadcast %neg3A : f32 to vector<400x12x64xf32>
    %neg3A_14 = arith.subf %neg3A_13, %slice3A : vector<400x12x64xf32>
    %exp3A = math.exp %neg3A_14 : vector<400x12x64xf32>
    %add3A_15 = arith.constant 1.000000e+00 : f32
    %add3A_16 = vector.broadcast %add3A_15 : f32 to vector<400x12x64xf32>
    %add3A_17 = arith.addf %add3A_16, %exp3A : vector<400x12x64xf32>
    %div3A = arith.constant 1.000000e+00 : f32
    %div3A_18 = vector.broadcast %div3A : f32 to vector<400x12x64xf32>
    %div3A_19 = arith.divf %div3A_18, %add3A_17 : vector<400x12x64xf32>
    %max3A = arith.constant 0.000000e+00 : f32
    %max3A_20 = vector.broadcast %max3A : f32 to vector<400x12x64xf32>
    %max3A_21 = arith.maximumf %slice3A_12, %max3A_20 : vector<400x12x64xf32>
    %abs3A = math.absf %slice3A_12 : vector<400x12x64xf32>
    %neg3A_22 = arith.constant 0.000000e+00 : f32
    %neg3A_23 = vector.broadcast %neg3A_22 : f32 to vector<400x12x64xf32>
    %neg3A_24 = arith.subf %neg3A_23, %abs3A : vector<400x12x64xf32>
    %exp3A_25 = math.exp %neg3A_24 : vector<400x12x64xf32>
    %log1p3A = math.log1p %exp3A_25 : vector<400x12x64xf32>
    %add3A_26 = arith.addf %max3A_21, %log1p3A : vector<400x12x64xf32>
    %mul3A_27 = arith.mulf %div3A_19, %add3A_26 : vector<400x12x64xf32>
    %reduce_sum3A = arith.constant dense<0.000000e+00> : vector<400x64xf32>
    %reduce_sum3A_28 = vector.multi_reduction <add>, %mul3A_27, %reduce_sum3A [1] : vector<400x12x64xf32> to vector<400x64xf32>
    %swap3A = arith.constant 0 : index
    %swap3A_29 = arith.constant 0 : index
    %swap3A_30 = vector.load %arg4[%swap3A, %swap3A_29] : memref<400x64xf32, #tpu.memory_space<vmem>>, vector<400x64xf32>
    tpu.vector_store %arg4[%swap3A, %swap3A_29], %reduce_sum3A_28 {strides = array<i32>} : memref<400x64xf32, #tpu.memory_space<vmem>>, vector<400x64xf32>,
    %reduce_sum3A_31 = arith.constant dense<0.000000e+00> : vector<64xf32>
    %reduce_sum3A_32 = vector.multi_reduction <add>, %reduce_sum3A_28, %reduce_sum3A_31 [0] : vector<400x64xf32> to vector<64xf32>
    %broadcast_in_dim3A_33 = vector.shape_cast %reduce_sum3A_32 : vector<64xf32> to vector<1x64xf32>
    %mul3A_34 = arith.mulf %reduce_sum3A_28, %reduce_sum3A_28 : vector<400x64xf32>
    %reduce_sum3A_35 = arith.constant dense<0.000000e+00> : vector<64xf32>
    %reduce_sum3A_36 = vector.multi_reduction <add>, %mul3A_34, %reduce_sum3A_35 [0] : vector<400x64xf32> to vector<64xf32>
    %broadcast_in_dim3A_37 = vector.shape_cast %reduce_sum3A_36 : vector<64xf32> to vector<1x64xf32>
    %eq3A = arith.constant 0 : i32
    %eq3A_38 = arith.cmpi eq, %arg0, %eq3A : i32
    %convert_element_type3A = arith.extui %eq3A_38 : i1 to i32
    %cond3A = arith.constant 0 : i32
    %cond3A_39 = arith.cmpi ne, %convert_element_type3A, %cond3A : i32
    scf.if %cond3A_39 {
      %swap3A_44 = arith.constant 0 : index
      %swap3A_45 = arith.constant 0 : index
      %swap3A_46 = vector.load %arg5[%swap3A_44, %swap3A_45] : memref<1x64xf32, #tpu.memory_space<vmem>>, vector<1x64xf32>
      tpu.vector_store %arg5[%swap3A_44, %swap3A_45], %broadcast_in_dim3A_33 {strides = array<i32>} : memref<1x64xf32, #tpu.memory_space<vmem>>, vector<1x64xf32>,
      %swap3A_47 = arith.constant 0 : index
      %swap3A_48 = arith.constant 0 : index
      %swap3A_49 = vector.load %arg6[%swap3A_47, %swap3A_48] : memref<1x64xf32, #tpu.memory_space<vmem>>, vector<1x64xf32>
      tpu.vector_store %arg6[%swap3A_47, %swap3A_48], %broadcast_in_dim3A_37 {strides = array<i32>} : memref<1x64xf32, #tpu.memory_space<vmem>>, vector<1x64xf32>,
    } else {
    }
    %gt3A = arith.constant 0 : i32
    %gt3A_40 = arith.cmpi sgt, %arg0, %gt3A : i32
    %convert_element_type3A_41 = arith.extui %gt3A_40 : i1 to i32
    %cond3A_42 = arith.constant 0 : i32
    %cond3A_43 = arith.cmpi ne, %convert_element_type3A_41, %cond3A_42 : i32
    scf.if %cond3A_43 {
      %get3A_44 = arith.constant 0 : index
      %get3A_45 = arith.constant 0 : index
      %get3A_46 = vector.load %arg5[%get3A_44, %get3A_45] : memref<1x64xf32, #tpu.memory_space<vmem>>, vector<1x64xf32>
      %add3A_47 = arith.addf %get3A_46, %broadcast_in_dim3A_33 : vector<1x64xf32>
      %swap3A_48 = arith.constant 0 : index
      %swap3A_49 = arith.constant 0 : index
      %swap3A_50 = vector.load %arg5[%swap3A_48, %swap3A_49] : memref<1x64xf32, #tpu.memory_space<vmem>>, vector<1x64xf32>
      tpu.vector_store %arg5[%swap3A_48, %swap3A_49], %add3A_47 {strides = array<i32>} : memref<1x64xf32, #tpu.memory_space<vmem>>, vector<1x64xf32>,
      %get3A_51 = arith.constant 0 : index
      %get3A_52 = arith.constant 0 : index
      %get3A_53 = vector.load %arg6[%get3A_51, %get3A_52] : memref<1x64xf32, #tpu.memory_space<vmem>>, vector<1x64xf32>
      %add3A_54 = arith.addf %get3A_53, %broadcast_in_dim3A_37 : vector<1x64xf32>
      %swap3A_55 = arith.constant 0 : index
      %swap3A_56 = arith.constant 0 : index
      %swap3A_57 = vector.load %arg6[%swap3A_55, %swap3A_56] : memref<1x64xf32, #tpu.memory_space<vmem>>, vector<1x64xf32>
      tpu.vector_store %arg6[%swap3A_55, %swap3A_56], %add3A_54 {strides = array<i32>} : memref<1x64xf32, #tpu.memory_space<vmem>>, vector<1x64xf32>,
    } else {
    }
    return
  }
  func.func @transform_0(%arg0: i32) -> (i32, i32, i32) {
    %c0_i32 = arith.constant 0 : i32
    %c0_i32_0 = arith.constant 0 : i32
    %c0_i32_1 = arith.constant 0 : i32
    return %arg0, %c0_i32, %c0_i32_0 : i32, i32, i32
  }
  func.func @transform_1(%arg0: i32) -> (i32, i32) {
    %c0_i32 = arith.constant 0 : i32
    %c0_i32_0 = arith.constant 0 : i32
    %c0_i32_1 = arith.constant 0 : i32
    return %c0_i32, %c0_i32_0 : i32, i32
  }
  func.func @transform_2(%arg0: i32) -> (i32, i32) {
    %c0_i32 = arith.constant 0 : i32
    %c0_i32_0 = arith.constant 0 : i32
    %c0_i32_1 = arith.constant 0 : i32
    return %c0_i32, %c0_i32_0 : i32, i32
  }
  func.func @transform_3(%arg0: i32) -> (i32, i32) {
    %c0_i32 = arith.constant 0 : i32
    %c0_i32_0 = arith.constant 0 : i32
    return %arg0, %c0_i32 : i32, i32
  }
  func.func @transform_4(%arg0: i32) -> (i32, i32) {
    %c0_i32 = arith.constant 0 : i32
    %c0_i32_0 = arith.constant 0 : i32
    %c0_i32_1 = arith.constant 0 : i32
    return %c0_i32, %c0_i32_0 : i32, i32
  }
  func.func @transform_5(%arg0: i32) -> (i32, i32) {
    %c0_i32 = arith.constant 0 : i32
    %c0_i32_0 = arith.constant 0 : i32
    %c0_i32_1 = arith.constant 0 : i32
    return %c0_i32, %c0_i32_0 : i32, i32
  }
}

module attributes {stable_mosaic.version = 14 : i64} {
  func.func @body(%arg0: i32, %arg1: memref<2000x64xf32, #tpu.memory_space<vmem>>, %arg2: memref<2000x64xf32, #tpu.memory_space<vmem>>, %arg3: memref<1x64xf32, #tpu.memory_space<vmem>>, %arg4: memref<1x64xf32, #tpu.memory_space<vmem>>, %arg5: memref<2000x64xf32, #tpu.memory_space<vmem>>) attributes {dimension_semantics = [#tpu.dimension_semantics<arbitrary>], iteration_bounds = array<i64: 50>, scalar_prefetch = 0 : i64, scratch_operands = 0 : i64, tpu.core_type = #tpu.core_type<tc>, window_params = [{transform_indices = @transform_0, window_bounds = array<i64: 2000, 64>}, {transform_indices = @transform_1, window_bounds = array<i64: 2000, 64>}, {pipeline_mode = #tpu.pipeline_mode<synchronous>, transform_indices = @transform_2, window_bounds = array<i64: 1, 64>}, {pipeline_mode = #tpu.pipeline_mode<synchronous>, transform_indices = @transform_3, window_bounds = array<i64: 1, 64>}, {transform_indices = @transform_4, window_bounds = array<i64: 2000, 64>}]} {
    %get3A = arith.constant 0 : index
    %get3A_0 = arith.constant 0 : index
    %get3A_1 = vector.load %arg1[%get3A, %get3A_0] : memref<2000x64xf32, #tpu.memory_space<vmem>>, vector<2000x64xf32>
    %get3A_2 = arith.constant 0 : index
    %get3A_3 = arith.constant 0 : index
    %get3A_4 = vector.load %arg2[%get3A_2, %get3A_3] : memref<2000x64xf32, #tpu.memory_space<vmem>>, vector<2000x64xf32>
    %get3A_5 = arith.constant 0 : index
    %get3A_6 = arith.constant 0 : index
    %get3A_7 = vector.load %arg3[%get3A_5, %get3A_6] : memref<1x64xf32, #tpu.memory_space<vmem>>, vector<1x64xf32>
    %mul3A = vector.broadcast %get3A_7 : vector<1x64xf32> to vector<2000x64xf32>
    %mul3A_8 = arith.mulf %get3A_4, %mul3A : vector<2000x64xf32>
    %add3A = arith.addf %get3A_1, %mul3A_8 : vector<2000x64xf32>
    %get3A_9 = arith.constant 0 : index
    %get3A_10 = arith.constant 0 : index
    %get3A_11 = vector.load %arg4[%get3A_9, %get3A_10] : memref<1x64xf32, #tpu.memory_space<vmem>>, vector<1x64xf32>
    %add3A_12 = vector.broadcast %get3A_11 : vector<1x64xf32> to vector<2000x64xf32>
    %add3A_13 = arith.addf %add3A, %add3A_12 : vector<2000x64xf32>
    %max3A = arith.constant 0.000000e+00 : f32
    %max3A_14 = vector.broadcast %max3A : f32 to vector<2000x64xf32>
    %max3A_15 = arith.maximumf %add3A_13, %max3A_14 : vector<2000x64xf32>
    %abs3A = math.absf %add3A_13 : vector<2000x64xf32>
    %neg3A = arith.constant 0.000000e+00 : f32
    %neg3A_16 = vector.broadcast %neg3A : f32 to vector<2000x64xf32>
    %neg3A_17 = arith.subf %neg3A_16, %abs3A : vector<2000x64xf32>
    %exp3A = math.exp %neg3A_17 : vector<2000x64xf32>
    %log1p3A = math.log1p %exp3A : vector<2000x64xf32>
    %add3A_18 = arith.addf %max3A_15, %log1p3A : vector<2000x64xf32>
    %swap3A = arith.constant 0 : index
    %swap3A_19 = arith.constant 0 : index
    %swap3A_20 = vector.load %arg5[%swap3A, %swap3A_19] : memref<2000x64xf32, #tpu.memory_space<vmem>>, vector<2000x64xf32>
    tpu.vector_store %arg5[%swap3A, %swap3A_19], %add3A_18 {strides = array<i32>} : memref<2000x64xf32, #tpu.memory_space<vmem>>, vector<2000x64xf32>,
    return
  }
  func.func @transform_0(%arg0: i32) -> (i32, i32) {
    %c0_i32 = arith.constant 0 : i32
    %c0_i32_0 = arith.constant 0 : i32
    return %arg0, %c0_i32 : i32, i32
  }
  func.func @transform_1(%arg0: i32) -> (i32, i32) {
    %c0_i32 = arith.constant 0 : i32
    %c0_i32_0 = arith.constant 0 : i32
    return %arg0, %c0_i32 : i32, i32
  }
  func.func @transform_2(%arg0: i32) -> (i32, i32) {
    %c0_i32 = arith.constant 0 : i32
    %c0_i32_0 = arith.constant 0 : i32
    %c0_i32_1 = arith.constant 0 : i32
    return %c0_i32, %c0_i32_0 : i32, i32
  }
  func.func @transform_3(%arg0: i32) -> (i32, i32) {
    %c0_i32 = arith.constant 0 : i32
    %c0_i32_0 = arith.constant 0 : i32
    %c0_i32_1 = arith.constant 0 : i32
    return %c0_i32, %c0_i32_0 : i32, i32
  }
  func.func @transform_4(%arg0: i32) -> (i32, i32) {
    %c0_i32 = arith.constant 0 : i32
    %c0_i32_0 = arith.constant 0 : i32
    return %arg0, %c0_i32 : i32, i32
  }
}

module attributes {stable_mosaic.version = 14 : i64} {
  func.func @body(%arg0: i32, %arg1: memref<1000x64xf32, #tpu.memory_space<vmem>>, %arg2: memref<1x1x1000xi32, #tpu.memory_space<vmem>>, %arg3: memref<64x64xf32, #tpu.memory_space<vmem>>, %arg4: memref<64x1xf32, #tpu.memory_space<vmem>>) attributes {dimension_semantics = [#tpu.dimension_semantics<arbitrary>], iteration_bounds = array<i64: 100>, scalar_prefetch = 0 : i64, scratch_operands = 0 : i64, tpu.core_type = #tpu.core_type<tc>, window_params = [{transform_indices = @transform_0, window_bounds = array<i64: 1000, 64>}, {transform_indices = @transform_1, window_bounds = array<i64: 1, 1, 1000>}, {pipeline_mode = #tpu.pipeline_mode<synchronous>, transform_indices = @transform_2, window_bounds = array<i64: 64, 64>}, {pipeline_mode = #tpu.pipeline_mode<synchronous>, transform_indices = @transform_3, window_bounds = array<i64: 64, 1>}]} {
    %get3A = arith.constant 0 : index
    %get3A_0 = arith.constant 0 : index
    %get3A_1 = arith.constant 0 : index
    %get3A_2 = vector.load %arg2[%get3A, %get3A_0, %get3A_1] : memref<1x1x1000xi32, #tpu.memory_space<vmem>>, vector<1x1x1000xi32>
    %get3A_3 = vector.shape_cast %get3A_2 : vector<1x1x1000xi32> to vector<1x1000xi32>
    %iota3A = tpu.iota {dimensions = array<i32: 0>} : vector<64x1000xi32>
    %eq3A = vector.broadcast %get3A_3 : vector<1x1000xi32> to vector<64x1000xi32>
    %eq3A_4 = arith.cmpi eq, %iota3A, %eq3A : vector<64x1000xi32>
    %convert_element_type3A = arith.extui %eq3A_4 : vector<64x1000xi1> to vector<64x1000xi32>
    %convert_element_type3A_5 = arith.sitofp %convert_element_type3A : vector<64x1000xi32> to vector<64x1000xf32>
    %get3A_6 = arith.constant 0 : index
    %get3A_7 = arith.constant 0 : index
    %get3A_8 = vector.load %arg1[%get3A_6, %get3A_7] : memref<1000x64xf32, #tpu.memory_space<vmem>>, vector<1000x64xf32>
    %dot_general3A = arith.constant dense<0.000000e+00> : vector<64x64xf32>
    %dot_general3A_9 = tpu.matmul %convert_element_type3A_5, %get3A_8, %dot_general3A {dimension_numbers = #tpu.dot_dimension_numbers<[1], [0], [0], [1], [0, 0, 1, 1], [], []>, transpose_lhs_hint = false} : vector<64x1000xf32>, vector<1000x64xf32>, vector<64x64xf32> -> vector<64x64xf32>
    %reduce_sum3A = arith.constant dense<0.000000e+00> : vector<64xf32>
    %reduce_sum3A_10 = vector.multi_reduction <add>, %convert_element_type3A_5, %reduce_sum3A [1] : vector<64x1000xf32> to vector<64xf32>
    %broadcast_in_dim3A = vector.shape_cast %reduce_sum3A_10 : vector<64xf32> to vector<64x1xf32>
    %eq3A_11 = arith.constant 0 : i32
    %eq3A_12 = arith.cmpi eq, %arg0, %eq3A_11 : i32
    %convert_element_type3A_13 = arith.extui %eq3A_12 : i1 to i32
    %cond3A = arith.constant 0 : i32
    %cond3A_14 = arith.cmpi ne, %convert_element_type3A_13, %cond3A : i32
    scf.if %cond3A_14 {
      %swap3A = arith.constant 0 : index
      %swap3A_19 = arith.constant 0 : index
      %swap3A_20 = vector.load %arg3[%swap3A, %swap3A_19] : memref<64x64xf32, #tpu.memory_space<vmem>>, vector<64x64xf32>
      tpu.vector_store %arg3[%swap3A, %swap3A_19], %dot_general3A_9 {strides = array<i32>} : memref<64x64xf32, #tpu.memory_space<vmem>>, vector<64x64xf32>,
      %swap3A_21 = arith.constant 0 : index
      %swap3A_22 = arith.constant 0 : index
      %swap3A_23 = vector.load %arg4[%swap3A_21, %swap3A_22] : memref<64x1xf32, #tpu.memory_space<vmem>>, vector<64x1xf32>
      tpu.vector_store %arg4[%swap3A_21, %swap3A_22], %broadcast_in_dim3A {strides = array<i32>} : memref<64x1xf32, #tpu.memory_space<vmem>>, vector<64x1xf32>,
    } else {
    }
    %gt3A = arith.constant 0 : i32
    %gt3A_15 = arith.cmpi sgt, %arg0, %gt3A : i32
    %convert_element_type3A_16 = arith.extui %gt3A_15 : i1 to i32
    %cond3A_17 = arith.constant 0 : i32
    %cond3A_18 = arith.cmpi ne, %convert_element_type3A_16, %cond3A_17 : i32
    scf.if %cond3A_18 {
      %get3A_19 = arith.constant 0 : index
      %get3A_20 = arith.constant 0 : index
      %get3A_21 = vector.load %arg3[%get3A_19, %get3A_20] : memref<64x64xf32, #tpu.memory_space<vmem>>, vector<64x64xf32>
      %add3A = arith.addf %get3A_21, %dot_general3A_9 : vector<64x64xf32>
      %swap3A = arith.constant 0 : index
      %swap3A_22 = arith.constant 0 : index
      %swap3A_23 = vector.load %arg3[%swap3A, %swap3A_22] : memref<64x64xf32, #tpu.memory_space<vmem>>, vector<64x64xf32>
      tpu.vector_store %arg3[%swap3A, %swap3A_22], %add3A {strides = array<i32>} : memref<64x64xf32, #tpu.memory_space<vmem>>, vector<64x64xf32>,
      %get3A_24 = arith.constant 0 : index
      %get3A_25 = arith.constant 0 : index
      %get3A_26 = vector.load %arg4[%get3A_24, %get3A_25] : memref<64x1xf32, #tpu.memory_space<vmem>>, vector<64x1xf32>
      %add3A_27 = arith.addf %get3A_26, %broadcast_in_dim3A : vector<64x1xf32>
      %swap3A_28 = arith.constant 0 : index
      %swap3A_29 = arith.constant 0 : index
      %swap3A_30 = vector.load %arg4[%swap3A_28, %swap3A_29] : memref<64x1xf32, #tpu.memory_space<vmem>>, vector<64x1xf32>
      tpu.vector_store %arg4[%swap3A_28, %swap3A_29], %add3A_27 {strides = array<i32>} : memref<64x1xf32, #tpu.memory_space<vmem>>, vector<64x1xf32>,
    } else {
    }
    return
  }
  func.func @transform_0(%arg0: i32) -> (i32, i32) {
    %c0_i32 = arith.constant 0 : i32
    %c0_i32_0 = arith.constant 0 : i32
    return %arg0, %c0_i32 : i32, i32
  }
  func.func @transform_1(%arg0: i32) -> (i32, i32, i32) {
    %c0_i32 = arith.constant 0 : i32
    %c0_i32_0 = arith.constant 0 : i32
    %c0_i32_1 = arith.constant 0 : i32
    return %arg0, %c0_i32, %c0_i32_0 : i32, i32, i32
  }
  func.func @transform_2(%arg0: i32) -> (i32, i32) {
    %c0_i32 = arith.constant 0 : i32
    %c0_i32_0 = arith.constant 0 : i32
    %c0_i32_1 = arith.constant 0 : i32
    return %c0_i32, %c0_i32_0 : i32, i32
  }
  func.func @transform_3(%arg0: i32) -> (i32, i32) {
    %c0_i32 = arith.constant 0 : i32
    %c0_i32_0 = arith.constant 0 : i32
    %c0_i32_1 = arith.constant 0 : i32
    return %c0_i32, %c0_i32_0 : i32, i32
  }
}

module attributes {stable_mosaic.version = 14 : i64} {
  func.func @body(%arg0: memref<64x64xf32, #tpu.memory_space<vmem>>, %arg1: memref<64x1xf32, #tpu.memory_space<vmem>>, %arg2: memref<1x64xf32, #tpu.memory_space<vmem>>, %arg3: memref<1x64xf32, #tpu.memory_space<vmem>>, %arg4: memref<64x128xf32, #tpu.memory_space<vmem>>, %arg5: memref<1x128xf32, #tpu.memory_space<vmem>>, %arg6: memref<1x128xf32, #tpu.memory_space<vmem>>, %arg7: memref<1x1xf32, #tpu.memory_space<vmem>>, %arg8: memref<64x1xf32, #tpu.memory_space<vmem>>) attributes {dimension_semantics = [], scalar_prefetch = 0 : i64, scratch_operands = 0 : i64, tpu.core_type = #tpu.core_type<tc>} {
    %get3A = arith.constant 0 : index
    %get3A_0 = arith.constant 0 : index
    %get3A_1 = vector.load %arg0[%get3A, %get3A_0] : memref<64x64xf32, #tpu.memory_space<vmem>>, vector<64x64xf32>
    %get3A_2 = arith.constant 0 : index
    %get3A_3 = arith.constant 0 : index
    %get3A_4 = vector.load %arg1[%get3A_2, %get3A_3] : memref<64x1xf32, #tpu.memory_space<vmem>>, vector<64x1xf32>
    %max3A = arith.constant 1.000000e+00 : f32
    %max3A_5 = vector.broadcast %max3A : f32 to vector<64x1xf32>
    %max3A_6 = arith.maximumf %get3A_4, %max3A_5 : vector<64x1xf32>
    %div3A = vector.broadcast %max3A_6 : vector<64x1xf32> to vector<64x64xf32>
    %div3A_7 = arith.divf %get3A_1, %div3A : vector<64x64xf32>
    %max3A_8 = arith.constant 0.000000e+00 : f32
    %max3A_9 = vector.broadcast %max3A_8 : f32 to vector<64x64xf32>
    %max3A_10 = arith.maximumf %div3A_7, %max3A_9 : vector<64x64xf32>
    %abs3A = math.absf %div3A_7 : vector<64x64xf32>
    %neg3A = arith.constant 0.000000e+00 : f32
    %neg3A_11 = vector.broadcast %neg3A : f32 to vector<64x64xf32>
    %neg3A_12 = arith.subf %neg3A_11, %abs3A : vector<64x64xf32>
    %exp3A = math.exp %neg3A_12 : vector<64x64xf32>
    %log1p3A = math.log1p %exp3A : vector<64x64xf32>
    %add3A = arith.addf %max3A_10, %log1p3A : vector<64x64xf32>
    %reduce_sum3A = arith.constant dense<0.000000e+00> : vector<64xf32>
    %reduce_sum3A_13 = vector.multi_reduction <add>, %add3A, %reduce_sum3A [0] : vector<64x64xf32> to vector<64xf32>
    %broadcast_in_dim3A = vector.shape_cast %reduce_sum3A_13 : vector<64xf32> to vector<1x64xf32>
    %div3A_14 = arith.constant 6.400000e+01 : f32
    %div3A_15 = vector.broadcast %div3A_14 : f32 to vector<1x64xf32>
    %div3A_16 = arith.divf %broadcast_in_dim3A, %div3A_15 : vector<1x64xf32>
    %sub3A = vector.broadcast %div3A_16 : vector<1x64xf32> to vector<64x64xf32>
    %sub3A_17 = arith.subf %add3A, %sub3A : vector<64x64xf32>
    %integer_pow3A = arith.mulf %sub3A_17, %sub3A_17 : vector<64x64xf32>
    %reduce_sum3A_18 = arith.constant dense<0.000000e+00> : vector<64xf32>
    %reduce_sum3A_19 = vector.multi_reduction <add>, %integer_pow3A, %reduce_sum3A_18 [0] : vector<64x64xf32> to vector<64xf32>
    %broadcast_in_dim3A_20 = vector.shape_cast %reduce_sum3A_19 : vector<64xf32> to vector<1x64xf32>
    %div3A_21 = arith.constant 6.400000e+01 : f32
    %div3A_22 = vector.broadcast %div3A_21 : f32 to vector<1x64xf32>
    %div3A_23 = arith.divf %broadcast_in_dim3A_20, %div3A_22 : vector<1x64xf32>
    %sub3A_24 = vector.broadcast %div3A_16 : vector<1x64xf32> to vector<64x64xf32>
    %sub3A_25 = arith.subf %add3A, %sub3A_24 : vector<64x64xf32>
    %add3A_26 = arith.constant 9.99999974E-6 : f32
    %add3A_27 = vector.broadcast %add3A_26 : f32 to vector<1x64xf32>
    %add3A_28 = arith.addf %div3A_23, %add3A_27 : vector<1x64xf32>
    %sqrt3A = math.sqrt %add3A_28 : vector<1x64xf32>
    %div3A_29 = vector.broadcast %sqrt3A : vector<1x64xf32> to vector<64x64xf32>
    %div3A_30 = arith.divf %sub3A_25, %div3A_29 : vector<64x64xf32>
    %get3A_31 = arith.constant 0 : index
    %get3A_32 = arith.constant 0 : index
    %get3A_33 = vector.load %arg2[%get3A_31, %get3A_32] : memref<1x64xf32, #tpu.memory_space<vmem>>, vector<1x64xf32>
    %mul3A = vector.broadcast %get3A_33 : vector<1x64xf32> to vector<64x64xf32>
    %mul3A_34 = arith.mulf %div3A_30, %mul3A : vector<64x64xf32>
    %get3A_35 = arith.constant 0 : index
    %get3A_36 = arith.constant 0 : index
    %get3A_37 = vector.load %arg3[%get3A_35, %get3A_36] : memref<1x64xf32, #tpu.memory_space<vmem>>, vector<1x64xf32>
    %add3A_38 = vector.broadcast %get3A_37 : vector<1x64xf32> to vector<64x64xf32>
    %add3A_39 = arith.addf %mul3A_34, %add3A_38 : vector<64x64xf32>
    %get3A_40 = arith.constant 0 : index
    %get3A_41 = arith.constant 0 : index
    %get3A_42 = vector.load %arg4[%get3A_40, %get3A_41] : memref<64x128xf32, #tpu.memory_space<vmem>>, vector<64x128xf32>
    %dot_general3A = arith.constant dense<0.000000e+00> : vector<64x128xf32>
    %dot_general3A_43 = tpu.matmul %add3A_39, %get3A_42, %dot_general3A {dimension_numbers = #tpu.dot_dimension_numbers<[1], [0], [0], [1], [0, 0, 1, 1], [], []>, transpose_lhs_hint = false} : vector<64x64xf32>, vector<64x128xf32>, vector<64x128xf32> -> vector<64x128xf32>
    %get3A_44 = arith.constant 0 : index
    %get3A_45 = arith.constant 0 : index
    %get3A_46 = vector.load %arg5[%get3A_44, %get3A_45] : memref<1x128xf32, #tpu.memory_space<vmem>>, vector<1x128xf32>
    %add3A_47 = vector.broadcast %get3A_46 : vector<1x128xf32> to vector<64x128xf32>
    %add3A_48 = arith.addf %dot_general3A_43, %add3A_47 : vector<64x128xf32>
    %max3A_49 = arith.constant 0.000000e+00 : f32
    %max3A_50 = vector.broadcast %max3A_49 : f32 to vector<64x128xf32>
    %max3A_51 = arith.maximumf %add3A_48, %max3A_50 : vector<64x128xf32>
    %abs3A_52 = math.absf %add3A_48 : vector<64x128xf32>
    %neg3A_53 = arith.constant 0.000000e+00 : f32
    %neg3A_54 = vector.broadcast %neg3A_53 : f32 to vector<64x128xf32>
    %neg3A_55 = arith.subf %neg3A_54, %abs3A_52 : vector<64x128xf32>
    %exp3A_56 = math.exp %neg3A_55 : vector<64x128xf32>
    %log1p3A_57 = math.log1p %exp3A_56 : vector<64x128xf32>
    %add3A_58 = arith.addf %max3A_51, %log1p3A_57 : vector<64x128xf32>
    %get3A_59 = arith.constant 0 : index
    %get3A_60 = arith.constant 0 : index
    %get3A_61 = vector.load %arg6[%get3A_59, %get3A_60] : memref<1x128xf32, #tpu.memory_space<vmem>>, vector<1x128xf32>
    %mul3A_62 = vector.broadcast %get3A_61 : vector<1x128xf32> to vector<64x128xf32>
    %mul3A_63 = arith.mulf %add3A_58, %mul3A_62 : vector<64x128xf32>
    %reduce_sum3A_64 = arith.constant dense<0.000000e+00> : vector<64xf32>
    %reduce_sum3A_65 = vector.multi_reduction <add>, %mul3A_63, %reduce_sum3A_64 [1] : vector<64x128xf32> to vector<64xf32>
    %broadcast_in_dim3A_66 = vector.shape_cast %reduce_sum3A_65 : vector<64xf32> to vector<64x1xf32>
    %get3A_67 = arith.constant 0 : index
    %get3A_68 = arith.constant 0 : index
    %get3A_69 = vector.load %arg7[%get3A_67, %get3A_68] : memref<1x1xf32, #tpu.memory_space<vmem>>, vector<1x1xf32>
    %add3A_70 = vector.broadcast %get3A_69 : vector<1x1xf32> to vector<64x1xf32>
    %add3A_71 = arith.addf %broadcast_in_dim3A_66, %add3A_70 : vector<64x1xf32>
    %swap3A = arith.constant 0 : index
    %swap3A_72 = arith.constant 0 : index
    %swap3A_73 = vector.load %arg8[%swap3A, %swap3A_72] : memref<64x1xf32, #tpu.memory_space<vmem>>, vector<64x1xf32>
    tpu.vector_store %arg8[%swap3A, %swap3A_72], %add3A_71 {strides = array<i32>} : memref<64x1xf32, #tpu.memory_space<vmem>>, vector<64x1xf32>,
    return
  }
}

</mosaic_0001>

<sc_bundles>
// kernel: kernel.20.cloned.1.call-start
scs
__scs_entry_jumppad:
0x0: {  	(pc) =	sbr.rel $0x88, $3  }
0x1: {  	(tag) =	ssettag $0x0;
	lr =	simm.s32 $0x1  }
0x2: {  	[smem:$0x3F7C] =	sst lr;
	_ =	strace $0xD0000000  }
0x3: {  	_ = 	snop  }
0x4: {  	_ = 	snop  }
0x5: {  	_ = 	snop  }
0x6: {  	_ = 	snop  }
0x7: {  	_ = 	snop  }
__scs_overlays_trampoline_lowered:
0x8: {  	[smem:$0x3F8B] =	sst s0  }
0x9: {  	[smem:$0x3F8C] =	sst s1  }
0xa: {  	[smem:$0x3F8D] =	sst s2  }
0xb: {  	[smem:$0x3F8E] =	sst s3  }
0xc: {  	[smem:$0x3F8F] =	sst s4  }
0xd: {  	[smem:$0x3F90] =	sst s5  }
0xe: {  	[smem:$0x3F91] =	sst s6  }
0xf: {  	[smem:$0x3F92] =	sst s7  }
0x10: {  	[smem:$0x3F93] =	sst s8  }
0x11: {  	[smem:$0x3F94] =	sst s9;
	s0 =	simm.s32 @!p0 $0x0  }
0x12: {  	s1 =	sld [smem:$0x3F7A];
	s0 =	simm.s32 @p0 $0x1  }
0x13: {  	[smem:$0x3F95] =	sst s0;
	s0 =	simm.s32 @!p1 $0x0  }
0x14: {  	s2 =	sld [smem:$0x3F79];
	s0 =	simm.s32 @p1 $0x1  }
0x15: {  	[smem:$0x3F96] =	sst s0;
	s0 =	simm.s32 @!p2 $0x0  }
0x16: {  	s3 =	sld [smem:$0x3FDB];
	s0 =	simm.s32 @p2 $0x1  }
0x17: {  	s4 =	simm.s32 $0x1BF5;
	[smem:$0x3F98] =	sst s0  }
0x18: {  	s0 =	sld [smem:$0x3F7B];
	_ =	swait.ge [sflag:s4], $0x0  }
0x19: {  	s7 =	sld [smem:$0x3F7C]  }
0x1a: {  	s8 =	sadd.s32 $0xFFFFE003, lr  }
0x1b: {  	s9 =	sadd.s32 $0xFFFFFEF7, lr;
	s5 =	simm.s32 $0xFFFFFFFF;
	p2 =	slt.u32 s8, $0xFFFFF086  }
0x1c: {  	p1 =	slt.u32 s9, $0xF7A;
	s5 =	simm.s32 @!p2 $0x0  }
0x1d: {  	s5 =	simm.s32 @p1 $0x1;
	p0 =	seq.s32 s7, s2  }
0x1e: {  	s7 =	smul.u32 @!p0 $0xF7A, s2;
	p2 =	seq.s32 @!p0 s5, $0x0  }
0x1f: {  	s9 =	smul.u32 $0xF7A, s1;
	s8 =	simm.s32 @!p0 $0x1BF5;
	p2 =	por !p2, p0  }
0x20: {  	[sflag:s8] =	ssyncset.s32 @!p0 $0xFFFFF086;
	s6 =	sadd.s32 @!p0 s3, s7;
	s7 =	simm.s32 @!p0 $0x108  }
0x21: {  	s3 =	sadd.s32 s3, s9;
	s6 =	sadd.s32 @!p0 $0x88, s6;
	s7 =	simm.s32 @p2 $0x1082  }
0x22: {  	[simem:s7], [sflag:s8] =	dma.local @!p0 [hbm:s6], $0xF7A  }
0x23: {  	s9 =	sor.u32 $0xD0000000, s2;
	s6 =	simm.s32 $0x108;
	_ =	swait.ge @!p0 [sflag:s8], $0x0  }
0x24: {  	s3 =	sadd.s32 $0x88, s3;
	s6 =	simm.s32 @!p1 $0x1082;
	[sflag:s4] =	ssyncset.s32 $0xFFFFF086  }
0x25: {  	[simem:s6], [sflag:s4] =	dma.local [hbm:s3], $0xF7A  }
0x26: {  	[smem:$0x3F7C] =	sst s1;
	(tag) =	ssettag s2;
	_ =	strace s9  }
0x27: {  	s1 =	sld [smem:$0x3F8C]  }
0x28: {  	s2 =	sld [smem:$0x3F8D]  }
0x29: {  	s4 =	sld [smem:$0x3F8F]  }
0x2a: {  	p0 =	seq.s32 s5, $0x0;
	s5 =	sld [smem:$0x3F90]  }
0x2b: {  	s6 =	sld [smem:$0x3F91]  }
0x2c: {  	s7 =	sld [smem:$0x3F92]  }
0x2d: {  	s3 =	simm.s32 $0x108;
	s8 =	sld [smem:$0x3F93]  }
0x2e: {  	s3 =	simm.s32 @!p0 $0x1082;
	s9 =	sld [smem:$0x3F94]  }
0x2f: {  	lr =	sadd.s32 s0, s3;
	s0 =	sld [smem:$0x3F8B]  }
0x30: {  	s3 =	sld [smem:$0x3F8E]  }
0x31: {  	[smem:$0x3F97] =	sst s10  }
0x32: {  	s10 =	sld [smem:$0x3F95];
	_ =	sdelay $0x3  }
0x33: {  	p0 =	seq.s32 s10, $0x1;
	s10 =	sld [smem:$0x3F97];
	_ =	sdelay $0x3  }
0x34: {  	[smem:$0x3F97] =	sst s10  }
0x35: {  	s10 =	sld [smem:$0x3F96];
	_ =	sdelay $0x3  }
0x36: {  	p1 =	seq.s32 s10, $0x1;
	s10 =	sld [smem:$0x3F97];
	_ =	sdelay $0x3  }
0x37: {  	[smem:$0x3F97] =	sst s10  }
0x38: {  	s10 =	sld [smem:$0x3F98]  }
0x39: {  	_ = 	snop;
	(pc) =	sbr.ind lr, $3  }
0x3a: {  	_ = 	snop  }
0x3b: {  	_ = 	snop  }
0x3c: {  	p2 =	seq.s32 s10, $0x1;
	s10 =	sld [smem:$0x3F97]  }
0x3d: {  	_ =	shalt  }
0x3e: {  	_ =	shalt  }
0x3f: {  	_ =	shalt  }
0x40: {  	_ =	shalt  }
0x41: {  	_ =	shalt  }
0x42: {  	_ =	shalt  }
0x43: {  	_ =	shalt  }
0x44: {  	_ =	shalt  }
0x45: {  	_ =	shalt  }
0x46: {  	_ =	shalt  }
0x47: {  	_ =	shalt  }
0x48: {  	_ =	shalt  }
0x49: {  	_ =	shalt  }
0x4a: {  	_ =	shalt  }
0x4b: {  	_ =	shalt  }
0x4c: {  	_ =	shalt  }
0x4d: {  	_ =	shalt  }
0x4e: {  	_ =	shalt  }
0x4f: {  	_ =	shalt  }
0x50: {  	_ =	shalt  }
0x51: {  	_ =	shalt  }
0x52: {  	_ =	shalt  }
0x53: {  	_ =	shalt  }
0x54: {  	_ =	shalt  }
0x55: {  	_ =	shalt  }
0x56: {  	_ =	shalt  }
0x57: {  	_ =	shalt  }
0x58: {  	_ =	shalt  }
0x59: {  	_ =	shalt  }
0x5a: {  	_ =	shalt  }
0x5b: {  	_ =	shalt  }
0x5c: {  	_ =	shalt  }
0x5d: {  	_ =	shalt  }
0x5e: {  	_ =	shalt  }
0x5f: {  	_ =	shalt  }
0x60: {  	_ =	shalt  }
0x61: {  	_ =	shalt  }
0x62: {  	_ =	shalt  }
0x63: {  	_ =	shalt  }
0x64: {  	_ =	shalt  }
0x65: {  	_ =	shalt  }
0x66: {  	_ =	shalt  }
0x67: {  	_ =	shalt  }
0x68: {  	_ =	shalt  }
0x69: {  	_ =	shalt  }
0x6a: {  	_ =	shalt  }
0x6b: {  	_ =	shalt  }
0x6c: {  	_ =	shalt  }
0x6d: {  	_ =	shalt  }
0x6e: {  	_ =	shalt  }
0x6f: {  	_ =	shalt  }
0x70: {  	_ =	shalt  }
0x71: {  	_ =	shalt  }
0x72: {  	_ =	shalt  }
0x73: {  	_ =	shalt  }
0x74: {  	_ =	shalt  }
0x75: {  	_ =	shalt  }
0x76: {  	_ =	shalt  }
0x77: {  	_ =	shalt  }
0x78: {  	_ =	shalt  }
0x79: {  	_ =	shalt  }
0x7a: {  	_ =	shalt  }
0x7b: {  	_ =	shalt  }
0x7c: {  	_ =	shalt  }
0x7d: {  	_ =	shalt  }
0x7e: {  	_ =	shalt  }
0x7f: {  	_ =	shalt  }
0x80: {  	_ =	shalt  }
0x81: {  	_ =	shalt  }
0x82: {  	_ =	shalt  }
0x83: {  	_ =	shalt  }
0x84: {  	_ =	shalt  }
0x85: {  	_ =	shalt  }
0x86: {  	_ =	shalt  }
0x87: {  	_ =	shalt  }
.Lfunc_end0:
.L_simem_size_0:
called_computation_lowered:
.L_overlay_start_0:
0x88: {  	s2 =	sld [smem:$0x3FD9]  }
0x89: {  	s3 =	sld [smem:$0x3FFE];
	_ =	sdelay $0x1  }
0x8a: {  	s1 =	srdreg.scid  }
0x8b: {  	s0 =	sand.u32 $0x1, s1  }
0x8c: {  	s16 =	sshll.u32 s0, $0xA;
	s2 =	sadd.s32 s3, s2  }
0x8d: {  	s2 =	sadd.s32 s2, s16  }
0x8e: {  	[smem:$0x3FA3] =	sst s2  }
0x8f: {  	_ = 	snop  }
0x90: {  	(tm) =	ssettm $0x1  }
0x91: {  	s17 =	sld [smem:$0x3FFB];
	_ =	sdelay $0x3  }
0x92: {  	_ =	strace s17  }
0x93: {  	s2 =	sld [smem:$0x3FFC];
	_ =	sdelay $0x3  }
0x94: {  	_ =	strace s2  }
0x95: {  	s2 =	sld [smem:$0x3FFD];
	_ =	sdelay $0x3  }
0x96: {  	_ =	strace s2  }
0x97: {  	_ =	strace $0x8FFFFFFF  }
0x98: {  	s18 =	sld [smem:$0x3FDB];
	_ =	sdelay $0x1  }
0x99: {  	s19 =	simm.s32 $_scs_section_size  }
0x9a: {  	s4 =	simm.s32 $_size__tile_overlayer_lowered;
	s5 =	simm.s32 $_tile_overlayer_lowered  }
0x9b: {  	s22 =	simm.s32 $0x1BFF;
	s21 =	sshll.u32 s5, $0x1;
	s2 =	sadd.s32 s19, s18  }
0x9c: {  	s6 =	simm.s32 $0x0;
	s20 =	sshll.u32 s4, $0x1;
	s4 =	sadd.s32 s21, s2  }
0x9d: {  	[timem:s6], [sflag:s22] =	dma.local [hbm:s4], s20  }
0x9e: {  	_ =	swait.ge [sflag:s22], s20  }
0x9f: {  	s3 =	ssub.s32 $0x0, s20;
	[sflag:s22] =	ssyncset.done $0x0  }
0xa0: {  	[sflag:s22] =	ssyncadd.s32 s3;
	_ =	sdelay $0x1  }
0xa1: {  	s23 =	simm.s32 $0x1B8B  }
0xa2: {  	_ =	swait.ge [sflag:s23], $0x1  }
0xa3: {  	[sflag:s23] =	ssyncset.done $0x0  }
0xa4: {  	s25 =	simm.s32 $0x1B8E;
	s24 =	sld [smem:$0x3FFE];
	[sflag:s23] =	ssyncadd.s32 $0xFFFFFFFF  }
0xa5: {  	s26 =	simm.s32 $execute0_lowered;
	[smem:$0x3FD2] =	sst s25  }
0xa6: {  	s4 =	sshll.u32 s26, $0x1;
	_ =	strace $0x80000046;
	[dreg:$0x1] =	wrdreg $0xFFFFFFFF  }
0xa7: {  	s28 =	simm.s32 $_size_execute0_lowered;
	s2 =	sadd.s32 s2, s4;
	[dreg:$0x0] =	wrdreg $0x0  }
0xa8: {  	s4 =	sshll.u32 s28, $0x1;
	[dreg:$0x2] =	wrdreg s2  }
0xa9: {  	[dreg:$0x3] =	wrdreg s4  }
0xaa: {  	[dreg:$0x4] =	wrdreg $0xC0  }
0xab: {  	_ =	task [dreg:s6], $0x5FFFF  }
0xac: {  	[dreg:$0x1] =	wrdreg $0xFFFFFFFF  }
0xad: {  	[dreg:$0x0] =	wrdreg $0x60  }
0xae: {  	[dreg:$0x2] =	wrdreg s24  }
0xaf: {  	[dreg:$0x3] =	wrdreg $0x9  }
0xb0: {  	_ =	task.clear_ibuf [dreg:s6], $0x4FFFF;
	_ =	strace $0x90000046  }
0xb1: {  	s29 =	simm.s32 $0x9;
	_ =	strace $0x8000004F  }
0xb2: {  	_ =	swait.ge [sflag:s29], $0x1  }
0xb3: {  	[sflag:s29] =	ssyncadd.s32 $0xFFFFFFFF  }
0xb4: {  	_ =	strace $0x9000004F  }
0xb5: {  	_ =	sfence  }
0xb6: {  	s30 =	sld [smem:$0x0];
	_ =	sdelay $0x2  }
0xb7: {  	s31 =	sshll.u32 s1, $0xD;
	s1 =	sshrl.u32 s1, $0x2  }
0xb8: {  	s3 =	sand.u32 $0x4000, s31;
	s1 =	sadd.s32 s1, s30  }
0xb9: {  	s0 =	sor.u32 s3, s0;
	s1 =	sshll.u32 s1, $0x11  }
0xba: {  	s0 =	sor.u32 s1, s0  }
0xbb: {  	s0 =	sadd.s32 $0x8F2B, s0  }
0xbc: {  	[sflag:s0] =	ssyncadd.remote.s32 $0x1  }
0xbd: {  	_ =	sfence.sel $0xFFFF  }
0xbe: {  	[dreg:$0x0] =	wrdreg $0xFFFFFFFF;
	(pc) =	sbr.abs _section_cstart, $3  }
0xbf: {  	[dreg:$0x1] =	wrdreg $0xFFFFFFFF  }
0xc0: {  	_ =	task.clear_ibuf [dreg:s6], $0x2FFFF;
	_ =	strace $0x9FFFFFFF  }
0xc1: {  	(tm) =	ssettm $0x7FFFFFFF  }
tec
execute0_lowered:
.L_overlay_start_1:
0x0: {  	(tag) =	ssettag $0x1  }
0x1: {  	s4 =	rddreg [dreg:$0x0];
	s1 =	srdreg.scid  }
0x2: {  	s0 =	rddreg [dreg:$0x1];
	s2 =	simm.s32 $0x0;
	s9 =	simm.s32 $0x1  }
0x3: {  	s10 =	simm.s32 $0x80;
	s11 =	simm.s32 $0x0;
	s5 =	sand.u32 $0x1, s1  }
0x4: {  	[smem:$0x7FF] =	sst s2;
	s1 =	stileid.u32;
	s3 =	sshll.u32 s5, $0x4  }
0x5: {  	s6 =	sadd.s32 $0x35EC00, s4;
	s8 =	sadd.s32 $0x66C000, s4;
	s3 =	sor.u32 s1, s3  }
0x6: {  	_ =	strace $0x80000047;
	[dreg:$0x2] =	wrdreg s6;
	s7 =	smul.u32 $0x249, s3  }
0x7: {  	s4 =	sadd.s32 $0x8400, s4;
	[dreg:$0x4] =	wrdreg s8;
	s6 =	smul.u32 $0x24A, s3  }
0x8: {  	s29 =	ssub.s32 $0x2, s5;
	p0 =	slt.u32 s3, $0x1E;
	s3 =	sadd.s32 $0x1E, s7  }
0x9: {  	s5 =	simm.s32 $0x24A;
	[dreg:$0x3] =	wrdreg s10;
	s3 =	smov.u32 @p0 s6  }
0xa: {  	s10 =	simm.s32 $0x5;
	s31 =	sshrl.u32 s29, $0x1;
	s30 =	sshll.u32 s3, $0x4  }
0xb: {  	s8 =	ssub.s32 s29, s31;
	s5 =	simm.s32 @!p0 $0x249;
	s7 =	sand.u32 $0x1FFFFFF0, s30  }
0xc: {  	s8 =	smax.u32 s8, $0x1;
	s6 =	sadd.s32 s4, s7;
	s7 =	sadd.s32 $0xFFFFFFFF, s5  }
.LBB2_1:
0xd: {  	_ =	strace $0x80000048;
	p2 =	sne.s32 s5, $0x1  }
.Ltmp0:
0xe: {  	p0 =	seq.s32 s5, $0x1;
	s13 =	simm.s32 $0x1;
	(pc) =	sbr.rel @!p2 .LBB2_2-.Ltmp0, $4  }
0xf: {  	[tilespmem:s2], [sflag:$0x1] =	stream.linear.gather [hbm4b:s6+s2], $0x80, $0x200038;
	[tilespmem:$0x8100] =	vst v63  }
0x10: {  	s12 =	simm.s32 $0x1;
	p1 =	por $0x1, $0x1;
	s13 =	simm.s32 @p0 $0x0  }
0x11: {  	p6 =	sgt.u32 s7, $0x0;
	p4 =	por p1, p1;
	p3 =	sne.s32 s13, $0x0  }
0x12: {  	_ =	strace $0x90000048;
	p5 =	por !p6, !p3;
	p6 =	por $0x0, $0x0  }
0x13: {  	p2 =	por !p5, !p5  }
0x14: {  	s21 =	sand.u32 $0x1, s2;
	s19 =	simm.s32 $0x2;
	s14 =	sadd.s32 @p2 s3, s13  }
0x15: {  	p1 =	por p3, p3;
	s15 =	sand.u32 @p2 $0x1, s9;
	s14 =	sshll.u32 @p2 s14, $0x4  }
0x16: {  	_ =	strace @p2 $0x80000049;
	s17 =	simm.s32 @p2 $0x0;
	s14 =	sand.u32 @p2 $0x1FFFFFF0, s14  }
0x17: {  	s16 =	sshll.u32 @p2 s15, $0x7;
	s15 =	sadd.s32 @p2 $0x1, s15;
	s14 =	sadd.s32 @p2 s4, s14  }
0x18: {  	[tilespmem:s16], [sflag:s15] =	stream.linear.gather @p2 [hbm4b:s14+s17], $0x80, $0x200038;
	[tilespmem:$0x8100] =	vst v63  }
0x19: {  	s30 =	simm.s32 $0x0;
	p6 =	por $0x0, $0x0;
	_ =	strace @p2 $0x90000049  }
0x1a: {  	p0 =	sne.s32 s5, $0x2;
	s29 =	sadd.s32 $0x1, s21;
	_ =	strace $0x8000004A  }
0x1b: {  	s24 =	sadd.s32 $0x0, s3;
	p5 =	sgt.u32 s7, $0x1;
	_ =	swait.ge [sflag:s29], $0x80  }
0x1c: {  	s23 =	simm.s32 $0x1;
	s22 =	sshll.u32 s21, $0xE;
	[sflag:s29] =	ssyncset.done $0x0  }
0x1d: {  	s22 =	sor.u32 $0x100, s22;
	s16 =	sand.u32 @!p4 $0x1, s2;
	[sflag:s29] =	ssyncadd.s32 $0xFFFFFF80  }
0x1e: {  	s15 =	simm.s32 $0x1;
	s17 =	sadd.s32 $0x1, s13;
	_ =	strace $0x9000004A  }
0x1f: {  	s14 =	sand.u32 $0x80, s30;
	s15 =	simm.s32 @!p2 $0x0;
	_ =	strace $0x8000004B  }
0x20: {  	p2 =	por p4, p4;
	p4 =	por p6, p6;
	s20 =	rddreg [dreg:$0x3]  }
0x21: {  	p3 =	seq.s32 s17, s5;
	p6 =	seq.s32 s7, $0x0;
	s31 =	rddreg [dreg:$0x2]  }
0x22: {  	[tilespmem:s22], [sflag:$0x5] =	stream.indirect.gather [hbm4b:s31+s20], $0x80, s14, s20, $0x2000b8;
	[tilespmem:$0x8100] =	vst v63  }
.Ltmp1:
0x23: {  	s18 =	sadd.s32 $0x1, s15;
	s17 =	simm.s32 @p3 $0x0;
	(pc) =	sbr.rel @!p0 .LBB2_4-.Ltmp1, $4  }
0x24: {  	p1 =	por p6, p1;
	p6 =	por $0x0, $0x0;
	_ =	swait.ge [sflag:s10], $0x4000  }
0x25: {  	s15 =	simm.s32 $0x0;
	p3 =	sne.s32 s13, s17;
	[sflag:s10] =	ssyncset.done $0x0  }
0x26: {  	s23 =	simm.s32 @!p6 $0x0;
	p5 =	por !p5, !p3;
	[sflag:s10] =	ssyncadd.s32 $0xFFFFC000  }
0x27: {  	s14 =	simm.s32 $0x0;
	s20 =	simm.s32 $0x0;
	_ =	strace $0x9000004B  }
.LBB2_5:
0x28: {  	_ =	strace @p1 $0x8000004C;
	s14 =	sadd.s32 s23, s14;
	s23 =	smov.u32 s12  }
0x29: {  	s12 =	smov.u32 s19;
	s19 =	sadd.s32 $0x1, s19;
	p0 =	por p3, p3  }
0x2a: {  	s29 =	sshll.u32 @p1 s24, $0xB;
	s21 =	sadd.s32 @p1 $0x3, s21;
	s25 =	simm.s32 @!p0 $0x0  }
0x2b: {  	s26 =	rddreg [dreg:$0x4];
	s29 =	sand.u32 @p1 $0x1FFFF800, s29;
	s25 =	simm.s32 @p0 $0x1  }
0x2c: {  	s26 =	sadd.s32 @p1 s26, s29;
	s29 =	simm.s32 @p1 $0x0;
	p0 =	sne.s32 s5, s19  }
0x2d: {  	[hbm4b:s26+s29] =	stream.linear.scatter @p1 [tilespmem:s22], [sflag:s21], $0x4000, $0x200038;
	[tilespmem:$0x8100] =	vst v63  }
0x2e: {  	s21 =	sadd.s32 @!p2 $0x3, s16;
	s16 =	simm.s32 @!p0 $0x0  }
0x2f: {  	s28 =	simm.s32 $0x1;
	[smem:$0x7FC] =	sst s25;
	s16 =	simm.s32 @p0 $0x1  }
0x30: {  	s28 =	simm.s32 @!p1 $0x0;
	_ =	strace @p1 $0x9000004C;
	[smem:$0x7FD] =	sst s16  }
0x31: {  	s20 =	sadd.s32 s28, s20;
	s25 =	sand.u32 @!p4 $0x1, s14;
	_ =	strace @!p2 $0x8000004D  }
0x32: {  	p1 =	por !p5, !p5;
	s16 =	smov.u32 s25;
	_ =	swait.ge @!p2 [sflag:s21], $0x4000  }
0x33: {  	s22 =	sand.u32 @p1 $0x1, s18;
	s25 =	sadd.s32 @p1 s3, s17;
	[sflag:s21] =	ssyncset.done @!p2 $0x0  }
0x34: {  	s26 =	sshll.u32 @p1 s22, $0x7;
	s25 =	sshll.u32 @p1 s25, $0x4;
	[sflag:s21] =	ssyncadd.s32 @!p2 $0xFFFFC000  }
0x35: {  	s21 =	sadd.s32 @p1 $0x1, s22;
	s22 =	sand.u32 @p1 $0x1FFFFFF0, s25;
	_ =	strace @!p2 $0x9000004D  }
0x36: {  	s25 =	simm.s32 @p1 $0x0;
	s22 =	sadd.s32 @p1 s4, s22;
	_ =	strace @p1 $0x80000049  }
0x37: {  	[tilespmem:s26], [sflag:s21] =	stream.linear.gather @p1 [hbm4b:s22+s25], $0x80, $0x200038;
	[tilespmem:$0x8100] =	vst v63  }
0x38: {  	s15 =	sadd.s32 s28, s15;
	s28 =	sand.u32 $0x1, s20;
	_ =	strace @p1 $0x90000049  }
0x39: {  	s28 =	sadd.s32 $0x1, s28;
	_ =	strace $0x8000004A  }
0x3a: {  	_ =	swait.ge [sflag:s28], $0x80  }
0x3b: {  	[sflag:s28] =	ssyncset.done $0x0  }
0x3c: {  	s21 =	simm.s32 $0x1;
	[sflag:s28] =	ssyncadd.s32 $0xFFFFFF80  }
0x3d: {  	s21 =	simm.s32 @!p1 $0x0;
	_ =	strace $0x9000004A  }
0x3e: {  	s18 =	sadd.s32 s21, s18;
	s21 =	sand.u32 $0x1, s15;
	_ =	strace $0x8000004B  }
0x3f: {  	s31 =	sshll.u32 s20, $0x7;
	s29 =	sshll.u32 s21, $0xE;
	s25 =	rddreg [dreg:$0x3]  }
0x40: {  	s31 =	sand.u32 $0x80, s31;
	s22 =	sor.u32 $0x100, s29;
	s26 =	rddreg [dreg:$0x2]  }
0x41: {  	[tilespmem:s22], [sflag:$0x5] =	stream.indirect.gather [hbm4b:s26+s25], $0x80, s31, s25, $0x2000b8;
	[tilespmem:$0x8100] =	vst v63  }
0x42: {  	_ =	swait.ge [sflag:s10], $0x4000  }
0x43: {  	[sflag:s10] =	ssyncset.done $0x0  }
0x44: {  	[sflag:s10] =	ssyncadd.s32 $0xFFFFC000  }
0x45: {  	s30 =	sadd.s32 $0x1, s17;
	_ =	strace $0x9000004B  }
0x46: {  	s24 =	sadd.s32 s3, s13;
	s13 =	smov.u32 s17;
	s31 =	sld [smem:$0x7FD]  }
0x47: {  	p0 =	sne.s32 s23, $0x0;
	s17 =	smov.u32 s30;
	p1 =	seq.s32 s30, s5  }
0x48: {  	s17 =	simm.s32 @p1 $0x0;
	p1 =	seq.s32 s7, s23;
	s23 =	simm.s32 $0x1  }
0x49: {  	s23 =	simm.s32 @!p0 $0x0;
	p0 =	seq.s32 s31, $0x1  }
.Ltmp2:
0x4a: {  	s30 =	sld [smem:$0x7FC];
	(pc) =	sbr.rel @p0 .LBB2_5-.Ltmp2, $4  }
0x4b: {  	p3 =	seq.s32 s12, $0x0  }
0x4c: {  	p6 =	por p3, p3;
	p5 =	slt.u32 s12, s7  }
0x4d: {  	p2 =	por p4, p4;
	p3 =	sne.s32 s13, s17;
	p4 =	seq.s32 s30, $0x1  }
0x4e: {  	p5 =	por !p5, !p3;
	p1 =	por p1, p4;
	p4 =	por p6, p6  }
0x4f: {  	p6 =	por $0x1, $0x1  }
.LBB2_7:
0x50: {  	p0 =	por !p1, !p6  }
0x51: {  	s25 =	simm.s32 $0x1;
	_ =	strace @!p0 $0x8000004C;
	s24 =	sshll.u32 @!p0 s24, $0xB  }
0x52: {  	p2 =	por p2, !p6;
	s19 =	rddreg [dreg:$0x4];
	s24 =	sand.u32 @!p0 $0x1FFFF800, s24  }
0x53: {  	s21 =	sadd.s32 @!p0 $0x3, s21;
	s19 =	sadd.s32 @!p0 s19, s24;
	s24 =	simm.s32 @!p0 $0x0  }
0x54: {  	[hbm4b:s19+s24] =	stream.linear.scatter @!p0 [tilespmem:s22], [sflag:s21], $0x4000, $0x200038;
	[tilespmem:$0x8100] =	vst v63  }
0x55: {  	p1 =	por !p5, !p5;
	s25 =	simm.s32 @p0 $0x0;
	_ =	strace @!p0 $0x9000004C  }
0x56: {  	s16 =	sadd.s32 @!p2 $0x3, s16;
	s17 =	sadd.s32 @p1 s3, s17;
	_ =	strace @!p2 $0x8000004D  }
0x57: {  	s18 =	sand.u32 @p1 $0x1, s18;
	s17 =	sshll.u32 @p1 s17, $0x4;
	_ =	swait.ge @!p2 [sflag:s16], $0x4000  }
0x58: {  	s17 =	sand.u32 @p1 $0x1FFFFFF0, s17;
	s19 =	sadd.s32 @p6 s25, s20;
	[sflag:s16] =	ssyncset.done @!p2 $0x0  }
0x59: {  	s20 =	simm.s32 $0x0;
	s17 =	sadd.s32 @p1 s4, s17;
	[sflag:s16] =	ssyncadd.s32 @!p2 $0xFFFFC000  }
0x5a: {  	s20 =	smov.u32 @p6 s19;
	s19 =	sshll.u32 @p1 s18, $0x7;
	_ =	strace @!p2 $0x9000004D  }
0x5b: {  	s16 =	sadd.s32 @p1 $0x1, s18;
	s18 =	simm.s32 @p1 $0x0;
	_ =	strace @p1 $0x80000049  }
0x5c: {  	[tilespmem:s19], [sflag:s16] =	stream.linear.gather @p1 [hbm4b:s17+s18], $0x80, $0x200038;
	[tilespmem:$0x8100] =	vst v63  }
0x5d: {  	s26 =	sand.u32 $0x1, s20;
	_ =	strace @p1 $0x90000049  }
0x5e: {  	s16 =	sadd.s32 $0x1, s26;
	_ =	strace $0x8000004A  }
0x5f: {  	_ =	swait.ge [sflag:s16], $0x80  }
0x60: {  	[sflag:s16] =	ssyncset.done $0x0  }
0x61: {  	s15 =	sadd.s32 @p6 s25, s15;
	[sflag:s16] =	ssyncadd.s32 $0xFFFFFF80;
	s16 =	simm.s32 $0x0  }
0x62: {  	_ =	strace $0x9000004A;
	s16 =	smov.u32 @p6 s15  }
0x63: {  	_ =	strace $0x8000004B;
	s16 =	sand.u32 $0x1, s16  }
0x64: {  	s30 =	sshll.u32 s20, $0x7;
	s28 =	rddreg [dreg:$0x3];
	s31 =	sshll.u32 s16, $0xE  }
0x65: {  	s18 =	sand.u32 $0x80, s30;
	s29 =	rddreg [dreg:$0x2];
	s19 =	sor.u32 $0x100, s31  }
0x66: {  	[tilespmem:s19], [sflag:$0x5] =	stream.indirect.gather [hbm4b:s29+s28], $0x80, s18, s28, $0x2000b8;
	[tilespmem:$0x8100] =	vst v63  }
0x67: {  	_ =	swait.ge [sflag:s10], $0x4000  }
0x68: {  	p3 =	por p3, p3;
	[sflag:s10] =	ssyncset.done $0x0  }
0x69: {  	p5 =	seq.s32 s7, s12;
	s13 =	sadd.s32 s3, s13;
	[sflag:s10] =	ssyncadd.s32 $0xFFFFC000  }
0x6a: {  	s14 =	sadd.s32 @p6 s23, s14;
	p1 =	por p5, p3;
	_ =	strace $0x9000004B  }
0x6b: {  	s17 =	simm.s32 $0x0;
	s13 =	sshll.u32 @p1 s13, $0xB;
	_ =	strace @p1 $0x8000004C  }
0x6c: {  	s17 =	smov.u32 @p6 s14;
	s13 =	sand.u32 @p1 $0x1FFFF800, s13;
	s15 =	rddreg [dreg:$0x4]  }
0x6d: {  	s14 =	sadd.s32 @p1 $0x3, s16;
	s13 =	sadd.s32 @p1 s15, s13;
	s15 =	simm.s32 @p1 $0x0  }
0x6e: {  	[hbm4b:s13+s15] =	stream.linear.scatter @p1 [tilespmem:s19], [sflag:s14], $0x4000, $0x200038;
	[tilespmem:$0x8100] =	vst v63  }
0x6f: {  	p0 =	por p4, p4;
	s13 =	sand.u32 @!p4 $0x1, s17;
	_ =	strace @p1 $0x9000004C  }
0x70: {  	s13 =	sadd.s32 @!p0 $0x3, s13;
	_ =	strace @!p0 $0x8000004D  }
0x71: {  	p1 =	sne.s32 s12, $0x0;
	s12 =	simm.s32 $0x1;
	_ =	swait.ge @!p0 [sflag:s13], $0x4000  }
0x72: {  	s12 =	simm.s32 @!p1 $0x0;
	[sflag:s13] =	ssyncset.done @!p0 $0x0  }
0x73: {  	s11 =	sadd.s32 $0x1, s11;
	s12 =	sadd.s32 s12, s17;
	[sflag:s13] =	ssyncadd.s32 @!p0 $0xFFFFC000  }
0x74: {  	s12 =	sand.u32 $0x1, s12;
	_ =	strace @!p0 $0x9000004D;
	p0 =	sne.s32 s11, s8  }
.Ltmp3:
0x75: {  	s12 =	sadd.s32 $0x3, s12;
	_ =	strace $0x8000004E;
	(pc) =	sbr.rel @p0 .LBB2_1-.Ltmp3, $4  }
.Ltmp4:
0x76: {  	_ =	swait.ge [sflag:s12], $0x4000;
	(pc) =	sbr.rel @!p0 .LBB2_8-.Ltmp4, $4  }
0x77: {  	[sflag:s12] =	ssyncset.done $0x0  }
0x78: {  	[sflag:s12] =	ssyncadd.s32 $0xFFFFC000  }
0x79: {  	_ =	strace $0x9000004E  }
0x7a: {  	_ = 	snop  }
.LBB2_2:
.Ltmp5:
0x7b: {  	(pc) =	sbr.rel .LBB2_7-.Ltmp5, $4  }
0x7c: {  	_ = 	snop  }
0x7d: {  	s14 =	simm.s32 $0x0  }
0x7e: {  	s12 =	simm.s32 $0x0;
	s15 =	simm.s32 $0x0;
	s17 =	smov.u32 s13  }
0x7f: {  	s20 =	simm.s32 $0x0;
	s18 =	simm.s32 $0x1;
	s13 =	simm.s32 $0x0  }
.LBB2_4:
.Ltmp6:
0x80: {  	(pc) =	sbr.rel .LBB2_7-.Ltmp6, $3  }
0x81: {  	_ =	sdelay $0x1  }
0x82: {  	s14 =	simm.s32 $0x0  }
0x83: {  	s15 =	simm.s32 $0x0;
	s20 =	simm.s32 $0x0;
	p6 =	por $0x1, $0x1  }
.LBB2_8:
0x84: {  	_ =	sfence.sel $0x180000  }
0x85: {  	[bflag:$0x0] =	sbarrier.arrive $0xFFFF  }
0x86: {  	p0 =	sne.s32 s1, $0x0;
	_ =	strace $0x90000047  }
0x87: {  	s0 =	sadd.s32 @!p0 $0x100000, s0;
	[bflag:$0x2] =	sbarrier.arrive $0xFFFF  }
0x88: {  	[sflag:s0] =	ssyncadd.tile.s32 @!p0 $0x1;
	_ =	shalt  }
.Lfunc_end2:
_tile_overlayer_lowered:
.L_overlay_start_2:
0x89: {  	(tag) =	ssettag $0x2  }
0x8a: {  	s0 =	rddreg [dreg:$0x0];
	s2 =	stileid.u32  }
0x8b: {  	s1 =	rddreg [dreg:$0x1];
	p0 =	sne.s32 s2, $0x0  }
0x8c: {  	s3 =	rddreg [dreg:$0x2];
	[bflag:$0x3] =	sbarrier.arrive $0xFFFF;
	s2 =	simm.s32 @!p0 $0x1C01  }
0x8d: {  	[timem:s3], [sflag:s2] =	dma.local @!p0 [hbm:s0], s1  }
0x8e: {  	s0 =	simm.s32 @!p0 $0x1  }
0x8f: {  	_ =	swait.ge @!p0 [sflag:s0], s1  }
0x90: {  	s1 =	ssub.s32 @!p0 $0x0, s1;
	[sflag:s0] =	ssyncset.done @!p0 $0x0  }
0x91: {  	[sflag:s0] =	ssyncadd.s32 @!p0 s1  }
0x92: {  	[bflag:$0x3] =	sbarrier.arrive $0xFFFF  }
0x93: {  	_ =	shalt  }

// kernel: kernel.23.cloned.1.call-start
scs
__scs_entry_jumppad:
0x0: {  	(pc) =	sbr.rel $0x88, $3  }
0x1: {  	(tag) =	ssettag $0x0;
	lr =	simm.s32 $0x1  }
0x2: {  	[smem:$0x3F7C] =	sst lr;
	_ =	strace $0xD0000000  }
0x3: {  	_ = 	snop  }
0x4: {  	_ = 	snop  }
0x5: {  	_ = 	snop  }
0x6: {  	_ = 	snop  }
0x7: {  	_ = 	snop  }
__scs_overlays_trampoline_lowered:
0x8: {  	[smem:$0x3F8B] =	sst s0  }
0x9: {  	[smem:$0x3F8C] =	sst s1  }
0xa: {  	[smem:$0x3F8D] =	sst s2  }
0xb: {  	[smem:$0x3F8E] =	sst s3  }
0xc: {  	[smem:$0x3F8F] =	sst s4  }
0xd: {  	[smem:$0x3F90] =	sst s5  }
0xe: {  	[smem:$0x3F91] =	sst s6  }
0xf: {  	[smem:$0x3F92] =	sst s7  }
0x10: {  	[smem:$0x3F93] =	sst s8  }
0x11: {  	[smem:$0x3F94] =	sst s9;
	s0 =	simm.s32 @!p0 $0x0  }
0x12: {  	s1 =	sld [smem:$0x3F7A];
	s0 =	simm.s32 @p0 $0x1  }
0x13: {  	[smem:$0x3F95] =	sst s0;
	s0 =	simm.s32 @!p1 $0x0  }
0x14: {  	s2 =	sld [smem:$0x3F79];
	s0 =	simm.s32 @p1 $0x1  }
0x15: {  	[smem:$0x3F96] =	sst s0;
	s0 =	simm.s32 @!p2 $0x0  }
0x16: {  	s3 =	sld [smem:$0x3FDB];
	s0 =	simm.s32 @p2 $0x1  }
0x17: {  	s4 =	simm.s32 $0x1BF5;
	[smem:$0x3F98] =	sst s0  }
0x18: {  	s0 =	sld [smem:$0x3F7B];
	_ =	swait.ge [sflag:s4], $0x0  }
0x19: {  	s7 =	sld [smem:$0x3F7C]  }
0x1a: {  	s8 =	sadd.s32 $0xFFFFE003, lr  }
0x1b: {  	s9 =	sadd.s32 $0xFFFFFEF7, lr;
	s5 =	simm.s32 $0xFFFFFFFF;
	p2 =	slt.u32 s8, $0xFFFFF086  }
0x1c: {  	p1 =	slt.u32 s9, $0xF7A;
	s5 =	simm.s32 @!p2 $0x0  }
0x1d: {  	s5 =	simm.s32 @p1 $0x1;
	p0 =	seq.s32 s7, s2  }
0x1e: {  	s7 =	smul.u32 @!p0 $0xF7A, s2;
	p2 =	seq.s32 @!p0 s5, $0x0  }
0x1f: {  	s9 =	smul.u32 $0xF7A, s1;
	s8 =	simm.s32 @!p0 $0x1BF5;
	p2 =	por !p2, p0  }
0x20: {  	[sflag:s8] =	ssyncset.s32 @!p0 $0xFFFFF086;
	s6 =	sadd.s32 @!p0 s3, s7;
	s7 =	simm.s32 @!p0 $0x108  }
0x21: {  	s3 =	sadd.s32 s3, s9;
	s6 =	sadd.s32 @!p0 $0x88, s6;
	s7 =	simm.s32 @p2 $0x1082  }
0x22: {  	[simem:s7], [sflag:s8] =	dma.local @!p0 [hbm:s6], $0xF7A  }
0x23: {  	s9 =	sor.u32 $0xD0000000, s2;
	s6 =	simm.s32 $0x108;
	_ =	swait.ge @!p0 [sflag:s8], $0x0  }
0x24: {  	s3 =	sadd.s32 $0x88, s3;
	s6 =	simm.s32 @!p1 $0x1082;
	[sflag:s4] =	ssyncset.s32 $0xFFFFF086  }
0x25: {  	[simem:s6], [sflag:s4] =	dma.local [hbm:s3], $0xF7A  }
0x26: {  	[smem:$0x3F7C] =	sst s1;
	(tag) =	ssettag s2;
	_ =	strace s9  }
0x27: {  	s1 =	sld [smem:$0x3F8C]  }
0x28: {  	s2 =	sld [smem:$0x3F8D]  }
0x29: {  	s4 =	sld [smem:$0x3F8F]  }
0x2a: {  	p0 =	seq.s32 s5, $0x0;
	s5 =	sld [smem:$0x3F90]  }
0x2b: {  	s6 =	sld [smem:$0x3F91]  }
0x2c: {  	s7 =	sld [smem:$0x3F92]  }
0x2d: {  	s3 =	simm.s32 $0x108;
	s8 =	sld [smem:$0x3F93]  }
0x2e: {  	s3 =	simm.s32 @!p0 $0x1082;
	s9 =	sld [smem:$0x3F94]  }
0x2f: {  	lr =	sadd.s32 s0, s3;
	s0 =	sld [smem:$0x3F8B]  }
0x30: {  	s3 =	sld [smem:$0x3F8E]  }
0x31: {  	[smem:$0x3F97] =	sst s10  }
0x32: {  	s10 =	sld [smem:$0x3F95];
	_ =	sdelay $0x3  }
0x33: {  	p0 =	seq.s32 s10, $0x1;
	s10 =	sld [smem:$0x3F97];
	_ =	sdelay $0x3  }
0x34: {  	[smem:$0x3F97] =	sst s10  }
0x35: {  	s10 =	sld [smem:$0x3F96];
	_ =	sdelay $0x3  }
0x36: {  	p1 =	seq.s32 s10, $0x1;
	s10 =	sld [smem:$0x3F97];
	_ =	sdelay $0x3  }
0x37: {  	[smem:$0x3F97] =	sst s10  }
0x38: {  	s10 =	sld [smem:$0x3F98]  }
0x39: {  	_ = 	snop;
	(pc) =	sbr.ind lr, $3  }
0x3a: {  	_ = 	snop  }
0x3b: {  	_ = 	snop  }
0x3c: {  	p2 =	seq.s32 s10, $0x1;
	s10 =	sld [smem:$0x3F97]  }
0x3d: {  	_ =	shalt  }
0x3e: {  	_ =	shalt  }
0x3f: {  	_ =	shalt  }
0x40: {  	_ =	shalt  }
0x41: {  	_ =	shalt  }
0x42: {  	_ =	shalt  }
0x43: {  	_ =	shalt  }
0x44: {  	_ =	shalt  }
0x45: {  	_ =	shalt  }
0x46: {  	_ =	shalt  }
0x47: {  	_ =	shalt  }
0x48: {  	_ =	shalt  }
0x49: {  	_ =	shalt  }
0x4a: {  	_ =	shalt  }
0x4b: {  	_ =	shalt  }
0x4c: {  	_ =	shalt  }
0x4d: {  	_ =	shalt  }
0x4e: {  	_ =	shalt  }
0x4f: {  	_ =	shalt  }
0x50: {  	_ =	shalt  }
0x51: {  	_ =	shalt  }
0x52: {  	_ =	shalt  }
0x53: {  	_ =	shalt  }
0x54: {  	_ =	shalt  }
0x55: {  	_ =	shalt  }
0x56: {  	_ =	shalt  }
0x57: {  	_ =	shalt  }
0x58: {  	_ =	shalt  }
0x59: {  	_ =	shalt  }
0x5a: {  	_ =	shalt  }
0x5b: {  	_ =	shalt  }
0x5c: {  	_ =	shalt  }
0x5d: {  	_ =	shalt  }
0x5e: {  	_ =	shalt  }
0x5f: {  	_ =	shalt  }
0x60: {  	_ =	shalt  }
0x61: {  	_ =	shalt  }
0x62: {  	_ =	shalt  }
0x63: {  	_ =	shalt  }
0x64: {  	_ =	shalt  }
0x65: {  	_ =	shalt  }
0x66: {  	_ =	shalt  }
0x67: {  	_ =	shalt  }
0x68: {  	_ =	shalt  }
0x69: {  	_ =	shalt  }
0x6a: {  	_ =	shalt  }
0x6b: {  	_ =	shalt  }
0x6c: {  	_ =	shalt  }
0x6d: {  	_ =	shalt  }
0x6e: {  	_ =	shalt  }
0x6f: {  	_ =	shalt  }
0x70: {  	_ =	shalt  }
0x71: {  	_ =	shalt  }
0x72: {  	_ =	shalt  }
0x73: {  	_ =	shalt  }
0x74: {  	_ =	shalt  }
0x75: {  	_ =	shalt  }
0x76: {  	_ =	shalt  }
0x77: {  	_ =	shalt  }
0x78: {  	_ =	shalt  }
0x79: {  	_ =	shalt  }
0x7a: {  	_ =	shalt  }
0x7b: {  	_ =	shalt  }
0x7c: {  	_ =	shalt  }
0x7d: {  	_ =	shalt  }
0x7e: {  	_ =	shalt  }
0x7f: {  	_ =	shalt  }
0x80: {  	_ =	shalt  }
0x81: {  	_ =	shalt  }
0x82: {  	_ =	shalt  }
0x83: {  	_ =	shalt  }
0x84: {  	_ =	shalt  }
0x85: {  	_ =	shalt  }
0x86: {  	_ =	shalt  }
0x87: {  	_ =	shalt  }
.Lfunc_end0:
.L_simem_size_0:
called_computation.1_lowered:
.L_overlay_start_0:
0x88: {  	s2 =	sld [smem:$0x3FD9]  }
0x89: {  	s3 =	sld [smem:$0x3FFE];
	_ =	sdelay $0x1  }
0x8a: {  	s1 =	srdreg.scid  }
0x8b: {  	s0 =	sand.u32 $0x1, s1  }
0x8c: {  	s16 =	sshll.u32 s0, $0xA;
	s2 =	sadd.s32 s3, s2  }
0x8d: {  	s2 =	sadd.s32 s2, s16  }
0x8e: {  	[smem:$0x3FA3] =	sst s2  }
0x8f: {  	_ = 	snop  }
0x90: {  	(tm) =	ssettm $0x1  }
0x91: {  	s17 =	sld [smem:$0x3FFB];
	_ =	sdelay $0x3  }
0x92: {  	_ =	strace s17  }
0x93: {  	s2 =	sld [smem:$0x3FFC];
	_ =	sdelay $0x3  }
0x94: {  	_ =	strace s2  }
0x95: {  	s2 =	sld [smem:$0x3FFD];
	_ =	sdelay $0x3  }
0x96: {  	_ =	strace s2  }
0x97: {  	_ =	strace $0x8FFFFFFF  }
0x98: {  	s18 =	sld [smem:$0x3FDB];
	_ =	sdelay $0x1  }
0x99: {  	s19 =	simm.s32 $_scs_section_size  }
0x9a: {  	s4 =	simm.s32 $_size__tile_overlayer_lowered;
	s5 =	simm.s32 $_tile_overlayer_lowered  }
0x9b: {  	s22 =	simm.s32 $0x1BFF;
	s21 =	sshll.u32 s5, $0x1;
	s2 =	sadd.s32 s19, s18  }
0x9c: {  	s6 =	simm.s32 $0x0;
	s20 =	sshll.u32 s4, $0x1;
	s4 =	sadd.s32 s21, s2  }
0x9d: {  	[timem:s6], [sflag:s22] =	dma.local [hbm:s4], s20  }
0x9e: {  	_ =	swait.ge [sflag:s22], s20  }
0x9f: {  	s3 =	ssub.s32 $0x0, s20;
	[sflag:s22] =	ssyncset.done $0x0  }
0xa0: {  	[sflag:s22] =	ssyncadd.s32 s3;
	_ =	sdelay $0x1  }
0xa1: {  	s23 =	simm.s32 $0x1B8B  }
0xa2: {  	_ =	swait.ge [sflag:s23], $0x1  }
0xa3: {  	[sflag:s23] =	ssyncset.done $0x0  }
0xa4: {  	s25 =	simm.s32 $0x1B8E;
	s24 =	sld [smem:$0x3FFE];
	[sflag:s23] =	ssyncadd.s32 $0xFFFFFFFF  }
0xa5: {  	s26 =	simm.s32 $execute0_lowered;
	[smem:$0x3FD2] =	sst s25  }
0xa6: {  	s4 =	sshll.u32 s26, $0x1;
	_ =	strace $0x80000050;
	[dreg:$0x1] =	wrdreg $0xFFFFFFFF  }
0xa7: {  	s28 =	simm.s32 $_size_execute0_lowered;
	s2 =	sadd.s32 s2, s4;
	[dreg:$0x0] =	wrdreg $0x0  }
0xa8: {  	s4 =	sshll.u32 s28, $0x1;
	[dreg:$0x2] =	wrdreg s2  }
0xa9: {  	[dreg:$0x3] =	wrdreg s4  }
0xaa: {  	[dreg:$0x4] =	wrdreg $0xC0  }
0xab: {  	_ =	task [dreg:s6], $0x5FFFF  }
0xac: {  	[dreg:$0x1] =	wrdreg $0xFFFFFFFF  }
0xad: {  	[dreg:$0x0] =	wrdreg $0x60  }
0xae: {  	[dreg:$0x2] =	wrdreg s24  }
0xaf: {  	[dreg:$0x3] =	wrdreg $0x9  }
0xb0: {  	_ =	task.clear_ibuf [dreg:s6], $0x4FFFF;
	_ =	strace $0x90000050  }
0xb1: {  	s29 =	simm.s32 $0x9;
	_ =	strace $0x80000059  }
0xb2: {  	_ =	swait.ge [sflag:s29], $0x1  }
0xb3: {  	[sflag:s29] =	ssyncadd.s32 $0xFFFFFFFF  }
0xb4: {  	_ =	strace $0x90000059  }
0xb5: {  	_ =	sfence  }
0xb6: {  	s30 =	sld [smem:$0x0];
	_ =	sdelay $0x2  }
0xb7: {  	s31 =	sshll.u32 s1, $0xD;
	s1 =	sshrl.u32 s1, $0x2  }
0xb8: {  	s3 =	sand.u32 $0x4000, s31;
	s1 =	sadd.s32 s1, s30  }
0xb9: {  	s0 =	sor.u32 s3, s0;
	s1 =	sshll.u32 s1, $0x11  }
0xba: {  	s0 =	sor.u32 s1, s0  }
0xbb: {  	s0 =	sadd.s32 $0x8F2B, s0  }
0xbc: {  	[sflag:s0] =	ssyncadd.remote.s32 $0x1  }
0xbd: {  	_ =	sfence.sel $0xFFFF  }
0xbe: {  	[dreg:$0x0] =	wrdreg $0xFFFFFFFF;
	(pc) =	sbr.abs _section_cstart, $3  }
0xbf: {  	[dreg:$0x1] =	wrdreg $0xFFFFFFFF  }
0xc0: {  	_ =	task.clear_ibuf [dreg:s6], $0x2FFFF;
	_ =	strace $0x9FFFFFFF  }
0xc1: {  	(tm) =	ssettm $0x7FFFFFFF  }
tec
execute0_lowered:
.L_overlay_start_1:
0x0: {  	(tag) =	ssettag $0x1  }
0x1: {  	s4 =	rddreg [dreg:$0x0];
	s1 =	srdreg.scid  }
0x2: {  	s0 =	rddreg [dreg:$0x1];
	s2 =	simm.s32 $0x0;
	s9 =	simm.s32 $0x1  }
0x3: {  	s10 =	simm.s32 $0x80;
	s11 =	simm.s32 $0x0;
	s5 =	sand.u32 $0x1, s1  }
0x4: {  	s1 =	stileid.u32;
	[smem:$0x7FF] =	sst s2;
	s3 =	sshll.u32 s5, $0x4  }
0x5: {  	s6 =	sadd.s32 $0x1ED6000, s4;
	s8 =	sadd.s32 $0x3D5A800, s4;
	s3 =	sor.u32 s1, s3  }
0x6: {  	_ =	strace $0x80000051;
	[dreg:$0x2] =	wrdreg s6;
	s7 =	smul.u32 $0x249, s3  }
0x7: {  	s4 =	sadd.s32 $0x8400, s4;
	[dreg:$0x4] =	wrdreg s8;
	s6 =	smul.u32 $0x24A, s3  }
0x8: {  	s29 =	ssub.s32 $0x2, s5;
	p0 =	slt.u32 s3, $0x1E;
	s3 =	sadd.s32 $0x1E, s7  }
0x9: {  	s5 =	simm.s32 $0x24A;
	[dreg:$0x3] =	wrdreg s10;
	s3 =	smov.u32 @p0 s6  }
0xa: {  	s10 =	simm.s32 $0x5;
	s31 =	sshrl.u32 s29, $0x1;
	s30 =	sshll.u32 s3, $0x4  }
0xb: {  	s8 =	ssub.s32 s29, s31;
	s5 =	simm.s32 @!p0 $0x249;
	s7 =	sand.u32 $0x1FFFFFF0, s30  }
0xc: {  	s8 =	smax.u32 s8, $0x1;
	s6 =	sadd.s32 s4, s7;
	s7 =	sadd.s32 $0xFFFFFFFF, s5  }
.LBB2_1:
0xd: {  	_ =	strace $0x80000052;
	p2 =	sne.s32 s5, $0x1  }
.Ltmp0:
0xe: {  	p0 =	seq.s32 s5, $0x1;
	s13 =	simm.s32 $0x1;
	(pc) =	sbr.rel @!p2 .LBB2_2-.Ltmp0, $4  }
0xf: {  	[tilespmem:s2], [sflag:$0x1] =	stream.linear.gather [hbm4b:s6+s2], $0x80, $0x200038;
	[tilespmem:$0x8100] =	vst v63  }
0x10: {  	s12 =	simm.s32 $0x1;
	p1 =	por $0x1, $0x1;
	s13 =	simm.s32 @p0 $0x0  }
0x11: {  	p6 =	sgt.u32 s7, $0x0;
	p4 =	por p1, p1;
	p3 =	sne.s32 s13, $0x0  }
0x12: {  	_ =	strace $0x90000052;
	p5 =	por !p6, !p3;
	p6 =	por $0x0, $0x0  }
0x13: {  	p2 =	por !p5, !p5  }
0x14: {  	s21 =	sand.u32 $0x1, s2;
	s19 =	simm.s32 $0x2;
	s14 =	sadd.s32 @p2 s3, s13  }
0x15: {  	p1 =	por p3, p3;
	s15 =	sand.u32 @p2 $0x1, s9;
	s14 =	sshll.u32 @p2 s14, $0x4  }
0x16: {  	_ =	strace @p2 $0x80000053;
	s17 =	simm.s32 @p2 $0x0;
	s14 =	sand.u32 @p2 $0x1FFFFFF0, s14  }
0x17: {  	s16 =	sshll.u32 @p2 s15, $0x7;
	s15 =	sadd.s32 @p2 $0x1, s15;
	s14 =	sadd.s32 @p2 s4, s14  }
0x18: {  	[tilespmem:s16], [sflag:s15] =	stream.linear.gather @p2 [hbm4b:s14+s17], $0x80, $0x200038;
	[tilespmem:$0x8100] =	vst v63  }
0x19: {  	s30 =	simm.s32 $0x0;
	p6 =	por $0x0, $0x0;
	_ =	strace @p2 $0x90000053  }
0x1a: {  	p0 =	sne.s32 s5, $0x2;
	s29 =	sadd.s32 $0x1, s21;
	_ =	strace $0x80000054  }
0x1b: {  	s24 =	sadd.s32 $0x0, s3;
	p5 =	sgt.u32 s7, $0x1;
	_ =	swait.ge [sflag:s29], $0x80  }
0x1c: {  	s23 =	simm.s32 $0x1;
	s22 =	sshll.u32 s21, $0xE;
	[sflag:s29] =	ssyncset.done $0x0  }
0x1d: {  	s22 =	sor.u32 $0x100, s22;
	s16 =	sand.u32 @!p4 $0x1, s2;
	[sflag:s29] =	ssyncadd.s32 $0xFFFFFF80  }
0x1e: {  	s15 =	simm.s32 $0x1;
	s17 =	sadd.s32 $0x1, s13;
	_ =	strace $0x90000054  }
0x1f: {  	s14 =	sand.u32 $0x80, s30;
	s15 =	simm.s32 @!p2 $0x0;
	_ =	strace $0x80000055  }
0x20: {  	p2 =	por p4, p4;
	p4 =	por p6, p6;
	s20 =	rddreg [dreg:$0x3]  }
0x21: {  	p3 =	seq.s32 s17, s5;
	p6 =	seq.s32 s7, $0x0;
	s31 =	rddreg [dreg:$0x2]  }
0x22: {  	[tilespmem:s22], [sflag:$0x5] =	stream.indirect.gather [hbm4b:s31+s20], $0x80, s14, s20, $0x2000b8;
	[tilespmem:$0x8100] =	vst v63  }
.Ltmp1:
0x23: {  	s18 =	sadd.s32 $0x1, s15;
	s17 =	simm.s32 @p3 $0x0;
	(pc) =	sbr.rel @!p0 .LBB2_4-.Ltmp1, $4  }
0x24: {  	p1 =	por p6, p1;
	p6 =	por $0x0, $0x0;
	_ =	swait.ge [sflag:s10], $0x4000  }
0x25: {  	s15 =	simm.s32 $0x0;
	p3 =	sne.s32 s13, s17;
	[sflag:s10] =	ssyncset.done $0x0  }
0x26: {  	s23 =	simm.s32 @!p6 $0x0;
	p5 =	por !p5, !p3;
	[sflag:s10] =	ssyncadd.s32 $0xFFFFC000  }
0x27: {  	s14 =	simm.s32 $0x0;
	s20 =	simm.s32 $0x0;
	_ =	strace $0x90000055  }
.LBB2_5:
0x28: {  	_ =	strace @p1 $0x80000056;
	s14 =	sadd.s32 s23, s14;
	s23 =	smov.u32 s12  }
0x29: {  	s12 =	smov.u32 s19;
	s19 =	sadd.s32 $0x1, s19;
	p0 =	por p3, p3  }
0x2a: {  	s29 =	sshll.u32 @p1 s24, $0xB;
	s21 =	sadd.s32 @p1 $0x3, s21;
	s25 =	simm.s32 @!p0 $0x0  }
0x2b: {  	s26 =	rddreg [dreg:$0x4];
	s29 =	sand.u32 @p1 $0x1FFFF800, s29;
	s25 =	simm.s32 @p0 $0x1  }
0x2c: {  	s26 =	sadd.s32 @p1 s26, s29;
	s29 =	simm.s32 @p1 $0x0;
	p0 =	sne.s32 s5, s19  }
0x2d: {  	[hbm4b:s26+s29] =	stream.linear.scatter @p1 [tilespmem:s22], [sflag:s21], $0x4000, $0x200038;
	[tilespmem:$0x8100] =	vst v63  }
0x2e: {  	s21 =	sadd.s32 @!p2 $0x3, s16;
	s16 =	simm.s32 @!p0 $0x0  }
0x2f: {  	s28 =	simm.s32 $0x1;
	[smem:$0x7FC] =	sst s25;
	s16 =	simm.s32 @p0 $0x1  }
0x30: {  	s28 =	simm.s32 @!p1 $0x0;
	_ =	strace @p1 $0x90000056;
	[smem:$0x7FD] =	sst s16  }
0x31: {  	s20 =	sadd.s32 s28, s20;
	s25 =	sand.u32 @!p4 $0x1, s14;
	_ =	strace @!p2 $0x80000057  }
0x32: {  	p1 =	por !p5, !p5;
	s16 =	smov.u32 s25;
	_ =	swait.ge @!p2 [sflag:s21], $0x4000  }
0x33: {  	s22 =	sand.u32 @p1 $0x1, s18;
	s25 =	sadd.s32 @p1 s3, s17;
	[sflag:s21] =	ssyncset.done @!p2 $0x0  }
0x34: {  	s26 =	sshll.u32 @p1 s22, $0x7;
	s25 =	sshll.u32 @p1 s25, $0x4;
	[sflag:s21] =	ssyncadd.s32 @!p2 $0xFFFFC000  }
0x35: {  	s21 =	sadd.s32 @p1 $0x1, s22;
	s22 =	sand.u32 @p1 $0x1FFFFFF0, s25;
	_ =	strace @!p2 $0x90000057  }
0x36: {  	s25 =	simm.s32 @p1 $0x0;
	s22 =	sadd.s32 @p1 s4, s22;
	_ =	strace @p1 $0x80000053  }
0x37: {  	[tilespmem:s26], [sflag:s21] =	stream.linear.gather @p1 [hbm4b:s22+s25], $0x80, $0x200038;
	[tilespmem:$0x8100] =	vst v63  }
0x38: {  	s15 =	sadd.s32 s28, s15;
	s28 =	sand.u32 $0x1, s20;
	_ =	strace @p1 $0x90000053  }
0x39: {  	s28 =	sadd.s32 $0x1, s28;
	_ =	strace $0x80000054  }
0x3a: {  	_ =	swait.ge [sflag:s28], $0x80  }
0x3b: {  	[sflag:s28] =	ssyncset.done $0x0  }
0x3c: {  	s21 =	simm.s32 $0x1;
	[sflag:s28] =	ssyncadd.s32 $0xFFFFFF80  }
0x3d: {  	s21 =	simm.s32 @!p1 $0x0;
	_ =	strace $0x90000054  }
0x3e: {  	s18 =	sadd.s32 s21, s18;
	s21 =	sand.u32 $0x1, s15;
	_ =	strace $0x80000055  }
0x3f: {  	s31 =	sshll.u32 s20, $0x7;
	s29 =	sshll.u32 s21, $0xE;
	s25 =	rddreg [dreg:$0x3]  }
0x40: {  	s31 =	sand.u32 $0x80, s31;
	s22 =	sor.u32 $0x100, s29;
	s26 =	rddreg [dreg:$0x2]  }
0x41: {  	[tilespmem:s22], [sflag:$0x5] =	stream.indirect.gather [hbm4b:s26+s25], $0x80, s31, s25, $0x2000b8;
	[tilespmem:$0x8100] =	vst v63  }
0x42: {  	_ =	swait.ge [sflag:s10], $0x4000  }
0x43: {  	[sflag:s10] =	ssyncset.done $0x0  }
0x44: {  	[sflag:s10] =	ssyncadd.s32 $0xFFFFC000  }
0x45: {  	s30 =	sadd.s32 $0x1, s17;
	_ =	strace $0x90000055  }
0x46: {  	s24 =	sadd.s32 s3, s13;
	s13 =	smov.u32 s17;
	s31 =	sld [smem:$0x7FD]  }
0x47: {  	p0 =	sne.s32 s23, $0x0;
	s17 =	smov.u32 s30;
	p1 =	seq.s32 s30, s5  }
0x48: {  	s17 =	simm.s32 @p1 $0x0;
	p1 =	seq.s32 s7, s23;
	s23 =	simm.s32 $0x1  }
0x49: {  	s23 =	simm.s32 @!p0 $0x0;
	p0 =	seq.s32 s31, $0x1  }
.Ltmp2:
0x4a: {  	s30 =	sld [smem:$0x7FC];
	(pc) =	sbr.rel @p0 .LBB2_5-.Ltmp2, $4  }
0x4b: {  	p3 =	seq.s32 s12, $0x0  }
0x4c: {  	p6 =	por p3, p3;
	p5 =	slt.u32 s12, s7  }
0x4d: {  	p2 =	por p4, p4;
	p3 =	sne.s32 s13, s17;
	p4 =	seq.s32 s30, $0x1  }
0x4e: {  	p5 =	por !p5, !p3;
	p1 =	por p1, p4;
	p4 =	por p6, p6  }
0x4f: {  	p6 =	por $0x1, $0x1  }
.LBB2_7:
0x50: {  	p0 =	por !p1, !p6  }
0x51: {  	s25 =	simm.s32 $0x1;
	_ =	strace @!p0 $0x80000056;
	s24 =	sshll.u32 @!p0 s24, $0xB  }
0x52: {  	p2 =	por p2, !p6;
	s19 =	rddreg [dreg:$0x4];
	s24 =	sand.u32 @!p0 $0x1FFFF800, s24  }
0x53: {  	s21 =	sadd.s32 @!p0 $0x3, s21;
	s19 =	sadd.s32 @!p0 s19, s24;
	s24 =	simm.s32 @!p0 $0x0  }
0x54: {  	[hbm4b:s19+s24] =	stream.linear.scatter @!p0 [tilespmem:s22], [sflag:s21], $0x4000, $0x200038;
	[tilespmem:$0x8100] =	vst v63  }
0x55: {  	p1 =	por !p5, !p5;
	s25 =	simm.s32 @p0 $0x0;
	_ =	strace @!p0 $0x90000056  }
0x56: {  	s16 =	sadd.s32 @!p2 $0x3, s16;
	s17 =	sadd.s32 @p1 s3, s17;
	_ =	strace @!p2 $0x80000057  }
0x57: {  	s18 =	sand.u32 @p1 $0x1, s18;
	s17 =	sshll.u32 @p1 s17, $0x4;
	_ =	swait.ge @!p2 [sflag:s16], $0x4000  }
0x58: {  	s17 =	sand.u32 @p1 $0x1FFFFFF0, s17;
	s19 =	sadd.s32 @p6 s25, s20;
	[sflag:s16] =	ssyncset.done @!p2 $0x0  }
0x59: {  	s20 =	simm.s32 $0x0;
	s17 =	sadd.s32 @p1 s4, s17;
	[sflag:s16] =	ssyncadd.s32 @!p2 $0xFFFFC000  }
0x5a: {  	s20 =	smov.u32 @p6 s19;
	s19 =	sshll.u32 @p1 s18, $0x7;
	_ =	strace @!p2 $0x90000057  }
0x5b: {  	s16 =	sadd.s32 @p1 $0x1, s18;
	s18 =	simm.s32 @p1 $0x0;
	_ =	strace @p1 $0x80000053  }
0x5c: {  	[tilespmem:s19], [sflag:s16] =	stream.linear.gather @p1 [hbm4b:s17+s18], $0x80, $0x200038;
	[tilespmem:$0x8100] =	vst v63  }
0x5d: {  	s26 =	sand.u32 $0x1, s20;
	_ =	strace @p1 $0x90000053  }
0x5e: {  	s16 =	sadd.s32 $0x1, s26;
	_ =	strace $0x80000054  }
0x5f: {  	_ =	swait.ge [sflag:s16], $0x80  }
0x60: {  	[sflag:s16] =	ssyncset.done $0x0  }
0x61: {  	s15 =	sadd.s32 @p6 s25, s15;
	[sflag:s16] =	ssyncadd.s32 $0xFFFFFF80;
	s16 =	simm.s32 $0x0  }
0x62: {  	_ =	strace $0x90000054;
	s16 =	smov.u32 @p6 s15  }
0x63: {  	_ =	strace $0x80000055;
	s16 =	sand.u32 $0x1, s16  }
0x64: {  	s30 =	sshll.u32 s20, $0x7;
	s28 =	rddreg [dreg:$0x3];
	s31 =	sshll.u32 s16, $0xE  }
0x65: {  	s18 =	sand.u32 $0x80, s30;
	s29 =	rddreg [dreg:$0x2];
	s19 =	sor.u32 $0x100, s31  }
0x66: {  	[tilespmem:s19], [sflag:$0x5] =	stream.indirect.gather [hbm4b:s29+s28], $0x80, s18, s28, $0x2000b8;
	[tilespmem:$0x8100] =	vst v63  }
0x67: {  	_ =	swait.ge [sflag:s10], $0x4000  }
0x68: {  	p3 =	por p3, p3;
	[sflag:s10] =	ssyncset.done $0x0  }
0x69: {  	p5 =	seq.s32 s7, s12;
	s13 =	sadd.s32 s3, s13;
	[sflag:s10] =	ssyncadd.s32 $0xFFFFC000  }
0x6a: {  	s14 =	sadd.s32 @p6 s23, s14;
	p1 =	por p5, p3;
	_ =	strace $0x90000055  }
0x6b: {  	s17 =	simm.s32 $0x0;
	s13 =	sshll.u32 @p1 s13, $0xB;
	_ =	strace @p1 $0x80000056  }
0x6c: {  	s17 =	smov.u32 @p6 s14;
	s13 =	sand.u32 @p1 $0x1FFFF800, s13;
	s15 =	rddreg [dreg:$0x4]  }
0x6d: {  	s14 =	sadd.s32 @p1 $0x3, s16;
	s13 =	sadd.s32 @p1 s15, s13;
	s15 =	simm.s32 @p1 $0x0  }
0x6e: {  	[hbm4b:s13+s15] =	stream.linear.scatter @p1 [tilespmem:s19], [sflag:s14], $0x4000, $0x200038;
	[tilespmem:$0x8100] =	vst v63  }
0x6f: {  	p0 =	por p4, p4;
	s13 =	sand.u32 @!p4 $0x1, s17;
	_ =	strace @p1 $0x90000056  }
0x70: {  	s13 =	sadd.s32 @!p0 $0x3, s13;
	_ =	strace @!p0 $0x80000057  }
0x71: {  	p1 =	sne.s32 s12, $0x0;
	s12 =	simm.s32 $0x1;
	_ =	swait.ge @!p0 [sflag:s13], $0x4000  }
0x72: {  	s12 =	simm.s32 @!p1 $0x0;
	[sflag:s13] =	ssyncset.done @!p0 $0x0  }
0x73: {  	s11 =	sadd.s32 $0x1, s11;
	s12 =	sadd.s32 s12, s17;
	[sflag:s13] =	ssyncadd.s32 @!p0 $0xFFFFC000  }
0x74: {  	s12 =	sand.u32 $0x1, s12;
	_ =	strace @!p0 $0x90000057;
	p0 =	sne.s32 s11, s8  }
.Ltmp3:
0x75: {  	s12 =	sadd.s32 $0x3, s12;
	_ =	strace $0x80000058;
	(pc) =	sbr.rel @p0 .LBB2_1-.Ltmp3, $4  }
.Ltmp4:
0x76: {  	_ =	swait.ge [sflag:s12], $0x4000;
	(pc) =	sbr.rel @!p0 .LBB2_8-.Ltmp4, $4  }
0x77: {  	[sflag:s12] =	ssyncset.done $0x0  }
0x78: {  	[sflag:s12] =	ssyncadd.s32 $0xFFFFC000  }
0x79: {  	_ =	strace $0x90000058  }
0x7a: {  	_ = 	snop  }
.LBB2_2:
.Ltmp5:
0x7b: {  	(pc) =	sbr.rel .LBB2_7-.Ltmp5, $4  }
0x7c: {  	_ = 	snop  }
0x7d: {  	s14 =	simm.s32 $0x0  }
0x7e: {  	s12 =	simm.s32 $0x0;
	s15 =	simm.s32 $0x0;
	s17 =	smov.u32 s13  }
0x7f: {  	s20 =	simm.s32 $0x0;
	s18 =	simm.s32 $0x1;
	s13 =	simm.s32 $0x0  }
.LBB2_4:
.Ltmp6:
0x80: {  	(pc) =	sbr.rel .LBB2_7-.Ltmp6, $3  }
0x81: {  	_ =	sdelay $0x1  }
0x82: {  	s14 =	simm.s32 $0x0  }
0x83: {  	s15 =	simm.s32 $0x0;
	s20 =	simm.s32 $0x0;
	p6 =	por $0x1, $0x1  }
.LBB2_8:
0x84: {  	_ =	sfence.sel $0x180000  }
0x85: {  	[bflag:$0x0] =	sbarrier.arrive $0xFFFF  }
0x86: {  	p0 =	sne.s32 s1, $0x0;
	_ =	strace $0x90000051  }
0x87: {  	s0 =	sadd.s32 @!p0 $0x100000, s0;
	[bflag:$0x2] =	sbarrier.arrive $0xFFFF  }
0x88: {  	[sflag:s0] =	ssyncadd.tile.s32 @!p0 $0x1;
	_ =	shalt  }
.Lfunc_end2:
_tile_overlayer_lowered:
.L_overlay_start_2:
0x89: {  	(tag) =	ssettag $0x2  }
0x8a: {  	s0 =	rddreg [dreg:$0x0];
	s2 =	stileid.u32  }
0x8b: {  	s1 =	rddreg [dreg:$0x1];
	p0 =	sne.s32 s2, $0x0  }
0x8c: {  	s3 =	rddreg [dreg:$0x2];
	[bflag:$0x3] =	sbarrier.arrive $0xFFFF;
	s2 =	simm.s32 @!p0 $0x1C01  }
0x8d: {  	[timem:s3], [sflag:s2] =	dma.local @!p0 [hbm:s0], s1  }
0x8e: {  	s0 =	simm.s32 @!p0 $0x1  }
0x8f: {  	_ =	swait.ge @!p0 [sflag:s0], s1  }
0x90: {  	s1 =	ssub.s32 @!p0 $0x0, s1;
	[sflag:s0] =	ssyncset.done @!p0 $0x0  }
0x91: {  	[sflag:s0] =	ssyncadd.s32 @!p0 s1  }
0x92: {  	[bflag:$0x3] =	sbarrier.arrive $0xFFFF  }
0x93: {  	_ =	shalt  }

// kernel: kernel.26.cloned.1.call-start
scs
__scs_entry_jumppad:
0x0: {  	(pc) =	sbr.rel $0x88, $3  }
0x1: {  	(tag) =	ssettag $0x0;
	lr =	simm.s32 $0x1  }
0x2: {  	[smem:$0x3F7C] =	sst lr;
	_ =	strace $0xD0000000  }
0x3: {  	_ = 	snop  }
0x4: {  	_ = 	snop  }
0x5: {  	_ = 	snop  }
0x6: {  	_ = 	snop  }
0x7: {  	_ = 	snop  }
__scs_overlays_trampoline_lowered:
0x8: {  	[smem:$0x3F8B] =	sst s0  }
0x9: {  	[smem:$0x3F8C] =	sst s1  }
0xa: {  	[smem:$0x3F8D] =	sst s2  }
0xb: {  	[smem:$0x3F8E] =	sst s3  }
0xc: {  	[smem:$0x3F8F] =	sst s4  }
0xd: {  	[smem:$0x3F90] =	sst s5  }
0xe: {  	[smem:$0x3F91] =	sst s6  }
0xf: {  	[smem:$0x3F92] =	sst s7  }
0x10: {  	[smem:$0x3F93] =	sst s8  }
0x11: {  	[smem:$0x3F94] =	sst s9;
	s0 =	simm.s32 @!p0 $0x0  }
0x12: {  	s1 =	sld [smem:$0x3F7A];
	s0 =	simm.s32 @p0 $0x1  }
0x13: {  	[smem:$0x3F95] =	sst s0;
	s0 =	simm.s32 @!p1 $0x0  }
0x14: {  	s2 =	sld [smem:$0x3F79];
	s0 =	simm.s32 @p1 $0x1  }
0x15: {  	[smem:$0x3F96] =	sst s0;
	s0 =	simm.s32 @!p2 $0x0  }
0x16: {  	s3 =	sld [smem:$0x3FDB];
	s0 =	simm.s32 @p2 $0x1  }
0x17: {  	s4 =	simm.s32 $0x1BF5;
	[smem:$0x3F98] =	sst s0  }
0x18: {  	s0 =	sld [smem:$0x3F7B];
	_ =	swait.ge [sflag:s4], $0x0  }
0x19: {  	s7 =	sld [smem:$0x3F7C]  }
0x1a: {  	s8 =	sadd.s32 $0xFFFFE003, lr  }
0x1b: {  	s9 =	sadd.s32 $0xFFFFFEF7, lr;
	s5 =	simm.s32 $0xFFFFFFFF;
	p2 =	slt.u32 s8, $0xFFFFF086  }
0x1c: {  	p1 =	slt.u32 s9, $0xF7A;
	s5 =	simm.s32 @!p2 $0x0  }
0x1d: {  	s5 =	simm.s32 @p1 $0x1;
	p0 =	seq.s32 s7, s2  }
0x1e: {  	s7 =	smul.u32 @!p0 $0xF7A, s2;
	p2 =	seq.s32 @!p0 s5, $0x0  }
0x1f: {  	s9 =	smul.u32 $0xF7A, s1;
	s8 =	simm.s32 @!p0 $0x1BF5;
	p2 =	por !p2, p0  }
0x20: {  	[sflag:s8] =	ssyncset.s32 @!p0 $0xFFFFF086;
	s6 =	sadd.s32 @!p0 s3, s7;
	s7 =	simm.s32 @!p0 $0x108  }
0x21: {  	s3 =	sadd.s32 s3, s9;
	s6 =	sadd.s32 @!p0 $0x88, s6;
	s7 =	simm.s32 @p2 $0x1082  }
0x22: {  	[simem:s7], [sflag:s8] =	dma.local @!p0 [hbm:s6], $0xF7A  }
0x23: {  	s9 =	sor.u32 $0xD0000000, s2;
	s6 =	simm.s32 $0x108;
	_ =	swait.ge @!p0 [sflag:s8], $0x0  }
0x24: {  	s3 =	sadd.s32 $0x88, s3;
	s6 =	simm.s32 @!p1 $0x1082;
	[sflag:s4] =	ssyncset.s32 $0xFFFFF086  }
0x25: {  	[simem:s6], [sflag:s4] =	dma.local [hbm:s3], $0xF7A  }
0x26: {  	[smem:$0x3F7C] =	sst s1;
	(tag) =	ssettag s2;
	_ =	strace s9  }
0x27: {  	s1 =	sld [smem:$0x3F8C]  }
0x28: {  	s2 =	sld [smem:$0x3F8D]  }
0x29: {  	s4 =	sld [smem:$0x3F8F]  }
0x2a: {  	p0 =	seq.s32 s5, $0x0;
	s5 =	sld [smem:$0x3F90]  }
0x2b: {  	s6 =	sld [smem:$0x3F91]  }
0x2c: {  	s7 =	sld [smem:$0x3F92]  }
0x2d: {  	s3 =	simm.s32 $0x108;
	s8 =	sld [smem:$0x3F93]  }
0x2e: {  	s3 =	simm.s32 @!p0 $0x1082;
	s9 =	sld [smem:$0x3F94]  }
0x2f: {  	lr =	sadd.s32 s0, s3;
	s0 =	sld [smem:$0x3F8B]  }
0x30: {  	s3 =	sld [smem:$0x3F8E]  }
0x31: {  	[smem:$0x3F97] =	sst s10  }
0x32: {  	s10 =	sld [smem:$0x3F95];
	_ =	sdelay $0x3  }
0x33: {  	p0 =	seq.s32 s10, $0x1;
	s10 =	sld [smem:$0x3F97];
	_ =	sdelay $0x3  }
0x34: {  	[smem:$0x3F97] =	sst s10  }
0x35: {  	s10 =	sld [smem:$0x3F96];
	_ =	sdelay $0x3  }
0x36: {  	p1 =	seq.s32 s10, $0x1;
	s10 =	sld [smem:$0x3F97];
	_ =	sdelay $0x3  }
0x37: {  	[smem:$0x3F97] =	sst s10  }
0x38: {  	s10 =	sld [smem:$0x3F98]  }
0x39: {  	_ = 	snop;
	(pc) =	sbr.ind lr, $3  }
0x3a: {  	_ = 	snop  }
0x3b: {  	_ = 	snop  }
0x3c: {  	p2 =	seq.s32 s10, $0x1;
	s10 =	sld [smem:$0x3F97]  }
0x3d: {  	_ =	shalt  }
0x3e: {  	_ =	shalt  }
0x3f: {  	_ =	shalt  }
0x40: {  	_ =	shalt  }
0x41: {  	_ =	shalt  }
0x42: {  	_ =	shalt  }
0x43: {  	_ =	shalt  }
0x44: {  	_ =	shalt  }
0x45: {  	_ =	shalt  }
0x46: {  	_ =	shalt  }
0x47: {  	_ =	shalt  }
0x48: {  	_ =	shalt  }
0x49: {  	_ =	shalt  }
0x4a: {  	_ =	shalt  }
0x4b: {  	_ =	shalt  }
0x4c: {  	_ =	shalt  }
0x4d: {  	_ =	shalt  }
0x4e: {  	_ =	shalt  }
0x4f: {  	_ =	shalt  }
0x50: {  	_ =	shalt  }
0x51: {  	_ =	shalt  }
0x52: {  	_ =	shalt  }
0x53: {  	_ =	shalt  }
0x54: {  	_ =	shalt  }
0x55: {  	_ =	shalt  }
0x56: {  	_ =	shalt  }
0x57: {  	_ =	shalt  }
0x58: {  	_ =	shalt  }
0x59: {  	_ =	shalt  }
0x5a: {  	_ =	shalt  }
0x5b: {  	_ =	shalt  }
0x5c: {  	_ =	shalt  }
0x5d: {  	_ =	shalt  }
0x5e: {  	_ =	shalt  }
0x5f: {  	_ =	shalt  }
0x60: {  	_ =	shalt  }
0x61: {  	_ =	shalt  }
0x62: {  	_ =	shalt  }
0x63: {  	_ =	shalt  }
0x64: {  	_ =	shalt  }
0x65: {  	_ =	shalt  }
0x66: {  	_ =	shalt  }
0x67: {  	_ =	shalt  }
0x68: {  	_ =	shalt  }
0x69: {  	_ =	shalt  }
0x6a: {  	_ =	shalt  }
0x6b: {  	_ =	shalt  }
0x6c: {  	_ =	shalt  }
0x6d: {  	_ =	shalt  }
0x6e: {  	_ =	shalt  }
0x6f: {  	_ =	shalt  }
0x70: {  	_ =	shalt  }
0x71: {  	_ =	shalt  }
0x72: {  	_ =	shalt  }
0x73: {  	_ =	shalt  }
0x74: {  	_ =	shalt  }
0x75: {  	_ =	shalt  }
0x76: {  	_ =	shalt  }
0x77: {  	_ =	shalt  }
0x78: {  	_ =	shalt  }
0x79: {  	_ =	shalt  }
0x7a: {  	_ =	shalt  }
0x7b: {  	_ =	shalt  }
0x7c: {  	_ =	shalt  }
0x7d: {  	_ =	shalt  }
0x7e: {  	_ =	shalt  }
0x7f: {  	_ =	shalt  }
0x80: {  	_ =	shalt  }
0x81: {  	_ =	shalt  }
0x82: {  	_ =	shalt  }
0x83: {  	_ =	shalt  }
0x84: {  	_ =	shalt  }
0x85: {  	_ =	shalt  }
0x86: {  	_ =	shalt  }
0x87: {  	_ =	shalt  }
.Lfunc_end0:
.L_simem_size_0:
called_computation.2_lowered:
.L_overlay_start_0:
0x88: {  	s2 =	sld [smem:$0x3FD9]  }
0x89: {  	s3 =	sld [smem:$0x3FFE];
	_ =	sdelay $0x1  }
0x8a: {  	s1 =	srdreg.scid  }
0x8b: {  	s0 =	sand.u32 $0x1, s1  }
0x8c: {  	s16 =	sshll.u32 s0, $0xA;
	s2 =	sadd.s32 s3, s2  }
0x8d: {  	s2 =	sadd.s32 s2, s16  }
0x8e: {  	[smem:$0x3FA3] =	sst s2  }
0x8f: {  	_ = 	snop  }
0x90: {  	(tm) =	ssettm $0x1  }
0x91: {  	s17 =	sld [smem:$0x3FFB];
	_ =	sdelay $0x3  }
0x92: {  	_ =	strace s17  }
0x93: {  	s2 =	sld [smem:$0x3FFC];
	_ =	sdelay $0x3  }
0x94: {  	_ =	strace s2  }
0x95: {  	s2 =	sld [smem:$0x3FFD];
	_ =	sdelay $0x3  }
0x96: {  	_ =	strace s2  }
0x97: {  	_ =	strace $0x8FFFFFFF  }
0x98: {  	s18 =	sld [smem:$0x3FDB];
	_ =	sdelay $0x1  }
0x99: {  	s19 =	simm.s32 $_scs_section_size  }
0x9a: {  	s4 =	simm.s32 $_size__tile_overlayer_lowered;
	s5 =	simm.s32 $_tile_overlayer_lowered  }
0x9b: {  	s22 =	simm.s32 $0x1BFF;
	s21 =	sshll.u32 s5, $0x1;
	s2 =	sadd.s32 s19, s18  }
0x9c: {  	s6 =	simm.s32 $0x0;
	s20 =	sshll.u32 s4, $0x1;
	s4 =	sadd.s32 s21, s2  }
0x9d: {  	[timem:s6], [sflag:s22] =	dma.local [hbm:s4], s20  }
0x9e: {  	_ =	swait.ge [sflag:s22], s20  }
0x9f: {  	s3 =	ssub.s32 $0x0, s20;
	[sflag:s22] =	ssyncset.done $0x0  }
0xa0: {  	[sflag:s22] =	ssyncadd.s32 s3;
	_ =	sdelay $0x1  }
0xa1: {  	s23 =	simm.s32 $0x1B8B  }
0xa2: {  	_ =	swait.ge [sflag:s23], $0x1  }
0xa3: {  	[sflag:s23] =	ssyncset.done $0x0  }
0xa4: {  	s25 =	simm.s32 $0x1B8E;
	s24 =	sld [smem:$0x3FFE];
	[sflag:s23] =	ssyncadd.s32 $0xFFFFFFFF  }
0xa5: {  	s26 =	simm.s32 $execute0_lowered;
	[smem:$0x3FD2] =	sst s25  }
0xa6: {  	s4 =	sshll.u32 s26, $0x1;
	_ =	strace $0x8000005A;
	[dreg:$0x1] =	wrdreg $0xFFFFFFFF  }
0xa7: {  	s28 =	simm.s32 $_size_execute0_lowered;
	s2 =	sadd.s32 s2, s4;
	[dreg:$0x0] =	wrdreg $0x0  }
0xa8: {  	s4 =	sshll.u32 s28, $0x1;
	[dreg:$0x2] =	wrdreg s2  }
0xa9: {  	[dreg:$0x3] =	wrdreg s4  }
0xaa: {  	[dreg:$0x4] =	wrdreg $0xC0  }
0xab: {  	_ =	task [dreg:s6], $0x5FFFF  }
0xac: {  	[dreg:$0x1] =	wrdreg $0xFFFFFFFF  }
0xad: {  	[dreg:$0x0] =	wrdreg $0x60  }
0xae: {  	[dreg:$0x2] =	wrdreg s24  }
0xaf: {  	[dreg:$0x3] =	wrdreg $0x9  }
0xb0: {  	_ =	task.clear_ibuf [dreg:s6], $0x4FFFF;
	_ =	strace $0x9000005A  }
0xb1: {  	s29 =	simm.s32 $0x9;
	_ =	strace $0x80000063  }
0xb2: {  	_ =	swait.ge [sflag:s29], $0x1  }
0xb3: {  	[sflag:s29] =	ssyncadd.s32 $0xFFFFFFFF  }
0xb4: {  	_ =	strace $0x90000063  }
0xb5: {  	_ =	sfence  }
0xb6: {  	s30 =	sld [smem:$0x0];
	_ =	sdelay $0x2  }
0xb7: {  	s31 =	sshll.u32 s1, $0xD;
	s1 =	sshrl.u32 s1, $0x2  }
0xb8: {  	s3 =	sand.u32 $0x4000, s31;
	s1 =	sadd.s32 s1, s30  }
0xb9: {  	s0 =	sor.u32 s3, s0;
	s1 =	sshll.u32 s1, $0x11  }
0xba: {  	s0 =	sor.u32 s1, s0  }
0xbb: {  	s0 =	sadd.s32 $0x8F2B, s0  }
0xbc: {  	[sflag:s0] =	ssyncadd.remote.s32 $0x1  }
0xbd: {  	_ =	sfence.sel $0xFFFF  }
0xbe: {  	[dreg:$0x0] =	wrdreg $0xFFFFFFFF;
	(pc) =	sbr.abs _section_cstart, $3  }
0xbf: {  	[dreg:$0x1] =	wrdreg $0xFFFFFFFF  }
0xc0: {  	_ =	task.clear_ibuf [dreg:s6], $0x2FFFF;
	_ =	strace $0x9FFFFFFF  }
0xc1: {  	(tm) =	ssettm $0x7FFFFFFF  }
tec
execute0_lowered:
.L_overlay_start_1:
0x0: {  	(tag) =	ssettag $0x1  }
0x1: {  	s4 =	rddreg [dreg:$0x0];
	s1 =	srdreg.scid  }
0x2: {  	s0 =	rddreg [dreg:$0x1];
	s2 =	simm.s32 $0x0;
	s9 =	simm.s32 $0x1  }
0x3: {  	s10 =	simm.s32 $0x80;
	s11 =	simm.s32 $0x0;
	s5 =	sand.u32 $0x1, s1  }
0x4: {  	[smem:$0x7FF] =	sst s2;
	s1 =	stileid.u32;
	s3 =	sshll.u32 s5, $0x4  }
0x5: {  	s6 =	sadd.s32 $0x21E3400, s4;
	s8 =	sadd.s32 $0x3D5A800, s4;
	s3 =	sor.u32 s1, s3  }
0x6: {  	_ =	strace $0x8000005B;
	[dreg:$0x2] =	wrdreg s6;
	s7 =	smul.u32 $0x249, s3  }
0x7: {  	s4 =	sadd.s32 $0x8400, s4;
	[dreg:$0x4] =	wrdreg s8;
	s6 =	smul.u32 $0x24A, s3  }
0x8: {  	s29 =	ssub.s32 $0x2, s5;
	p0 =	slt.u32 s3, $0x1E;
	s3 =	sadd.s32 $0x1E, s7  }
0x9: {  	s5 =	simm.s32 $0x24A;
	[dreg:$0x3] =	wrdreg s10;
	s3 =	smov.u32 @p0 s6  }
0xa: {  	s10 =	simm.s32 $0x5;
	s31 =	sshrl.u32 s29, $0x1;
	s30 =	sshll.u32 s3, $0x4  }
0xb: {  	s8 =	ssub.s32 s29, s31;
	s5 =	simm.s32 @!p0 $0x249;
	s7 =	sand.u32 $0x1FFFFFF0, s30  }
0xc: {  	s8 =	smax.u32 s8, $0x1;
	s6 =	sadd.s32 s4, s7;
	s7 =	sadd.s32 $0xFFFFFFFF, s5  }
.LBB2_1:
0xd: {  	_ =	strace $0x8000005C;
	p2 =	sne.s32 s5, $0x1  }
.Ltmp0:
0xe: {  	p0 =	seq.s32 s5, $0x1;
	s13 =	simm.s32 $0x1;
	(pc) =	sbr.rel @!p2 .LBB2_2-.Ltmp0, $4  }
0xf: {  	[tilespmem:s2], [sflag:$0x1] =	stream.linear.gather [hbm4b:s6+s2], $0x80, $0x200038;
	[tilespmem:$0x8100] =	vst v63  }
0x10: {  	s12 =	simm.s32 $0x1;
	p1 =	por $0x1, $0x1;
	s13 =	simm.s32 @p0 $0x0  }
0x11: {  	p6 =	sgt.u32 s7, $0x0;
	p4 =	por p1, p1;
	p3 =	sne.s32 s13, $0x0  }
0x12: {  	_ =	strace $0x9000005C;
	p5 =	por !p6, !p3;
	p6 =	por $0x0, $0x0  }
0x13: {  	p2 =	por !p5, !p5  }
0x14: {  	s21 =	sand.u32 $0x1, s2;
	s19 =	simm.s32 $0x2;
	s14 =	sadd.s32 @p2 s3, s13  }
0x15: {  	p1 =	por p3, p3;
	s15 =	sand.u32 @p2 $0x1, s9;
	s14 =	sshll.u32 @p2 s14, $0x4  }
0x16: {  	_ =	strace @p2 $0x8000005D;
	s17 =	simm.s32 @p2 $0x0;
	s14 =	sand.u32 @p2 $0x1FFFFFF0, s14  }
0x17: {  	s16 =	sshll.u32 @p2 s15, $0x7;
	s15 =	sadd.s32 @p2 $0x1, s15;
	s14 =	sadd.s32 @p2 s4, s14  }
0x18: {  	[tilespmem:s16], [sflag:s15] =	stream.linear.gather @p2 [hbm4b:s14+s17], $0x80, $0x200038;
	[tilespmem:$0x8100] =	vst v63  }
0x19: {  	s30 =	simm.s32 $0x0;
	p6 =	por $0x0, $0x0;
	_ =	strace @p2 $0x9000005D  }
0x1a: {  	p0 =	sne.s32 s5, $0x2;
	s29 =	sadd.s32 $0x1, s21;
	_ =	strace $0x8000005E  }
0x1b: {  	s24 =	sadd.s32 $0x0, s3;
	p5 =	sgt.u32 s7, $0x1;
	_ =	swait.ge [sflag:s29], $0x80  }
0x1c: {  	s23 =	simm.s32 $0x1;
	s22 =	sshll.u32 s21, $0xE;
	[sflag:s29] =	ssyncset.done $0x0  }
0x1d: {  	s22 =	sor.u32 $0x100, s22;
	s16 =	sand.u32 @!p4 $0x1, s2;
	[sflag:s29] =	ssyncadd.s32 $0xFFFFFF80  }
0x1e: {  	s15 =	simm.s32 $0x1;
	s17 =	sadd.s32 $0x1, s13;
	_ =	strace $0x9000005E  }
0x1f: {  	s14 =	sand.u32 $0x80, s30;
	s15 =	simm.s32 @!p2 $0x0;
	_ =	strace $0x8000005F  }
0x20: {  	p2 =	por p4, p4;
	p4 =	por p6, p6;
	s20 =	rddreg [dreg:$0x3]  }
0x21: {  	p3 =	seq.s32 s17, s5;
	p6 =	seq.s32 s7, $0x0;
	s31 =	rddreg [dreg:$0x2]  }
0x22: {  	[tilespmem:s22], [sflag:$0x5] =	stream.indirect.gather [hbm4b:s31+s20], $0x80, s14, s20, $0x2000b8;
	[tilespmem:$0x8100] =	vst v63  }
.Ltmp1:
0x23: {  	s18 =	sadd.s32 $0x1, s15;
	s17 =	simm.s32 @p3 $0x0;
	(pc) =	sbr.rel @!p0 .LBB2_4-.Ltmp1, $4  }
0x24: {  	p1 =	por p6, p1;
	p6 =	por $0x0, $0x0;
	_ =	swait.ge [sflag:s10], $0x4000  }
0x25: {  	s15 =	simm.s32 $0x0;
	p3 =	sne.s32 s13, s17;
	[sflag:s10] =	ssyncset.done $0x0  }
0x26: {  	s23 =	simm.s32 @!p6 $0x0;
	p5 =	por !p5, !p3;
	[sflag:s10] =	ssyncadd.s32 $0xFFFFC000  }
0x27: {  	s14 =	simm.s32 $0x0;
	s20 =	simm.s32 $0x0;
	_ =	strace $0x9000005F  }
.LBB2_5:
0x28: {  	_ =	strace @p1 $0x80000060;
	s14 =	sadd.s32 s23, s14;
	s23 =	smov.u32 s12  }
0x29: {  	s12 =	smov.u32 s19;
	s19 =	sadd.s32 $0x1, s19;
	p0 =	por p3, p3  }
0x2a: {  	s29 =	sshll.u32 @p1 s24, $0xB;
	s21 =	sadd.s32 @p1 $0x3, s21;
	s25 =	simm.s32 @!p0 $0x0  }
0x2b: {  	s26 =	rddreg [dreg:$0x4];
	s29 =	sand.u32 @p1 $0x1FFFF800, s29;
	s25 =	simm.s32 @p0 $0x1  }
0x2c: {  	s26 =	sadd.s32 @p1 s26, s29;
	s29 =	simm.s32 @p1 $0x0;
	p0 =	sne.s32 s5, s19  }
0x2d: {  	[hbm4b:s26+s29] =	stream.linear.scatter @p1 [tilespmem:s22], [sflag:s21], $0x4000, $0x200038;
	[tilespmem:$0x8100] =	vst v63  }
0x2e: {  	s21 =	sadd.s32 @!p2 $0x3, s16;
	s16 =	simm.s32 @!p0 $0x0  }
0x2f: {  	s28 =	simm.s32 $0x1;
	[smem:$0x7FC] =	sst s25;
	s16 =	simm.s32 @p0 $0x1  }
0x30: {  	s28 =	simm.s32 @!p1 $0x0;
	_ =	strace @p1 $0x90000060;
	[smem:$0x7FD] =	sst s16  }
0x31: {  	s20 =	sadd.s32 s28, s20;
	s25 =	sand.u32 @!p4 $0x1, s14;
	_ =	strace @!p2 $0x80000061  }
0x32: {  	p1 =	por !p5, !p5;
	s16 =	smov.u32 s25;
	_ =	swait.ge @!p2 [sflag:s21], $0x4000  }
0x33: {  	s22 =	sand.u32 @p1 $0x1, s18;
	s25 =	sadd.s32 @p1 s3, s17;
	[sflag:s21] =	ssyncset.done @!p2 $0x0  }
0x34: {  	s26 =	sshll.u32 @p1 s22, $0x7;
	s25 =	sshll.u32 @p1 s25, $0x4;
	[sflag:s21] =	ssyncadd.s32 @!p2 $0xFFFFC000  }
0x35: {  	s21 =	sadd.s32 @p1 $0x1, s22;
	s22 =	sand.u32 @p1 $0x1FFFFFF0, s25;
	_ =	strace @!p2 $0x90000061  }
0x36: {  	s25 =	simm.s32 @p1 $0x0;
	s22 =	sadd.s32 @p1 s4, s22;
	_ =	strace @p1 $0x8000005D  }
0x37: {  	[tilespmem:s26], [sflag:s21] =	stream.linear.gather @p1 [hbm4b:s22+s25], $0x80, $0x200038;
	[tilespmem:$0x8100] =	vst v63  }
0x38: {  	s15 =	sadd.s32 s28, s15;
	s28 =	sand.u32 $0x1, s20;
	_ =	strace @p1 $0x9000005D  }
0x39: {  	s28 =	sadd.s32 $0x1, s28;
	_ =	strace $0x8000005E  }
0x3a: {  	_ =	swait.ge [sflag:s28], $0x80  }
0x3b: {  	[sflag:s28] =	ssyncset.done $0x0  }
0x3c: {  	s21 =	simm.s32 $0x1;
	[sflag:s28] =	ssyncadd.s32 $0xFFFFFF80  }
0x3d: {  	s21 =	simm.s32 @!p1 $0x0;
	_ =	strace $0x9000005E  }
0x3e: {  	s18 =	sadd.s32 s21, s18;
	s21 =	sand.u32 $0x1, s15;
	_ =	strace $0x8000005F  }
0x3f: {  	s31 =	sshll.u32 s20, $0x7;
	s29 =	sshll.u32 s21, $0xE;
	s25 =	rddreg [dreg:$0x3]  }
0x40: {  	s31 =	sand.u32 $0x80, s31;
	s22 =	sor.u32 $0x100, s29;
	s26 =	rddreg [dreg:$0x2]  }
0x41: {  	[tilespmem:s22], [sflag:$0x5] =	stream.indirect.gather [hbm4b:s26+s25], $0x80, s31, s25, $0x2000b8;
	[tilespmem:$0x8100] =	vst v63  }
0x42: {  	_ =	swait.ge [sflag:s10], $0x4000  }
0x43: {  	[sflag:s10] =	ssyncset.done $0x0  }
0x44: {  	[sflag:s10] =	ssyncadd.s32 $0xFFFFC000  }
0x45: {  	s30 =	sadd.s32 $0x1, s17;
	_ =	strace $0x9000005F  }
0x46: {  	s24 =	sadd.s32 s3, s13;
	s13 =	smov.u32 s17;
	s31 =	sld [smem:$0x7FD]  }
0x47: {  	p0 =	sne.s32 s23, $0x0;
	s17 =	smov.u32 s30;
	p1 =	seq.s32 s30, s5  }
0x48: {  	s17 =	simm.s32 @p1 $0x0;
	p1 =	seq.s32 s7, s23;
	s23 =	simm.s32 $0x1  }
0x49: {  	s23 =	simm.s32 @!p0 $0x0;
	p0 =	seq.s32 s31, $0x1  }
.Ltmp2:
0x4a: {  	s30 =	sld [smem:$0x7FC];
	(pc) =	sbr.rel @p0 .LBB2_5-.Ltmp2, $4  }
0x4b: {  	p3 =	seq.s32 s12, $0x0  }
0x4c: {  	p6 =	por p3, p3;
	p5 =	slt.u32 s12, s7  }
0x4d: {  	p2 =	por p4, p4;
	p3 =	sne.s32 s13, s17;
	p4 =	seq.s32 s30, $0x1  }
0x4e: {  	p5 =	por !p5, !p3;
	p1 =	por p1, p4;
	p4 =	por p6, p6  }
0x4f: {  	p6 =	por $0x1, $0x1  }
.LBB2_7:
0x50: {  	p0 =	por !p1, !p6  }
0x51: {  	s25 =	simm.s32 $0x1;
	_ =	strace @!p0 $0x80000060;
	s24 =	sshll.u32 @!p0 s24, $0xB  }
0x52: {  	p2 =	por p2, !p6;
	s19 =	rddreg [dreg:$0x4];
	s24 =	sand.u32 @!p0 $0x1FFFF800, s24  }
0x53: {  	s21 =	sadd.s32 @!p0 $0x3, s21;
	s19 =	sadd.s32 @!p0 s19, s24;
	s24 =	simm.s32 @!p0 $0x0  }
0x54: {  	[hbm4b:s19+s24] =	stream.linear.scatter @!p0 [tilespmem:s22], [sflag:s21], $0x4000, $0x200038;
	[tilespmem:$0x8100] =	vst v63  }
0x55: {  	p1 =	por !p5, !p5;
	s25 =	simm.s32 @p0 $0x0;
	_ =	strace @!p0 $0x90000060  }
0x56: {  	s16 =	sadd.s32 @!p2 $0x3, s16;
	s17 =	sadd.s32 @p1 s3, s17;
	_ =	strace @!p2 $0x80000061  }
0x57: {  	s18 =	sand.u32 @p1 $0x1, s18;
	s17 =	sshll.u32 @p1 s17, $0x4;
	_ =	swait.ge @!p2 [sflag:s16], $0x4000  }
0x58: {  	s17 =	sand.u32 @p1 $0x1FFFFFF0, s17;
	s19 =	sadd.s32 @p6 s25, s20;
	[sflag:s16] =	ssyncset.done @!p2 $0x0  }
0x59: {  	s20 =	simm.s32 $0x0;
	s17 =	sadd.s32 @p1 s4, s17;
	[sflag:s16] =	ssyncadd.s32 @!p2 $0xFFFFC000  }
0x5a: {  	s20 =	smov.u32 @p6 s19;
	s19 =	sshll.u32 @p1 s18, $0x7;
	_ =	strace @!p2 $0x90000061  }
0x5b: {  	s16 =	sadd.s32 @p1 $0x1, s18;
	s18 =	simm.s32 @p1 $0x0;
	_ =	strace @p1 $0x8000005D  }
0x5c: {  	[tilespmem:s19], [sflag:s16] =	stream.linear.gather @p1 [hbm4b:s17+s18], $0x80, $0x200038;
	[tilespmem:$0x8100] =	vst v63  }
0x5d: {  	s26 =	sand.u32 $0x1, s20;
	_ =	strace @p1 $0x9000005D  }
0x5e: {  	s16 =	sadd.s32 $0x1, s26;
	_ =	strace $0x8000005E  }
0x5f: {  	_ =	swait.ge [sflag:s16], $0x80  }
0x60: {  	[sflag:s16] =	ssyncset.done $0x0  }
0x61: {  	s15 =	sadd.s32 @p6 s25, s15;
	[sflag:s16] =	ssyncadd.s32 $0xFFFFFF80;
	s16 =	simm.s32 $0x0  }
0x62: {  	_ =	strace $0x9000005E;
	s16 =	smov.u32 @p6 s15  }
0x63: {  	_ =	strace $0x8000005F;
	s16 =	sand.u32 $0x1, s16  }
0x64: {  	s30 =	sshll.u32 s20, $0x7;
	s28 =	rddreg [dreg:$0x3];
	s31 =	sshll.u32 s16, $0xE  }
0x65: {  	s18 =	sand.u32 $0x80, s30;
	s29 =	rddreg [dreg:$0x2];
	s19 =	sor.u32 $0x100, s31  }
0x66: {  	[tilespmem:s19], [sflag:$0x5] =	stream.indirect.gather [hbm4b:s29+s28], $0x80, s18, s28, $0x2000b8;
	[tilespmem:$0x8100] =	vst v63  }
0x67: {  	_ =	swait.ge [sflag:s10], $0x4000  }
0x68: {  	p3 =	por p3, p3;
	[sflag:s10] =	ssyncset.done $0x0  }
0x69: {  	p5 =	seq.s32 s7, s12;
	s13 =	sadd.s32 s3, s13;
	[sflag:s10] =	ssyncadd.s32 $0xFFFFC000  }
0x6a: {  	s14 =	sadd.s32 @p6 s23, s14;
	p1 =	por p5, p3;
	_ =	strace $0x9000005F  }
0x6b: {  	s17 =	simm.s32 $0x0;
	s13 =	sshll.u32 @p1 s13, $0xB;
	_ =	strace @p1 $0x80000060  }
0x6c: {  	s17 =	smov.u32 @p6 s14;
	s13 =	sand.u32 @p1 $0x1FFFF800, s13;
	s15 =	rddreg [dreg:$0x4]  }
0x6d: {  	s14 =	sadd.s32 @p1 $0x3, s16;
	s13 =	sadd.s32 @p1 s15, s13;
	s15 =	simm.s32 @p1 $0x0  }
0x6e: {  	[hbm4b:s13+s15] =	stream.linear.scatter @p1 [tilespmem:s19], [sflag:s14], $0x4000, $0x200038;
	[tilespmem:$0x8100] =	vst v63  }
0x6f: {  	p0 =	por p4, p4;
	s13 =	sand.u32 @!p4 $0x1, s17;
	_ =	strace @p1 $0x90000060  }
0x70: {  	s13 =	sadd.s32 @!p0 $0x3, s13;
	_ =	strace @!p0 $0x80000061  }
0x71: {  	p1 =	sne.s32 s12, $0x0;
	s12 =	simm.s32 $0x1;
	_ =	swait.ge @!p0 [sflag:s13], $0x4000  }
0x72: {  	s12 =	simm.s32 @!p1 $0x0;
	[sflag:s13] =	ssyncset.done @!p0 $0x0  }
0x73: {  	s11 =	sadd.s32 $0x1, s11;
	s12 =	sadd.s32 s12, s17;
	[sflag:s13] =	ssyncadd.s32 @!p0 $0xFFFFC000  }
0x74: {  	s12 =	sand.u32 $0x1, s12;
	_ =	strace @!p0 $0x90000061;
	p0 =	sne.s32 s11, s8  }
.Ltmp3:
0x75: {  	s12 =	sadd.s32 $0x3, s12;
	_ =	strace $0x80000062;
	(pc) =	sbr.rel @p0 .LBB2_1-.Ltmp3, $4  }
.Ltmp4:
0x76: {  	_ =	swait.ge [sflag:s12], $0x4000;
	(pc) =	sbr.rel @!p0 .LBB2_8-.Ltmp4, $4  }
0x77: {  	[sflag:s12] =	ssyncset.done $0x0  }
0x78: {  	[sflag:s12] =	ssyncadd.s32 $0xFFFFC000  }
0x79: {  	_ =	strace $0x90000062  }
0x7a: {  	_ = 	snop  }
.LBB2_2:
.Ltmp5:
0x7b: {  	(pc) =	sbr.rel .LBB2_7-.Ltmp5, $4  }
0x7c: {  	_ = 	snop  }
0x7d: {  	s14 =	simm.s32 $0x0  }
0x7e: {  	s12 =	simm.s32 $0x0;
	s15 =	simm.s32 $0x0;
	s17 =	smov.u32 s13  }
0x7f: {  	s20 =	simm.s32 $0x0;
	s18 =	simm.s32 $0x1;
	s13 =	simm.s32 $0x0  }
.LBB2_4:
.Ltmp6:
0x80: {  	(pc) =	sbr.rel .LBB2_7-.Ltmp6, $3  }
0x81: {  	_ =	sdelay $0x1  }
0x82: {  	s14 =	simm.s32 $0x0  }
0x83: {  	s15 =	simm.s32 $0x0;
	s20 =	simm.s32 $0x0;
	p6 =	por $0x1, $0x1  }
.LBB2_8:
0x84: {  	_ =	sfence.sel $0x180000  }
0x85: {  	[bflag:$0x0] =	sbarrier.arrive $0xFFFF  }
0x86: {  	p0 =	sne.s32 s1, $0x0;
	_ =	strace $0x9000005B  }
0x87: {  	s0 =	sadd.s32 @!p0 $0x100000, s0;
	[bflag:$0x2] =	sbarrier.arrive $0xFFFF  }
0x88: {  	[sflag:s0] =	ssyncadd.tile.s32 @!p0 $0x1;
	_ =	shalt  }
.Lfunc_end2:
_tile_overlayer_lowered:
.L_overlay_start_2:
0x89: {  	(tag) =	ssettag $0x2  }
0x8a: {  	s0 =	rddreg [dreg:$0x0];
	s2 =	stileid.u32  }
0x8b: {  	s1 =	rddreg [dreg:$0x1];
	p0 =	sne.s32 s2, $0x0  }
0x8c: {  	s3 =	rddreg [dreg:$0x2];
	[bflag:$0x3] =	sbarrier.arrive $0xFFFF;
	s2 =	simm.s32 @!p0 $0x1C01  }
0x8d: {  	[timem:s3], [sflag:s2] =	dma.local @!p0 [hbm:s0], s1  }
0x8e: {  	s0 =	simm.s32 @!p0 $0x1  }
0x8f: {  	_ =	swait.ge @!p0 [sflag:s0], s1  }
0x90: {  	s1 =	ssub.s32 @!p0 $0x0, s1;
	[sflag:s0] =	ssyncset.done @!p0 $0x0  }
0x91: {  	[sflag:s0] =	ssyncadd.s32 @!p0 s1  }
0x92: {  	[bflag:$0x3] =	sbarrier.arrive $0xFFFF  }
0x93: {  	_ =	shalt  }

</sc_bundles>
